<compile_context>
chip_gen: v7x
topology: tpu7x:2x2x1
jax: 0.10.2.dev20260603
libtpu: 0.0.44.dev20260713+nightly
codegen_flags: <defaults>
</compile_context>

<pallas_src>
import functools

import jax
import jax.numpy as jnp
from jax import lax
from jax.experimental import pallas as pl
from jax.experimental.pallas import tpu as pltpu
from jax.experimental.pallas import tpu_sc as plsc

N = 10000
D = 128
E = 320000

NC = 2
NS = 16
DH = D // NC
C = 128

EPW = 20480
E_PAD = EPW * NS
NCHUNK = EPW // C
NBUF = 4
ROWS = 10240
ROWS_PER_SUB = ROWS // NS
ZROWS = 128

_mesh = plsc.VectorSubcoreMesh(
    core_axis_name="c", subcore_axis_name="s", num_cores=NC, num_subcores=NS
)


@functools.partial(
    pl.kernel,
    out_type=jax.ShapeDtypeStruct((NC, ROWS, DH), jnp.float32),
    mesh=_mesh,
    scratch_types=[
        pltpu.VMEM((NCHUNK, C), jnp.int32),
        pltpu.VMEM((NCHUNK, C), jnp.int32),
        pltpu.VMEM((NBUF, C, DH), jnp.float32),
        pltpu.VMEM((ZROWS, DH), jnp.float32),
        pltpu.VMEM_SHARED((ROWS, DH), jnp.float32),
        pltpu.SemaphoreType.DMA,
        pltpu.SemaphoreType.DMA,
        pltpu.SemaphoreType.DMA,
        pltpu.SemaphoreType.DMA,
        pltpu.SemaphoreType.DMA,
        pltpu.SemaphoreType.DMA,
    ],
    compiler_params=pltpu.CompilerParams(use_tc_tiling_on_sc=False),
)
def _sc_aggregate(h_hbm, src_hbm, dst_hbm, out_hbm,
                  idxs_v, idxd_v, rows_v, zero_v, acc_sh,
                  sem0, sem1, sem2, sem3, isem_s, isem_d):
    sems = (sem0, sem1, sem2, sem3)
    ci = lax.axis_index("c")
    si = lax.axis_index("s")
    h_half = h_hbm.at[ci]
    sb0 = si * NCHUNK

    idx_s_cp = pltpu.make_async_copy(
        src_hbm.at[pl.ds(sb0, NCHUNK)], idxs_v, isem_s)
    idx_d_cp = pltpu.make_async_copy(
        dst_hbm.at[pl.ds(sb0, NCHUNK)], idxd_v, isem_d)
    idx_s_cp.start()
    idx_d_cp.start()

    zeros16 = jnp.zeros((16,), jnp.float32)

    @pl.loop(0, ZROWS)
    def _(i):
        @pl.loop(0, DH // 16)
        def _(j):
            zero_v[i, pl.ds(j * 16, 16)] = zeros16

    row0 = si * ROWS_PER_SUB

    @pl.loop(0, ROWS_PER_SUB // ZROWS)
    def _(k):
        pltpu.sync_copy(zero_v, acc_sh.at[pl.ds(row0 + k * ZROWS, ZROWS)])

    plsc.subcore_barrier()
    idx_s_cp.wait()
    idx_d_cp.wait()

    def start_gather(b, t):
        pltpu.async_copy(h_half.at[idxs_v.at[t]], rows_v.at[b], sems[b])

    def finish_chunk(b, t):
        pltpu.make_async_copy(
            h_half.at[idxs_v.at[t]], rows_v.at[b], sems[b]).wait()
        pltpu.sync_copy(rows_v.at[b], acc_sh.at[idxd_v.at[t]], add=True)

    for b in range(NBUF - 1):
        start_gather(b, b)

    @pl.loop(0, NCHUNK // NBUF)
    def _(g):
        t = g * NBUF
        for k in range(NBUF):
            f = t + k + NBUF - 1

            @pl.when(f < NCHUNK)
            def _():
                start_gather((k + NBUF - 1) % NBUF, f)

            finish_chunk(k, t + k)

    plsc.subcore_barrier()
    pltpu.sync_copy(acc_sh.at[pl.ds(row0, ROWS_PER_SUB)],
                    out_hbm.at[ci].at[pl.ds(row0, ROWS_PER_SUB)])


_BLK = 1024


def _dense_body(act, p_ref, w_ref, b_ref, o_ref):
    y = jnp.concatenate([p_ref[0], p_ref[1]], axis=1)
    y = lax.dot_general(y, w_ref[...], (((1,), (0,)), ((), ())),
                        precision=lax.Precision.HIGHEST,
                        preferred_element_type=jnp.float32)
    y = y + b_ref[...]
    if act == "relu":
        y = jnp.maximum(y, 0.0)
        o_ref[0], o_ref[1] = y[:, :DH], y[:, DH:]
    else:
        m = jnp.max(y, axis=-1, keepdims=True)
        s = jnp.sum(jnp.exp(y - m), axis=-1, keepdims=True)
        o_ref[...] = y - (m + jnp.log(s))


def _dense_relu(p, w, b):
    return pl.pallas_call(
        functools.partial(_dense_body, "relu"),
        grid=(ROWS // _BLK,),
        in_specs=[
            pl.BlockSpec((NC, _BLK, DH), lambda i: (0, i, 0)),
            pl.BlockSpec((D, D), lambda i: (0, 0)),
            pl.BlockSpec((1, D), lambda i: (0, 0)),
        ],
        out_specs=pl.BlockSpec((NC, _BLK, DH), lambda i: (0, i, 0)),
        out_shape=jax.ShapeDtypeStruct((NC, ROWS, DH), jnp.float32),
    )(p, w, b.reshape(1, D))


_FBLK = 1000


def _dense_logsoftmax(p, w, b):
    return pl.pallas_call(
        functools.partial(_dense_body, "logsoftmax"),
        grid=(N // _FBLK,),
        in_specs=[
            pl.BlockSpec((NC, _FBLK, DH), lambda i: (0, i, 0)),
            pl.BlockSpec((D, D), lambda i: (0, 0)),
            pl.BlockSpec((1, D), lambda i: (0, 0)),
        ],
        out_specs=pl.BlockSpec((_FBLK, D), lambda i: (i, 0)),
        out_shape=jax.ShapeDtypeStruct((N, D), jnp.float32),
    )(p, w, b.reshape(1, D))


def kernel(x, edge_index, W1, b1, W2, b2, W3, b3):
    src = edge_index[0].astype(jnp.int32)
    dst = edge_index[1].astype(jnp.int32)
    pad = E_PAD - E
    src = jnp.concatenate([src, jnp.zeros((pad,), jnp.int32)]).reshape(E_PAD // C, C)
    dst = jnp.concatenate([dst, jnp.full((pad,), N, jnp.int32)]).reshape(E_PAD // C, C)

    xp = jnp.pad(x, ((0, ROWS - N), (0, 0)))
    xs = xp.reshape(ROWS, NC, DH).transpose(1, 0, 2)

    p = _sc_aggregate(xs, src, dst)
    h = _dense_relu(p, W1, b1)
    p = _sc_aggregate(h, src, dst)
    h = _dense_relu(p, W2, b2)
    p = _sc_aggregate(h, src, dst)
    return _dense_logsoftmax(p, W3, b3)

# --- scband reference (transcript-rebuilt; emitter-appended) ---
"""Pipeline reference for scband-gcn-32160715112815 (READ-ONLY COPY).

The authoritative reference and input builder live on the scoring server;
editing this copy changes nothing except your own understanding.
"""

import jax, jax.numpy as jnp
import numpy as np

N_NODES = 10000
N_EDGES = 320000
D_IN = 128
D_HID = 128
D_OUT = 128


def setup_inputs(seed: int = 0) -> dict:
    key = jax.random.key(seed)
    ks = jax.random.split(key, 9)
    x = jax.random.normal(ks[0], (N_NODES, D_IN), dtype=jnp.float32)
    edge_index = jax.random.randint(ks[1], (2, N_EDGES), 0, N_NODES, dtype=jnp.int64)
    s1 = 1.0 / np.sqrt(D_IN)
    s2 = 1.0 / np.sqrt(D_HID)
    W1 = jax.random.uniform(ks[2], (D_IN, D_HID), dtype=jnp.float32, minval=-s1, maxval=s1)
    b1 = jnp.zeros((D_HID,), dtype=jnp.float32)
    W2 = jax.random.uniform(ks[3], (D_HID, D_HID), dtype=jnp.float32, minval=-s2, maxval=s2)
    b2 = jnp.zeros((D_HID,), dtype=jnp.float32)
    W3 = jax.random.uniform(ks[4], (D_HID, D_OUT), dtype=jnp.float32, minval=-s2, maxval=s2)
    b3 = jnp.zeros((D_OUT,), dtype=jnp.float32)
    return {"x": x, "edge_index": edge_index, "W1": W1, "b1": b1, "W2": W2, "b2": b2, "W3": W3, "b3": b3}


def _gcn_conv(x, edge_index, W, b):
    # GCNConv with normalize=False, no edge weights:
    # h = x @ W ; out[i] = sum_{(j->i) in E} h[j] ; out += bias
    h = x @ W
    src = edge_index[0]
    dst = edge_index[1]
    msg = jnp.take(h, src, axis=0)
    agg = jax.ops.segment_sum(msg, dst, num_segments=x.shape[0])
    return agg + b


def reference(x, edge_index, W1, b1, W2, b2, W3, b3):
    # eval mode: dropout is identity
    h = _gcn_conv(x, edge_index, W1, b1)
    h = jax.nn.relu(h)
    h = _gcn_conv(h, edge_index, W2, b2)
    h = jax.nn.relu(h)
    h = _gcn_conv(h, edge_index, W3, b3)
    return jax.nn.log_softmax(h, axis=-1)

if __name__ == "__main__":
    import jax
    _d = setup_inputs()
    print(jax.jit(kernel)(*tuple(_d.values())))

</pallas_src>

<mosaic_0001>
#map = affine_map<(d0, d1) -> (0, 0, 0)>
#map1 = affine_map<(d0, d1) -> (0, 0)>
module attributes {stable_mosaic.version = 14 : i64} {
  func.func @_sc_aggregate(%arg0: i32, %arg1: i32, %arg2: memref<2x10240x64xf32, #tpu.memory_space<hbm>>, %arg3: memref<2560x128xi32, #tpu.memory_space<hbm>>, %arg4: memref<2560x128xi32, #tpu.memory_space<hbm>>, %arg5: memref<2x10240x64xf32, #tpu.memory_space<hbm>>, %arg6: memref<160x128xi32, #tpu.memory_space<vmem>>, %arg7: memref<160x128xi32, #tpu.memory_space<vmem>>, %arg8: memref<4x128x64xf32, #tpu.memory_space<vmem>>, %arg9: memref<128x64xf32, #tpu.memory_space<vmem>>, %arg10: memref<10240x64xf32, #tpu.memory_space<vmem_shared>>, %arg11: memref<!tpu.dma_semaphore, #tpu.memory_space<semaphore_mem>>, %arg12: memref<!tpu.dma_semaphore, #tpu.memory_space<semaphore_mem>>, %arg13: memref<!tpu.dma_semaphore, #tpu.memory_space<semaphore_mem>>, %arg14: memref<!tpu.dma_semaphore, #tpu.memory_space<semaphore_mem>>, %arg15: memref<!tpu.dma_semaphore, #tpu.memory_space<semaphore_mem>>, %arg16: memref<!tpu.dma_semaphore, #tpu.memory_space<semaphore_mem>>) attributes {dimension_semantics = [#tpu.dimension_semantics<core_parallel>, #tpu.dimension_semantics<subcore_parallel>], iteration_bounds = array<i64: 2, 16>, scalar_prefetch = 0 : i64, scratch_operands = 11 : i64, tpu.core_type = #tpu.core_type<sc_vector_subcore>, window_params = [{transform_indices = #map}, {transform_indices = #map1}, {transform_indices = #map1}, {transform_indices = #map}]} {
    %mul3A = arith.constant 160 : i32
    %mul3A_0 = arith.muli %arg1, %mul3A : i32
    %dma_start3A = arith.constant 0 : i32
    %dma_start3A_1 = tpu.memref_slice %arg3[%mul3A_0, %dma_start3A] : memref<2560x128xi32, #tpu.memory_space<hbm>> -> memref<160x128xi32, #tpu.memory_space<hbm>>
    %dma_start3A_2 = arith.constant 0 : i32
    %dma_start3A_3 = tpu.memref_slice %arg3[%mul3A_0, %dma_start3A_2] : memref<2560x128xi32, #tpu.memory_space<hbm>> -> memref<160x128xi32, #tpu.memory_space<hbm>>
    tpu.enqueue_dma source(%dma_start3A_3 : memref<160x128xi32, #tpu.memory_space<hbm>>) target(%arg6 : memref<160x128xi32, #tpu.memory_space<vmem>>) target_semaphore(%arg15 : memref<!tpu.dma_semaphore, #tpu.memory_space<semaphore_mem>>)
    %dma_start3A_4 = arith.constant 0 : i32
    %dma_start3A_5 = tpu.memref_slice %arg4[%mul3A_0, %dma_start3A_4] : memref<2560x128xi32, #tpu.memory_space<hbm>> -> memref<160x128xi32, #tpu.memory_space<hbm>>
    %dma_start3A_6 = arith.constant 0 : i32
    %dma_start3A_7 = tpu.memref_slice %arg4[%mul3A_0, %dma_start3A_6] : memref<2560x128xi32, #tpu.memory_space<hbm>> -> memref<160x128xi32, #tpu.memory_space<hbm>>
    tpu.enqueue_dma source(%dma_start3A_7 : memref<160x128xi32, #tpu.memory_space<hbm>>) target(%arg7 : memref<160x128xi32, #tpu.memory_space<vmem>>) target_semaphore(%arg16 : memref<!tpu.dma_semaphore, #tpu.memory_space<semaphore_mem>>)
    %broadcast_in_dim3A = arith.constant 0.000000e+00 : f32
    %broadcast_in_dim3A_8 = vector.broadcast %broadcast_in_dim3A : f32 to vector<16xf32>
    %scan3A = arith.constant 0 : i32
    %scan3A_9 = arith.constant 128 : i32
    %scan3A_10 = arith.addi %scan3A, %scan3A_9 : i32
    %scan3A_11 = arith.constant 1 : i32
    scf.for %scan3A_81 = %scan3A to %scan3A_10 step %scan3A_11  : i32 {
      %mul3A_82 = arith.constant 1 : i32
      %mul3A_83 = arith.muli %scan3A_81, %mul3A_82 : i32
      %add3A = arith.constant 0 : i32
      %add3A_84 = arith.addi %add3A, %mul3A_83 : i32
      %scan3A_85 = arith.constant 0 : i32
      %scan3A_86 = arith.constant 4 : i32
      %scan3A_87 = arith.addi %scan3A_85, %scan3A_86 : i32
      %scan3A_88 = arith.constant 1 : i32
      scf.for %scan3A_90 = %scan3A_85 to %scan3A_87 step %scan3A_88  : i32 {
        %mul3A_91 = arith.constant 1 : i32
        %mul3A_92 = arith.muli %scan3A_90, %mul3A_91 : i32
        %add3A_93 = arith.constant 0 : i32
        %add3A_94 = arith.addi %add3A_93, %mul3A_92 : i32
        %mul3A_95 = arith.constant 16 : i32
        %mul3A_96 = arith.muli %add3A_94, %mul3A_95 : i32
        %swap3A = arith.index_cast %add3A_84 : i32 to index
        %swap3A_97 = arith.index_cast %mul3A_96 : i32 to index
        %swap3A_98 = tpu.vector_load %arg9[%swap3A, %swap3A_97] {strides = array<i32>} : memref<128x64xf32, #tpu.memory_space<vmem>>, vector<1x16xf32>,
        %swap3A_99 = vector.shape_cast %swap3A_98 : vector<1x16xf32> to vector<16xf32>
        %swap3A_100 = vector.shape_cast %broadcast_in_dim3A_8 : vector<16xf32> to vector<1x16xf32>
        tpu.vector_store %arg9[%swap3A, %swap3A_97], %swap3A_100 {strides = array<i32>} : memref<128x64xf32, #tpu.memory_space<vmem>>, vector<1x16xf32>,
      }
      %scan3A_89 = arith.constant 4 : i32
    }
    %scan3A_12 = arith.constant 128 : i32
    %mul3A_13 = arith.constant 640 : i32
    %mul3A_14 = arith.muli %arg1, %mul3A_13 : i32
    %scan3A_15 = arith.constant 0 : i32
    %scan3A_16 = arith.constant 5 : i32
    %scan3A_17 = arith.addi %scan3A_15, %scan3A_16 : i32
    %scan3A_18 = arith.constant 1 : i32
    scf.for %scan3A_81 = %scan3A_15 to %scan3A_17 step %scan3A_18  : i32 {
      %mul3A_82 = arith.constant 1 : i32
      %mul3A_83 = arith.muli %scan3A_81, %mul3A_82 : i32
      %add3A = arith.constant 0 : i32
      %add3A_84 = arith.addi %add3A, %mul3A_83 : i32
      %mul3A_85 = arith.constant 128 : i32
      %mul3A_86 = arith.muli %add3A_84, %mul3A_85 : i32
      %add3A_87 = arith.addi %mul3A_14, %mul3A_86 : i32
      "tpu.region"() ({
        %run_scoped3A = tpu.sem_alloc : memref<!tpu.dma_semaphore, #tpu.memory_space<semaphore_mem>>
        %dma_start3A_88 = arith.constant 0 : i32
        %dma_start3A_89 = tpu.memref_slice %arg10[%add3A_87, %dma_start3A_88] : memref<10240x64xf32, #tpu.memory_space<vmem_shared>> -> memref<128x64xf32, #tpu.memory_space<vmem_shared>>
        %dma_start3A_90 = arith.constant 0 : i32
        %dma_start3A_91 = tpu.memref_slice %arg10[%add3A_87, %dma_start3A_90] : memref<10240x64xf32, #tpu.memory_space<vmem_shared>> -> memref<128x64xf32, #tpu.memory_space<vmem_shared>>
        tpu.enqueue_dma source(%arg9 : memref<128x64xf32, #tpu.memory_space<vmem>>) target(%dma_start3A_91 : memref<128x64xf32, #tpu.memory_space<vmem_shared>>) target_semaphore(%run_scoped3A : memref<!tpu.dma_semaphore, #tpu.memory_space<semaphore_mem>>)
        %dma_wait3A_92 = arith.constant 0 : i32
        %dma_wait3A_93 = tpu.memref_slice %arg10[%add3A_87, %dma_wait3A_92] : memref<10240x64xf32, #tpu.memory_space<vmem_shared>> -> memref<128x64xf32, #tpu.memory_space<vmem_shared>>
        %dma_wait3A_94 = arith.constant 0 : i32
        %dma_wait3A_95 = tpu.memref_slice %arg10[%add3A_87, %dma_wait3A_94] : memref<10240x64xf32, #tpu.memory_space<vmem_shared>> -> memref<128x64xf32, #tpu.memory_space<vmem_shared>>
        tpu.wait_dma2 semaphore(%run_scoped3A : memref<!tpu.dma_semaphore, #tpu.memory_space<semaphore_mem>>) src(%arg9 : memref<128x64xf32, #tpu.memory_space<vmem>>) dst(%dma_wait3A_95 : memref<128x64xf32, #tpu.memory_space<vmem_shared>>)
        tpu.yield
      }) : () -> ()
    }
    %scan3A_19 = arith.constant 5 : i32
    %barrier3A = arith.constant 0 : index
    tpu.barrier barrier_id(%barrier3A)
    %dma_wait3A = arith.constant 0 : i32
    %dma_wait3A_20 = tpu.memref_slice %arg3[%mul3A_0, %dma_wait3A] : memref<2560x128xi32, #tpu.memory_space<hbm>> -> memref<160x128xi32, #tpu.memory_space<hbm>>
    %dma_wait3A_21 = arith.constant 0 : i32
    %dma_wait3A_22 = tpu.memref_slice %arg3[%mul3A_0, %dma_wait3A_21] : memref<2560x128xi32, #tpu.memory_space<hbm>> -> memref<160x128xi32, #tpu.memory_space<hbm>>
    tpu.wait_dma2 semaphore(%arg15 : memref<!tpu.dma_semaphore, #tpu.memory_space<semaphore_mem>>) src(%dma_wait3A_22 : memref<160x128xi32, #tpu.memory_space<hbm>>) dst(%arg6 : memref<160x128xi32, #tpu.memory_space<vmem>>)
    %dma_wait3A_23 = arith.constant 0 : i32
    %dma_wait3A_24 = tpu.memref_slice %arg4[%mul3A_0, %dma_wait3A_23] : memref<2560x128xi32, #tpu.memory_space<hbm>> -> memref<160x128xi32, #tpu.memory_space<hbm>>
    %dma_wait3A_25 = arith.constant 0 : i32
    %dma_wait3A_26 = tpu.memref_slice %arg4[%mul3A_0, %dma_wait3A_25] : memref<2560x128xi32, #tpu.memory_space<hbm>> -> memref<160x128xi32, #tpu.memory_space<hbm>>
    tpu.wait_dma2 semaphore(%arg16 : memref<!tpu.dma_semaphore, #tpu.memory_space<semaphore_mem>>) src(%dma_wait3A_26 : memref<160x128xi32, #tpu.memory_space<hbm>>) dst(%arg7 : memref<160x128xi32, #tpu.memory_space<vmem>>)
    %dma_start3A_27 = arith.constant 0 : i32
    %dma_start3A_28 = arith.constant 0 : i32
    %dma_start3A_29 = arith.constant 0 : i32
    %dma_start3A_30 = arith.constant 0 : i32
    %dma_start3A_31 = tpu.memref_slice %arg8[%dma_start3A_28, %dma_start3A_29, %dma_start3A_30] : memref<4x128x64xf32, #tpu.memory_space<vmem>> -> memref<1x128x64xf32, #tpu.memory_space<vmem>>
    %dma_start3A_32 = tpu.memref_squeeze %dma_start3A_31 : memref<1x128x64xf32, #tpu.memory_space<vmem>> -> memref<128x64xf32, #tpu.memory_space<vmem>>
    %dma_start3A_33 = arith.constant 0 : i32
    %dma_start3A_34 = tpu.memref_slice %arg6[%dma_start3A_27, %dma_start3A_33] : memref<160x128xi32, #tpu.memory_space<vmem>> -> memref<1x128xi32, #tpu.memory_space<vmem>>
    %dma_start3A_35 = tpu.memref_squeeze %dma_start3A_34 : memref<1x128xi32, #tpu.memory_space<vmem>> -> memref<128xi32, #tpu.memory_space<vmem>>
    %dma_start3A_36 = arith.constant 0 : i32
    %dma_start3A_37 = arith.constant 0 : i32
    %dma_start3A_38 = tpu.memref_slice %arg2[%arg0, %dma_start3A_36, %dma_start3A_37] : memref<2x10240x64xf32, #tpu.memory_space<hbm>> -> memref<1x10240x64xf32, #tpu.memory_space<hbm>>
    %dma_start3A_39 = tpu.memref_squeeze %dma_start3A_38 : memref<1x10240x64xf32, #tpu.memory_space<hbm>> -> memref<10240x64xf32, #tpu.memory_space<hbm>>
    %dma_start3A_40 = arith.constant 0 : i32
    %dma_start3A_41 = arith.constant 0 : i32
    %dma_start3A_42 = tpu.memref_slice %dma_start3A_39[%dma_start3A_40, %dma_start3A_41] : memref<10240x64xf32, #tpu.memory_space<hbm>> -> memref<10240x64xf32, #tpu.memory_space<hbm>>
    tpu.enqueue_indirect_dma source(%dma_start3A_42 : memref<10240x64xf32, #tpu.memory_space<hbm>>) target(%dma_start3A_32 : memref<128x64xf32, #tpu.memory_space<vmem>>) offsets(%dma_start3A_35 : memref<128xi32, #tpu.memory_space<vmem>>) semaphore(%arg11 : memref<!tpu.dma_semaphore, #tpu.memory_space<semaphore_mem>>)
    %dma_start3A_43 = arith.constant 1 : i32
    %dma_start3A_44 = arith.constant 1 : i32
    %dma_start3A_45 = arith.constant 0 : i32
    %dma_start3A_46 = arith.constant 0 : i32
    %dma_start3A_47 = tpu.memref_slice %arg8[%dma_start3A_44, %dma_start3A_45, %dma_start3A_46] : memref<4x128x64xf32, #tpu.memory_space<vmem>> -> memref<1x128x64xf32, #tpu.memory_space<vmem>>
    %dma_start3A_48 = tpu.memref_squeeze %dma_start3A_47 : memref<1x128x64xf32, #tpu.memory_space<vmem>> -> memref<128x64xf32, #tpu.memory_space<vmem>>
    %dma_start3A_49 = arith.constant 0 : i32
    %dma_start3A_50 = tpu.memref_slice %arg6[%dma_start3A_43, %dma_start3A_49] : memref<160x128xi32, #tpu.memory_space<vmem>> -> memref<1x128xi32, #tpu.memory_space<vmem>>
    %dma_start3A_51 = tpu.memref_squeeze %dma_start3A_50 : memref<1x128xi32, #tpu.memory_space<vmem>> -> memref<128xi32, #tpu.memory_space<vmem>>
    %dma_start3A_52 = arith.constant 0 : i32
    %dma_start3A_53 = arith.constant 0 : i32
    %dma_start3A_54 = tpu.memref_slice %arg2[%arg0, %dma_start3A_52, %dma_start3A_53] : memref<2x10240x64xf32, #tpu.memory_space<hbm>> -> memref<1x10240x64xf32, #tpu.memory_space<hbm>>
    %dma_start3A_55 = tpu.memref_squeeze %dma_start3A_54 : memref<1x10240x64xf32, #tpu.memory_space<hbm>> -> memref<10240x64xf32, #tpu.memory_space<hbm>>
    %dma_start3A_56 = arith.constant 0 : i32
    %dma_start3A_57 = arith.constant 0 : i32
    %dma_start3A_58 = tpu.memref_slice %dma_start3A_55[%dma_start3A_56, %dma_start3A_57] : memref<10240x64xf32, #tpu.memory_space<hbm>> -> memref<10240x64xf32, #tpu.memory_space<hbm>>
    tpu.enqueue_indirect_dma source(%dma_start3A_58 : memref<10240x64xf32, #tpu.memory_space<hbm>>) target(%dma_start3A_48 : memref<128x64xf32, #tpu.memory_space<vmem>>) offsets(%dma_start3A_51 : memref<128xi32, #tpu.memory_space<vmem>>) semaphore(%arg12 : memref<!tpu.dma_semaphore, #tpu.memory_space<semaphore_mem>>)
    %dma_start3A_59 = arith.constant 2 : i32
    %dma_start3A_60 = arith.constant 2 : i32
    %dma_start3A_61 = arith.constant 0 : i32
    %dma_start3A_62 = arith.constant 0 : i32
    %dma_start3A_63 = tpu.memref_slice %arg8[%dma_start3A_60, %dma_start3A_61, %dma_start3A_62] : memref<4x128x64xf32, #tpu.memory_space<vmem>> -> memref<1x128x64xf32, #tpu.memory_space<vmem>>
    %dma_start3A_64 = tpu.memref_squeeze %dma_start3A_63 : memref<1x128x64xf32, #tpu.memory_space<vmem>> -> memref<128x64xf32, #tpu.memory_space<vmem>>
    %dma_start3A_65 = arith.constant 0 : i32
    %dma_start3A_66 = tpu.memref_slice %arg6[%dma_start3A_59, %dma_start3A_65] : memref<160x128xi32, #tpu.memory_space<vmem>> -> memref<1x128xi32, #tpu.memory_space<vmem>>
    %dma_start3A_67 = tpu.memref_squeeze %dma_start3A_66 : memref<1x128xi32, #tpu.memory_space<vmem>> -> memref<128xi32, #tpu.memory_space<vmem>>
    %dma_start3A_68 = arith.constant 0 : i32
    %dma_start3A_69 = arith.constant 0 : i32
    %dma_start3A_70 = tpu.memref_slice %arg2[%arg0, %dma_start3A_68, %dma_start3A_69] : memref<2x10240x64xf32, #tpu.memory_space<hbm>> -> memref<1x10240x64xf32, #tpu.memory_space<hbm>>
    %dma_start3A_71 = tpu.memref_squeeze %dma_start3A_70 : memref<1x10240x64xf32, #tpu.memory_space<hbm>> -> memref<10240x64xf32, #tpu.memory_space<hbm>>
    %dma_start3A_72 = arith.constant 0 : i32
    %dma_start3A_73 = arith.constant 0 : i32
    %dma_start3A_74 = tpu.memref_slice %dma_start3A_71[%dma_start3A_72, %dma_start3A_73] : memref<10240x64xf32, #tpu.memory_space<hbm>> -> memref<10240x64xf32, #tpu.memory_space<hbm>>
    tpu.enqueue_indirect_dma source(%dma_start3A_74 : memref<10240x64xf32, #tpu.memory_space<hbm>>) target(%dma_start3A_64 : memref<128x64xf32, #tpu.memory_space<vmem>>) offsets(%dma_start3A_67 : memref<128xi32, #tpu.memory_space<vmem>>) semaphore(%arg13 : memref<!tpu.dma_semaphore, #tpu.memory_space<semaphore_mem>>)
    %scan3A_75 = arith.constant 0 : i32
    %scan3A_76 = arith.constant 40 : i32
    %scan3A_77 = arith.addi %scan3A_75, %scan3A_76 : i32
    %scan3A_78 = arith.constant 1 : i32
    scf.for %scan3A_81 = %scan3A_75 to %scan3A_77 step %scan3A_78  : i32 {
      %mul3A_82 = arith.constant 1 : i32
      %mul3A_83 = arith.muli %scan3A_81, %mul3A_82 : i32
      %add3A = arith.constant 0 : i32
      %add3A_84 = arith.addi %add3A, %mul3A_83 : i32
      %mul3A_85 = arith.constant 4 : i32
      %mul3A_86 = arith.muli %add3A_84, %mul3A_85 : i32
      %add3A_87 = arith.constant 0 : i32
      %add3A_88 = arith.addi %mul3A_86, %add3A_87 : i32
      %add3A_89 = arith.constant 4 : i32
      %add3A_90 = arith.addi %add3A_88, %add3A_89 : i32
      %sub3A = arith.constant 1 : i32
      %sub3A_91 = arith.subi %add3A_90, %sub3A : i32
      %lt3A = arith.constant 160 : i32
      %lt3A_92 = arith.cmpi slt, %sub3A_91, %lt3A : i32
      %convert_element_type3A = arith.extui %lt3A_92 : i1 to i32
      %cond3A = arith.constant 0 : i32
      %cond3A_93 = arith.cmpi ne, %convert_element_type3A, %cond3A : i32
      scf.if %cond3A_93 {
        %dma_start3A_198 = arith.constant 3 : i32
        %dma_start3A_199 = arith.constant 0 : i32
        %dma_start3A_200 = arith.constant 0 : i32
        %dma_start3A_201 = tpu.memref_slice %arg8[%dma_start3A_198, %dma_start3A_199, %dma_start3A_200] : memref<4x128x64xf32, #tpu.memory_space<vmem>> -> memref<1x128x64xf32, #tpu.memory_space<vmem>>
        %dma_start3A_202 = tpu.memref_squeeze %dma_start3A_201 : memref<1x128x64xf32, #tpu.memory_space<vmem>> -> memref<128x64xf32, #tpu.memory_space<vmem>>
        %dma_start3A_203 = arith.constant 0 : i32
        %dma_start3A_204 = tpu.memref_slice %arg6[%sub3A_91, %dma_start3A_203] : memref<160x128xi32, #tpu.memory_space<vmem>> -> memref<1x128xi32, #tpu.memory_space<vmem>>
        %dma_start3A_205 = tpu.memref_squeeze %dma_start3A_204 : memref<1x128xi32, #tpu.memory_space<vmem>> -> memref<128xi32, #tpu.memory_space<vmem>>
        %dma_start3A_206 = arith.constant 0 : i32
        %dma_start3A_207 = arith.constant 0 : i32
        %dma_start3A_208 = tpu.memref_slice %arg2[%arg0, %dma_start3A_206, %dma_start3A_207] : memref<2x10240x64xf32, #tpu.memory_space<hbm>> -> memref<1x10240x64xf32, #tpu.memory_space<hbm>>
        %dma_start3A_209 = tpu.memref_squeeze %dma_start3A_208 : memref<1x10240x64xf32, #tpu.memory_space<hbm>> -> memref<10240x64xf32, #tpu.memory_space<hbm>>
        %dma_start3A_210 = arith.constant 0 : i32
        %dma_start3A_211 = arith.constant 0 : i32
        %dma_start3A_212 = tpu.memref_slice %dma_start3A_209[%dma_start3A_210, %dma_start3A_211] : memref<10240x64xf32, #tpu.memory_space<hbm>> -> memref<10240x64xf32, #tpu.memory_space<hbm>>
        tpu.enqueue_indirect_dma source(%dma_start3A_212 : memref<10240x64xf32, #tpu.memory_space<hbm>>) target(%dma_start3A_202 : memref<128x64xf32, #tpu.memory_space<vmem>>) offsets(%dma_start3A_205 : memref<128xi32, #tpu.memory_space<vmem>>) semaphore(%arg14 : memref<!tpu.dma_semaphore, #tpu.memory_space<semaphore_mem>>)
      } else {
      }
      %add3A_94 = arith.constant 0 : i32
      %add3A_95 = arith.addi %mul3A_86, %add3A_94 : i32
      %dma_wait3A_96 = arith.constant 0 : i32
      %dma_wait3A_97 = arith.constant 0 : i32
      %dma_wait3A_98 = arith.constant 0 : i32
      %dma_wait3A_99 = tpu.memref_slice %arg8[%dma_wait3A_96, %dma_wait3A_97, %dma_wait3A_98] : memref<4x128x64xf32, #tpu.memory_space<vmem>> -> memref<1x128x64xf32, #tpu.memory_space<vmem>>
      %dma_wait3A_100 = tpu.memref_squeeze %dma_wait3A_99 : memref<1x128x64xf32, #tpu.memory_space<vmem>> -> memref<128x64xf32, #tpu.memory_space<vmem>>
      %dma_wait3A_101 = arith.constant 0 : i32
      %dma_wait3A_102 = tpu.memref_slice %arg6[%add3A_95, %dma_wait3A_101] : memref<160x128xi32, #tpu.memory_space<vmem>> -> memref<1x128xi32, #tpu.memory_space<vmem>>
      %dma_wait3A_103 = tpu.memref_squeeze %dma_wait3A_102 : memref<1x128xi32, #tpu.memory_space<vmem>> -> memref<128xi32, #tpu.memory_space<vmem>>
      %dma_wait3A_104 = arith.constant 0 : i32
      %dma_wait3A_105 = arith.constant 0 : i32
      %dma_wait3A_106 = tpu.memref_slice %arg2[%arg0, %dma_wait3A_104, %dma_wait3A_105] : memref<2x10240x64xf32, #tpu.memory_space<hbm>> -> memref<1x10240x64xf32, #tpu.memory_space<hbm>>
      %dma_wait3A_107 = tpu.memref_squeeze %dma_wait3A_106 : memref<1x10240x64xf32, #tpu.memory_space<hbm>> -> memref<10240x64xf32, #tpu.memory_space<hbm>>
      %dma_wait3A_108 = arith.constant 0 : i32
      %dma_wait3A_109 = arith.constant 0 : i32
      %dma_wait3A_110 = tpu.memref_slice %dma_wait3A_107[%dma_wait3A_108, %dma_wait3A_109] : memref<10240x64xf32, #tpu.memory_space<hbm>> -> memref<10240x64xf32, #tpu.memory_space<hbm>>
      tpu.wait_indirect_dma semaphore(%arg11 : memref<!tpu.dma_semaphore, #tpu.memory_space<semaphore_mem>>) src(%dma_wait3A_110 : memref<10240x64xf32, #tpu.memory_space<hbm>>) dst(%dma_wait3A_100 : memref<128x64xf32, #tpu.memory_space<vmem>>)
      %run_scoped3A = arith.constant 0 : i32
      "tpu.region"() ({
        %run_scoped3A_198 = tpu.sem_alloc : memref<!tpu.dma_semaphore, #tpu.memory_space<semaphore_mem>>
        %dma_start3A_199 = arith.constant 0 : i32
        %dma_start3A_200 = arith.constant 0 : i32
        %dma_start3A_201 = tpu.memref_slice %arg8[%run_scoped3A, %dma_start3A_199, %dma_start3A_200] : memref<4x128x64xf32, #tpu.memory_space<vmem>> -> memref<1x128x64xf32, #tpu.memory_space<vmem>>
        %dma_start3A_202 = tpu.memref_squeeze %dma_start3A_201 : memref<1x128x64xf32, #tpu.memory_space<vmem>> -> memref<128x64xf32, #tpu.memory_space<vmem>>
        %dma_start3A_203 = arith.constant 0 : i32
        %dma_start3A_204 = tpu.memref_slice %arg7[%add3A_95, %dma_start3A_203] : memref<160x128xi32, #tpu.memory_space<vmem>> -> memref<1x128xi32, #tpu.memory_space<vmem>>
        %dma_start3A_205 = tpu.memref_squeeze %dma_start3A_204 : memref<1x128xi32, #tpu.memory_space<vmem>> -> memref<128xi32, #tpu.memory_space<vmem>>
        %dma_start3A_206 = arith.constant 0 : i32
        %dma_start3A_207 = arith.constant 0 : i32
        %dma_start3A_208 = tpu.memref_slice %arg10[%dma_start3A_206, %dma_start3A_207] : memref<10240x64xf32, #tpu.memory_space<vmem_shared>> -> memref<10240x64xf32, #tpu.memory_space<vmem_shared>>
        tpu.enqueue_indirect_dma source(%dma_start3A_202 : memref<128x64xf32, #tpu.memory_space<vmem>>) target(%dma_start3A_208 : memref<10240x64xf32, #tpu.memory_space<vmem_shared>>) offsets(%dma_start3A_205 : memref<128xi32, #tpu.memory_space<vmem>>) semaphore(%run_scoped3A_198 : memref<!tpu.dma_semaphore, #tpu.memory_space<semaphore_mem>>) {add = true}
        %dma_wait3A_209 = arith.constant 0 : i32
        %dma_wait3A_210 = arith.constant 0 : i32
        %dma_wait3A_211 = tpu.memref_slice %arg8[%run_scoped3A, %dma_wait3A_209, %dma_wait3A_210] : memref<4x128x64xf32, #tpu.memory_space<vmem>> -> memref<1x128x64xf32, #tpu.memory_space<vmem>>
        %dma_wait3A_212 = tpu.memref_squeeze %dma_wait3A_211 : memref<1x128x64xf32, #tpu.memory_space<vmem>> -> memref<128x64xf32, #tpu.memory_space<vmem>>
        %dma_wait3A_213 = arith.constant 0 : i32
        %dma_wait3A_214 = tpu.memref_slice %arg7[%add3A_95, %dma_wait3A_213] : memref<160x128xi32, #tpu.memory_space<vmem>> -> memref<1x128xi32, #tpu.memory_space<vmem>>
        %dma_wait3A_215 = tpu.memref_squeeze %dma_wait3A_214 : memref<1x128xi32, #tpu.memory_space<vmem>> -> memref<128xi32, #tpu.memory_space<vmem>>
        %dma_wait3A_216 = arith.constant 0 : i32
        %dma_wait3A_217 = arith.constant 0 : i32
        %dma_wait3A_218 = tpu.memref_slice %arg10[%dma_wait3A_216, %dma_wait3A_217] : memref<10240x64xf32, #tpu.memory_space<vmem_shared>> -> memref<10240x64xf32, #tpu.memory_space<vmem_shared>>
        tpu.wait_indirect_dma semaphore(%run_scoped3A_198 : memref<!tpu.dma_semaphore, #tpu.memory_space<semaphore_mem>>) src(%dma_wait3A_212 : memref<128x64xf32, #tpu.memory_space<vmem>>) dst(%dma_wait3A_218 : memref<10240x64xf32, #tpu.memory_space<vmem_shared>>)
        tpu.yield
      }) : () -> ()
      %add3A_111 = arith.constant 1 : i32
      %add3A_112 = arith.addi %mul3A_86, %add3A_111 : i32
      %add3A_113 = arith.constant 4 : i32
      %add3A_114 = arith.addi %add3A_112, %add3A_113 : i32
      %sub3A_115 = arith.constant 1 : i32
      %sub3A_116 = arith.subi %add3A_114, %sub3A_115 : i32
      %lt3A_117 = arith.constant 160 : i32
      %lt3A_118 = arith.cmpi slt, %sub3A_116, %lt3A_117 : i32
      %convert_element_type3A_119 = arith.extui %lt3A_118 : i1 to i32
      %cond3A_120 = arith.constant 0 : i32
      %cond3A_121 = arith.cmpi ne, %convert_element_type3A_119, %cond3A_120 : i32
      scf.if %cond3A_121 {
        %dma_start3A_198 = arith.constant 0 : i32
        %dma_start3A_199 = arith.constant 0 : i32
        %dma_start3A_200 = arith.constant 0 : i32
        %dma_start3A_201 = tpu.memref_slice %arg8[%dma_start3A_198, %dma_start3A_199, %dma_start3A_200] : memref<4x128x64xf32, #tpu.memory_space<vmem>> -> memref<1x128x64xf32, #tpu.memory_space<vmem>>
        %dma_start3A_202 = tpu.memref_squeeze %dma_start3A_201 : memref<1x128x64xf32, #tpu.memory_space<vmem>> -> memref<128x64xf32, #tpu.memory_space<vmem>>
        %dma_start3A_203 = arith.constant 0 : i32
        %dma_start3A_204 = tpu.memref_slice %arg6[%sub3A_116, %dma_start3A_203] : memref<160x128xi32, #tpu.memory_space<vmem>> -> memref<1x128xi32, #tpu.memory_space<vmem>>
        %dma_start3A_205 = tpu.memref_squeeze %dma_start3A_204 : memref<1x128xi32, #tpu.memory_space<vmem>> -> memref<128xi32, #tpu.memory_space<vmem>>
        %dma_start3A_206 = arith.constant 0 : i32
        %dma_start3A_207 = arith.constant 0 : i32
        %dma_start3A_208 = tpu.memref_slice %arg2[%arg0, %dma_start3A_206, %dma_start3A_207] : memref<2x10240x64xf32, #tpu.memory_space<hbm>> -> memref<1x10240x64xf32, #tpu.memory_space<hbm>>
        %dma_start3A_209 = tpu.memref_squeeze %dma_start3A_208 : memref<1x10240x64xf32, #tpu.memory_space<hbm>> -> memref<10240x64xf32, #tpu.memory_space<hbm>>
        %dma_start3A_210 = arith.constant 0 : i32
        %dma_start3A_211 = arith.constant 0 : i32
        %dma_start3A_212 = tpu.memref_slice %dma_start3A_209[%dma_start3A_210, %dma_start3A_211] : memref<10240x64xf32, #tpu.memory_space<hbm>> -> memref<10240x64xf32, #tpu.memory_space<hbm>>
        tpu.enqueue_indirect_dma source(%dma_start3A_212 : memref<10240x64xf32, #tpu.memory_space<hbm>>) target(%dma_start3A_202 : memref<128x64xf32, #tpu.memory_space<vmem>>) offsets(%dma_start3A_205 : memref<128xi32, #tpu.memory_space<vmem>>) semaphore(%arg11 : memref<!tpu.dma_semaphore, #tpu.memory_space<semaphore_mem>>)
      } else {
      }
      %add3A_122 = arith.constant 1 : i32
      %add3A_123 = arith.addi %mul3A_86, %add3A_122 : i32
      %dma_wait3A_124 = arith.constant 1 : i32
      %dma_wait3A_125 = arith.constant 0 : i32
      %dma_wait3A_126 = arith.constant 0 : i32
      %dma_wait3A_127 = tpu.memref_slice %arg8[%dma_wait3A_124, %dma_wait3A_125, %dma_wait3A_126] : memref<4x128x64xf32, #tpu.memory_space<vmem>> -> memref<1x128x64xf32, #tpu.memory_space<vmem>>
      %dma_wait3A_128 = tpu.memref_squeeze %dma_wait3A_127 : memref<1x128x64xf32, #tpu.memory_space<vmem>> -> memref<128x64xf32, #tpu.memory_space<vmem>>
      %dma_wait3A_129 = arith.constant 0 : i32
      %dma_wait3A_130 = tpu.memref_slice %arg6[%add3A_123, %dma_wait3A_129] : memref<160x128xi32, #tpu.memory_space<vmem>> -> memref<1x128xi32, #tpu.memory_space<vmem>>
      %dma_wait3A_131 = tpu.memref_squeeze %dma_wait3A_130 : memref<1x128xi32, #tpu.memory_space<vmem>> -> memref<128xi32, #tpu.memory_space<vmem>>
      %dma_wait3A_132 = arith.constant 0 : i32
      %dma_wait3A_133 = arith.constant 0 : i32
      %dma_wait3A_134 = tpu.memref_slice %arg2[%arg0, %dma_wait3A_132, %dma_wait3A_133] : memref<2x10240x64xf32, #tpu.memory_space<hbm>> -> memref<1x10240x64xf32, #tpu.memory_space<hbm>>
      %dma_wait3A_135 = tpu.memref_squeeze %dma_wait3A_134 : memref<1x10240x64xf32, #tpu.memory_space<hbm>> -> memref<10240x64xf32, #tpu.memory_space<hbm>>
      %dma_wait3A_136 = arith.constant 0 : i32
      %dma_wait3A_137 = arith.constant 0 : i32
      %dma_wait3A_138 = tpu.memref_slice %dma_wait3A_135[%dma_wait3A_136, %dma_wait3A_137] : memref<10240x64xf32, #tpu.memory_space<hbm>> -> memref<10240x64xf32, #tpu.memory_space<hbm>>
      tpu.wait_indirect_dma semaphore(%arg12 : memref<!tpu.dma_semaphore, #tpu.memory_space<semaphore_mem>>) src(%dma_wait3A_138 : memref<10240x64xf32, #tpu.memory_space<hbm>>) dst(%dma_wait3A_128 : memref<128x64xf32, #tpu.memory_space<vmem>>)
      %run_scoped3A_139 = arith.constant 1 : i32
      "tpu.region"() ({
        %run_scoped3A_198 = tpu.sem_alloc : memref<!tpu.dma_semaphore, #tpu.memory_space<semaphore_mem>>
        %dma_start3A_199 = arith.constant 0 : i32
        %dma_start3A_200 = arith.constant 0 : i32
        %dma_start3A_201 = tpu.memref_slice %arg8[%run_scoped3A_139, %dma_start3A_199, %dma_start3A_200] : memref<4x128x64xf32, #tpu.memory_space<vmem>> -> memref<1x128x64xf32, #tpu.memory_space<vmem>>
        %dma_start3A_202 = tpu.memref_squeeze %dma_start3A_201 : memref<1x128x64xf32, #tpu.memory_space<vmem>> -> memref<128x64xf32, #tpu.memory_space<vmem>>
        %dma_start3A_203 = arith.constant 0 : i32
        %dma_start3A_204 = tpu.memref_slice %arg7[%add3A_123, %dma_start3A_203] : memref<160x128xi32, #tpu.memory_space<vmem>> -> memref<1x128xi32, #tpu.memory_space<vmem>>
        %dma_start3A_205 = tpu.memref_squeeze %dma_start3A_204 : memref<1x128xi32, #tpu.memory_space<vmem>> -> memref<128xi32, #tpu.memory_space<vmem>>
        %dma_start3A_206 = arith.constant 0 : i32
        %dma_start3A_207 = arith.constant 0 : i32
        %dma_start3A_208 = tpu.memref_slice %arg10[%dma_start3A_206, %dma_start3A_207] : memref<10240x64xf32, #tpu.memory_space<vmem_shared>> -> memref<10240x64xf32, #tpu.memory_space<vmem_shared>>
        tpu.enqueue_indirect_dma source(%dma_start3A_202 : memref<128x64xf32, #tpu.memory_space<vmem>>) target(%dma_start3A_208 : memref<10240x64xf32, #tpu.memory_space<vmem_shared>>) offsets(%dma_start3A_205 : memref<128xi32, #tpu.memory_space<vmem>>) semaphore(%run_scoped3A_198 : memref<!tpu.dma_semaphore, #tpu.memory_space<semaphore_mem>>) {add = true}
        %dma_wait3A_209 = arith.constant 0 : i32
        %dma_wait3A_210 = arith.constant 0 : i32
        %dma_wait3A_211 = tpu.memref_slice %arg8[%run_scoped3A_139, %dma_wait3A_209, %dma_wait3A_210] : memref<4x128x64xf32, #tpu.memory_space<vmem>> -> memref<1x128x64xf32, #tpu.memory_space<vmem>>
        %dma_wait3A_212 = tpu.memref_squeeze %dma_wait3A_211 : memref<1x128x64xf32, #tpu.memory_space<vmem>> -> memref<128x64xf32, #tpu.memory_space<vmem>>
        %dma_wait3A_213 = arith.constant 0 : i32
        %dma_wait3A_214 = tpu.memref_slice %arg7[%add3A_123, %dma_wait3A_213] : memref<160x128xi32, #tpu.memory_space<vmem>> -> memref<1x128xi32, #tpu.memory_space<vmem>>
        %dma_wait3A_215 = tpu.memref_squeeze %dma_wait3A_214 : memref<1x128xi32, #tpu.memory_space<vmem>> -> memref<128xi32, #tpu.memory_space<vmem>>
        %dma_wait3A_216 = arith.constant 0 : i32
        %dma_wait3A_217 = arith.constant 0 : i32
        %dma_wait3A_218 = tpu.memref_slice %arg10[%dma_wait3A_216, %dma_wait3A_217] : memref<10240x64xf32, #tpu.memory_space<vmem_shared>> -> memref<10240x64xf32, #tpu.memory_space<vmem_shared>>
        tpu.wait_indirect_dma semaphore(%run_scoped3A_198 : memref<!tpu.dma_semaphore, #tpu.memory_space<semaphore_mem>>) src(%dma_wait3A_212 : memref<128x64xf32, #tpu.memory_space<vmem>>) dst(%dma_wait3A_218 : memref<10240x64xf32, #tpu.memory_space<vmem_shared>>)
        tpu.yield
      }) : () -> ()
      %add3A_140 = arith.constant 2 : i32
      %add3A_141 = arith.addi %mul3A_86, %add3A_140 : i32
      %add3A_142 = arith.constant 4 : i32
      %add3A_143 = arith.addi %add3A_141, %add3A_142 : i32
      %sub3A_144 = arith.constant 1 : i32
      %sub3A_145 = arith.subi %add3A_143, %sub3A_144 : i32
      %lt3A_146 = arith.constant 160 : i32
      %lt3A_147 = arith.cmpi slt, %sub3A_145, %lt3A_146 : i32
      %convert_element_type3A_148 = arith.extui %lt3A_147 : i1 to i32
      %cond3A_149 = arith.constant 0 : i32
      %cond3A_150 = arith.cmpi ne, %convert_element_type3A_148, %cond3A_149 : i32
      scf.if %cond3A_150 {
        %dma_start3A_198 = arith.constant 1 : i32
        %dma_start3A_199 = arith.constant 0 : i32
        %dma_start3A_200 = arith.constant 0 : i32
        %dma_start3A_201 = tpu.memref_slice %arg8[%dma_start3A_198, %dma_start3A_199, %dma_start3A_200] : memref<4x128x64xf32, #tpu.memory_space<vmem>> -> memref<1x128x64xf32, #tpu.memory_space<vmem>>
        %dma_start3A_202 = tpu.memref_squeeze %dma_start3A_201 : memref<1x128x64xf32, #tpu.memory_space<vmem>> -> memref<128x64xf32, #tpu.memory_space<vmem>>
        %dma_start3A_203 = arith.constant 0 : i32
        %dma_start3A_204 = tpu.memref_slice %arg6[%sub3A_145, %dma_start3A_203] : memref<160x128xi32, #tpu.memory_space<vmem>> -> memref<1x128xi32, #tpu.memory_space<vmem>>
        %dma_start3A_205 = tpu.memref_squeeze %dma_start3A_204 : memref<1x128xi32, #tpu.memory_space<vmem>> -> memref<128xi32, #tpu.memory_space<vmem>>
        %dma_start3A_206 = arith.constant 0 : i32
        %dma_start3A_207 = arith.constant 0 : i32
        %dma_start3A_208 = tpu.memref_slice %arg2[%arg0, %dma_start3A_206, %dma_start3A_207] : memref<2x10240x64xf32, #tpu.memory_space<hbm>> -> memref<1x10240x64xf32, #tpu.memory_space<hbm>>
        %dma_start3A_209 = tpu.memref_squeeze %dma_start3A_208 : memref<1x10240x64xf32, #tpu.memory_space<hbm>> -> memref<10240x64xf32, #tpu.memory_space<hbm>>
        %dma_start3A_210 = arith.constant 0 : i32
        %dma_start3A_211 = arith.constant 0 : i32
        %dma_start3A_212 = tpu.memref_slice %dma_start3A_209[%dma_start3A_210, %dma_start3A_211] : memref<10240x64xf32, #tpu.memory_space<hbm>> -> memref<10240x64xf32, #tpu.memory_space<hbm>>
        tpu.enqueue_indirect_dma source(%dma_start3A_212 : memref<10240x64xf32, #tpu.memory_space<hbm>>) target(%dma_start3A_202 : memref<128x64xf32, #tpu.memory_space<vmem>>) offsets(%dma_start3A_205 : memref<128xi32, #tpu.memory_space<vmem>>) semaphore(%arg12 : memref<!tpu.dma_semaphore, #tpu.memory_space<semaphore_mem>>)
      } else {
      }
      %add3A_151 = arith.constant 2 : i32
      %add3A_152 = arith.addi %mul3A_86, %add3A_151 : i32
      %dma_wait3A_153 = arith.constant 2 : i32
      %dma_wait3A_154 = arith.constant 0 : i32
      %dma_wait3A_155 = arith.constant 0 : i32
      %dma_wait3A_156 = tpu.memref_slice %arg8[%dma_wait3A_153, %dma_wait3A_154, %dma_wait3A_155] : memref<4x128x64xf32, #tpu.memory_space<vmem>> -> memref<1x128x64xf32, #tpu.memory_space<vmem>>
      %dma_wait3A_157 = tpu.memref_squeeze %dma_wait3A_156 : memref<1x128x64xf32, #tpu.memory_space<vmem>> -> memref<128x64xf32, #tpu.memory_space<vmem>>
      %dma_wait3A_158 = arith.constant 0 : i32
      %dma_wait3A_159 = tpu.memref_slice %arg6[%add3A_152, %dma_wait3A_158] : memref<160x128xi32, #tpu.memory_space<vmem>> -> memref<1x128xi32, #tpu.memory_space<vmem>>
      %dma_wait3A_160 = tpu.memref_squeeze %dma_wait3A_159 : memref<1x128xi32, #tpu.memory_space<vmem>> -> memref<128xi32, #tpu.memory_space<vmem>>
      %dma_wait3A_161 = arith.constant 0 : i32
      %dma_wait3A_162 = arith.constant 0 : i32
      %dma_wait3A_163 = tpu.memref_slice %arg2[%arg0, %dma_wait3A_161, %dma_wait3A_162] : memref<2x10240x64xf32, #tpu.memory_space<hbm>> -> memref<1x10240x64xf32, #tpu.memory_space<hbm>>
      %dma_wait3A_164 = tpu.memref_squeeze %dma_wait3A_163 : memref<1x10240x64xf32, #tpu.memory_space<hbm>> -> memref<10240x64xf32, #tpu.memory_space<hbm>>
      %dma_wait3A_165 = arith.constant 0 : i32
      %dma_wait3A_166 = arith.constant 0 : i32
      %dma_wait3A_167 = tpu.memref_slice %dma_wait3A_164[%dma_wait3A_165, %dma_wait3A_166] : memref<10240x64xf32, #tpu.memory_space<hbm>> -> memref<10240x64xf32, #tpu.memory_space<hbm>>
      tpu.wait_indirect_dma semaphore(%arg13 : memref<!tpu.dma_semaphore, #tpu.memory_space<semaphore_mem>>) src(%dma_wait3A_167 : memref<10240x64xf32, #tpu.memory_space<hbm>>) dst(%dma_wait3A_157 : memref<128x64xf32, #tpu.memory_space<vmem>>)
      %run_scoped3A_168 = arith.constant 2 : i32
      "tpu.region"() ({
        %run_scoped3A_198 = tpu.sem_alloc : memref<!tpu.dma_semaphore, #tpu.memory_space<semaphore_mem>>
        %dma_start3A_199 = arith.constant 0 : i32
        %dma_start3A_200 = arith.constant 0 : i32
        %dma_start3A_201 = tpu.memref_slice %arg8[%run_scoped3A_168, %dma_start3A_199, %dma_start3A_200] : memref<4x128x64xf32, #tpu.memory_space<vmem>> -> memref<1x128x64xf32, #tpu.memory_space<vmem>>
        %dma_start3A_202 = tpu.memref_squeeze %dma_start3A_201 : memref<1x128x64xf32, #tpu.memory_space<vmem>> -> memref<128x64xf32, #tpu.memory_space<vmem>>
        %dma_start3A_203 = arith.constant 0 : i32
        %dma_start3A_204 = tpu.memref_slice %arg7[%add3A_152, %dma_start3A_203] : memref<160x128xi32, #tpu.memory_space<vmem>> -> memref<1x128xi32, #tpu.memory_space<vmem>>
        %dma_start3A_205 = tpu.memref_squeeze %dma_start3A_204 : memref<1x128xi32, #tpu.memory_space<vmem>> -> memref<128xi32, #tpu.memory_space<vmem>>
        %dma_start3A_206 = arith.constant 0 : i32
        %dma_start3A_207 = arith.constant 0 : i32
        %dma_start3A_208 = tpu.memref_slice %arg10[%dma_start3A_206, %dma_start3A_207] : memref<10240x64xf32, #tpu.memory_space<vmem_shared>> -> memref<10240x64xf32, #tpu.memory_space<vmem_shared>>
        tpu.enqueue_indirect_dma source(%dma_start3A_202 : memref<128x64xf32, #tpu.memory_space<vmem>>) target(%dma_start3A_208 : memref<10240x64xf32, #tpu.memory_space<vmem_shared>>) offsets(%dma_start3A_205 : memref<128xi32, #tpu.memory_space<vmem>>) semaphore(%run_scoped3A_198 : memref<!tpu.dma_semaphore, #tpu.memory_space<semaphore_mem>>) {add = true}
        %dma_wait3A_209 = arith.constant 0 : i32
        %dma_wait3A_210 = arith.constant 0 : i32
        %dma_wait3A_211 = tpu.memref_slice %arg8[%run_scoped3A_168, %dma_wait3A_209, %dma_wait3A_210] : memref<4x128x64xf32, #tpu.memory_space<vmem>> -> memref<1x128x64xf32, #tpu.memory_space<vmem>>
        %dma_wait3A_212 = tpu.memref_squeeze %dma_wait3A_211 : memref<1x128x64xf32, #tpu.memory_space<vmem>> -> memref<128x64xf32, #tpu.memory_space<vmem>>
        %dma_wait3A_213 = arith.constant 0 : i32
        %dma_wait3A_214 = tpu.memref_slice %arg7[%add3A_152, %dma_wait3A_213] : memref<160x128xi32, #tpu.memory_space<vmem>> -> memref<1x128xi32, #tpu.memory_space<vmem>>
        %dma_wait3A_215 = tpu.memref_squeeze %dma_wait3A_214 : memref<1x128xi32, #tpu.memory_space<vmem>> -> memref<128xi32, #tpu.memory_space<vmem>>
        %dma_wait3A_216 = arith.constant 0 : i32
        %dma_wait3A_217 = arith.constant 0 : i32
        %dma_wait3A_218 = tpu.memref_slice %arg10[%dma_wait3A_216, %dma_wait3A_217] : memref<10240x64xf32, #tpu.memory_space<vmem_shared>> -> memref<10240x64xf32, #tpu.memory_space<vmem_shared>>
        tpu.wait_indirect_dma semaphore(%run_scoped3A_198 : memref<!tpu.dma_semaphore, #tpu.memory_space<semaphore_mem>>) src(%dma_wait3A_212 : memref<128x64xf32, #tpu.memory_space<vmem>>) dst(%dma_wait3A_218 : memref<10240x64xf32, #tpu.memory_space<vmem_shared>>)
        tpu.yield
      }) : () -> ()
      %add3A_169 = arith.constant 3 : i32
      %add3A_170 = arith.addi %mul3A_86, %add3A_169 : i32
      %add3A_171 = arith.constant 4 : i32
      %add3A_172 = arith.addi %add3A_170, %add3A_171 : i32
      %sub3A_173 = arith.constant 1 : i32
      %sub3A_174 = arith.subi %add3A_172, %sub3A_173 : i32
      %lt3A_175 = arith.constant 160 : i32
      %lt3A_176 = arith.cmpi slt, %sub3A_174, %lt3A_175 : i32
      %convert_element_type3A_177 = arith.extui %lt3A_176 : i1 to i32
      %cond3A_178 = arith.constant 0 : i32
      %cond3A_179 = arith.cmpi ne, %convert_element_type3A_177, %cond3A_178 : i32
      scf.if %cond3A_179 {
        %dma_start3A_198 = arith.constant 2 : i32
        %dma_start3A_199 = arith.constant 0 : i32
        %dma_start3A_200 = arith.constant 0 : i32
        %dma_start3A_201 = tpu.memref_slice %arg8[%dma_start3A_198, %dma_start3A_199, %dma_start3A_200] : memref<4x128x64xf32, #tpu.memory_space<vmem>> -> memref<1x128x64xf32, #tpu.memory_space<vmem>>
        %dma_start3A_202 = tpu.memref_squeeze %dma_start3A_201 : memref<1x128x64xf32, #tpu.memory_space<vmem>> -> memref<128x64xf32, #tpu.memory_space<vmem>>
        %dma_start3A_203 = arith.constant 0 : i32
        %dma_start3A_204 = tpu.memref_slice %arg6[%sub3A_174, %dma_start3A_203] : memref<160x128xi32, #tpu.memory_space<vmem>> -> memref<1x128xi32, #tpu.memory_space<vmem>>
        %dma_start3A_205 = tpu.memref_squeeze %dma_start3A_204 : memref<1x128xi32, #tpu.memory_space<vmem>> -> memref<128xi32, #tpu.memory_space<vmem>>
        %dma_start3A_206 = arith.constant 0 : i32
        %dma_start3A_207 = arith.constant 0 : i32
        %dma_start3A_208 = tpu.memref_slice %arg2[%arg0, %dma_start3A_206, %dma_start3A_207] : memref<2x10240x64xf32, #tpu.memory_space<hbm>> -> memref<1x10240x64xf32, #tpu.memory_space<hbm>>
        %dma_start3A_209 = tpu.memref_squeeze %dma_start3A_208 : memref<1x10240x64xf32, #tpu.memory_space<hbm>> -> memref<10240x64xf32, #tpu.memory_space<hbm>>
        %dma_start3A_210 = arith.constant 0 : i32
        %dma_start3A_211 = arith.constant 0 : i32
        %dma_start3A_212 = tpu.memref_slice %dma_start3A_209[%dma_start3A_210, %dma_start3A_211] : memref<10240x64xf32, #tpu.memory_space<hbm>> -> memref<10240x64xf32, #tpu.memory_space<hbm>>
        tpu.enqueue_indirect_dma source(%dma_start3A_212 : memref<10240x64xf32, #tpu.memory_space<hbm>>) target(%dma_start3A_202 : memref<128x64xf32, #tpu.memory_space<vmem>>) offsets(%dma_start3A_205 : memref<128xi32, #tpu.memory_space<vmem>>) semaphore(%arg13 : memref<!tpu.dma_semaphore, #tpu.memory_space<semaphore_mem>>)
      } else {
      }
      %add3A_180 = arith.constant 3 : i32
      %add3A_181 = arith.addi %mul3A_86, %add3A_180 : i32
      %dma_wait3A_182 = arith.constant 3 : i32
      %dma_wait3A_183 = arith.constant 0 : i32
      %dma_wait3A_184 = arith.constant 0 : i32
      %dma_wait3A_185 = tpu.memref_slice %arg8[%dma_wait3A_182, %dma_wait3A_183, %dma_wait3A_184] : memref<4x128x64xf32, #tpu.memory_space<vmem>> -> memref<1x128x64xf32, #tpu.memory_space<vmem>>
      %dma_wait3A_186 = tpu.memref_squeeze %dma_wait3A_185 : memref<1x128x64xf32, #tpu.memory_space<vmem>> -> memref<128x64xf32, #tpu.memory_space<vmem>>
      %dma_wait3A_187 = arith.constant 0 : i32
      %dma_wait3A_188 = tpu.memref_slice %arg6[%add3A_181, %dma_wait3A_187] : memref<160x128xi32, #tpu.memory_space<vmem>> -> memref<1x128xi32, #tpu.memory_space<vmem>>
      %dma_wait3A_189 = tpu.memref_squeeze %dma_wait3A_188 : memref<1x128xi32, #tpu.memory_space<vmem>> -> memref<128xi32, #tpu.memory_space<vmem>>
      %dma_wait3A_190 = arith.constant 0 : i32
      %dma_wait3A_191 = arith.constant 0 : i32
      %dma_wait3A_192 = tpu.memref_slice %arg2[%arg0, %dma_wait3A_190, %dma_wait3A_191] : memref<2x10240x64xf32, #tpu.memory_space<hbm>> -> memref<1x10240x64xf32, #tpu.memory_space<hbm>>
      %dma_wait3A_193 = tpu.memref_squeeze %dma_wait3A_192 : memref<1x10240x64xf32, #tpu.memory_space<hbm>> -> memref<10240x64xf32, #tpu.memory_space<hbm>>
      %dma_wait3A_194 = arith.constant 0 : i32
      %dma_wait3A_195 = arith.constant 0 : i32
      %dma_wait3A_196 = tpu.memref_slice %dma_wait3A_193[%dma_wait3A_194, %dma_wait3A_195] : memref<10240x64xf32, #tpu.memory_space<hbm>> -> memref<10240x64xf32, #tpu.memory_space<hbm>>
      tpu.wait_indirect_dma semaphore(%arg14 : memref<!tpu.dma_semaphore, #tpu.memory_space<semaphore_mem>>) src(%dma_wait3A_196 : memref<10240x64xf32, #tpu.memory_space<hbm>>) dst(%dma_wait3A_186 : memref<128x64xf32, #tpu.memory_space<vmem>>)
      %run_scoped3A_197 = arith.constant 3 : i32
      "tpu.region"() ({
        %run_scoped3A_198 = tpu.sem_alloc : memref<!tpu.dma_semaphore, #tpu.memory_space<semaphore_mem>>
        %dma_start3A_199 = arith.constant 0 : i32
        %dma_start3A_200 = arith.constant 0 : i32
        %dma_start3A_201 = tpu.memref_slice %arg8[%run_scoped3A_197, %dma_start3A_199, %dma_start3A_200] : memref<4x128x64xf32, #tpu.memory_space<vmem>> -> memref<1x128x64xf32, #tpu.memory_space<vmem>>
        %dma_start3A_202 = tpu.memref_squeeze %dma_start3A_201 : memref<1x128x64xf32, #tpu.memory_space<vmem>> -> memref<128x64xf32, #tpu.memory_space<vmem>>
        %dma_start3A_203 = arith.constant 0 : i32
        %dma_start3A_204 = tpu.memref_slice %arg7[%add3A_181, %dma_start3A_203] : memref<160x128xi32, #tpu.memory_space<vmem>> -> memref<1x128xi32, #tpu.memory_space<vmem>>
        %dma_start3A_205 = tpu.memref_squeeze %dma_start3A_204 : memref<1x128xi32, #tpu.memory_space<vmem>> -> memref<128xi32, #tpu.memory_space<vmem>>
        %dma_start3A_206 = arith.constant 0 : i32
        %dma_start3A_207 = arith.constant 0 : i32
        %dma_start3A_208 = tpu.memref_slice %arg10[%dma_start3A_206, %dma_start3A_207] : memref<10240x64xf32, #tpu.memory_space<vmem_shared>> -> memref<10240x64xf32, #tpu.memory_space<vmem_shared>>
        tpu.enqueue_indirect_dma source(%dma_start3A_202 : memref<128x64xf32, #tpu.memory_space<vmem>>) target(%dma_start3A_208 : memref<10240x64xf32, #tpu.memory_space<vmem_shared>>) offsets(%dma_start3A_205 : memref<128xi32, #tpu.memory_space<vmem>>) semaphore(%run_scoped3A_198 : memref<!tpu.dma_semaphore, #tpu.memory_space<semaphore_mem>>) {add = true}
        %dma_wait3A_209 = arith.constant 0 : i32
        %dma_wait3A_210 = arith.constant 0 : i32
        %dma_wait3A_211 = tpu.memref_slice %arg8[%run_scoped3A_197, %dma_wait3A_209, %dma_wait3A_210] : memref<4x128x64xf32, #tpu.memory_space<vmem>> -> memref<1x128x64xf32, #tpu.memory_space<vmem>>
        %dma_wait3A_212 = tpu.memref_squeeze %dma_wait3A_211 : memref<1x128x64xf32, #tpu.memory_space<vmem>> -> memref<128x64xf32, #tpu.memory_space<vmem>>
        %dma_wait3A_213 = arith.constant 0 : i32
        %dma_wait3A_214 = tpu.memref_slice %arg7[%add3A_181, %dma_wait3A_213] : memref<160x128xi32, #tpu.memory_space<vmem>> -> memref<1x128xi32, #tpu.memory_space<vmem>>
        %dma_wait3A_215 = tpu.memref_squeeze %dma_wait3A_214 : memref<1x128xi32, #tpu.memory_space<vmem>> -> memref<128xi32, #tpu.memory_space<vmem>>
        %dma_wait3A_216 = arith.constant 0 : i32
        %dma_wait3A_217 = arith.constant 0 : i32
        %dma_wait3A_218 = tpu.memref_slice %arg10[%dma_wait3A_216, %dma_wait3A_217] : memref<10240x64xf32, #tpu.memory_space<vmem_shared>> -> memref<10240x64xf32, #tpu.memory_space<vmem_shared>>
        tpu.wait_indirect_dma semaphore(%run_scoped3A_198 : memref<!tpu.dma_semaphore, #tpu.memory_space<semaphore_mem>>) src(%dma_wait3A_212 : memref<128x64xf32, #tpu.memory_space<vmem>>) dst(%dma_wait3A_218 : memref<10240x64xf32, #tpu.memory_space<vmem_shared>>)
        tpu.yield
      }) : () -> ()
    }
    %scan3A_79 = arith.constant 40 : i32
    %barrier3A_80 = arith.constant 0 : index
    tpu.barrier barrier_id(%barrier3A_80)
    "tpu.region"() ({
      %run_scoped3A = tpu.sem_alloc : memref<!tpu.dma_semaphore, #tpu.memory_space<semaphore_mem>>
      %dma_start3A_81 = arith.constant 0 : i32
      %dma_start3A_82 = arith.constant 0 : i32
      %dma_start3A_83 = tpu.memref_slice %arg5[%arg0, %dma_start3A_81, %dma_start3A_82] : memref<2x10240x64xf32, #tpu.memory_space<hbm>> -> memref<1x10240x64xf32, #tpu.memory_space<hbm>>
      %dma_start3A_84 = tpu.memref_squeeze %dma_start3A_83 : memref<1x10240x64xf32, #tpu.memory_space<hbm>> -> memref<10240x64xf32, #tpu.memory_space<hbm>>
      %dma_start3A_85 = arith.constant 0 : i32
      %dma_start3A_86 = tpu.memref_slice %dma_start3A_84[%mul3A_14, %dma_start3A_85] : memref<10240x64xf32, #tpu.memory_space<hbm>> -> memref<640x64xf32, #tpu.memory_space<hbm>>
      %dma_start3A_87 = arith.constant 0 : i32
      %dma_start3A_88 = tpu.memref_slice %arg10[%mul3A_14, %dma_start3A_87] : memref<10240x64xf32, #tpu.memory_space<vmem_shared>> -> memref<640x64xf32, #tpu.memory_space<vmem_shared>>
      tpu.enqueue_dma source(%dma_start3A_88 : memref<640x64xf32, #tpu.memory_space<vmem_shared>>) target(%dma_start3A_86 : memref<640x64xf32, #tpu.memory_space<hbm>>) target_semaphore(%run_scoped3A : memref<!tpu.dma_semaphore, #tpu.memory_space<semaphore_mem>>)
      %dma_wait3A_89 = arith.constant 0 : i32
      %dma_wait3A_90 = arith.constant 0 : i32
      %dma_wait3A_91 = tpu.memref_slice %arg5[%arg0, %dma_wait3A_89, %dma_wait3A_90] : memref<2x10240x64xf32, #tpu.memory_space<hbm>> -> memref<1x10240x64xf32, #tpu.memory_space<hbm>>
      %dma_wait3A_92 = tpu.memref_squeeze %dma_wait3A_91 : memref<1x10240x64xf32, #tpu.memory_space<hbm>> -> memref<10240x64xf32, #tpu.memory_space<hbm>>
      %dma_wait3A_93 = arith.constant 0 : i32
      %dma_wait3A_94 = tpu.memref_slice %dma_wait3A_92[%mul3A_14, %dma_wait3A_93] : memref<10240x64xf32, #tpu.memory_space<hbm>> -> memref<640x64xf32, #tpu.memory_space<hbm>>
      %dma_wait3A_95 = arith.constant 0 : i32
      %dma_wait3A_96 = tpu.memref_slice %arg10[%mul3A_14, %dma_wait3A_95] : memref<10240x64xf32, #tpu.memory_space<vmem_shared>> -> memref<640x64xf32, #tpu.memory_space<vmem_shared>>
      tpu.wait_dma2 semaphore(%run_scoped3A : memref<!tpu.dma_semaphore, #tpu.memory_space<semaphore_mem>>) src(%dma_wait3A_96 : memref<640x64xf32, #tpu.memory_space<vmem_shared>>) dst(%dma_wait3A_94 : memref<640x64xf32, #tpu.memory_space<hbm>>)
      tpu.yield
    }) : () -> ()
    return
  }
}

#map = affine_map<(d0, d1) -> (0, 0, 0)>
#map1 = affine_map<(d0, d1) -> (0, 0)>
module attributes {stable_mosaic.version = 14 : i64} {
  func.func @_sc_aggregate(%arg0: i32, %arg1: i32, %arg2: memref<2x10240x64xf32, #tpu.memory_space<hbm>>, %arg3: memref<2560x128xi32, #tpu.memory_space<hbm>>, %arg4: memref<2560x128xi32, #tpu.memory_space<hbm>>, %arg5: memref<2x10240x64xf32, #tpu.memory_space<hbm>>, %arg6: memref<160x128xi32, #tpu.memory_space<vmem>>, %arg7: memref<160x128xi32, #tpu.memory_space<vmem>>, %arg8: memref<4x128x64xf32, #tpu.memory_space<vmem>>, %arg9: memref<128x64xf32, #tpu.memory_space<vmem>>, %arg10: memref<10240x64xf32, #tpu.memory_space<vmem_shared>>, %arg11: memref<!tpu.dma_semaphore, #tpu.memory_space<semaphore_mem>>, %arg12: memref<!tpu.dma_semaphore, #tpu.memory_space<semaphore_mem>>, %arg13: memref<!tpu.dma_semaphore, #tpu.memory_space<semaphore_mem>>, %arg14: memref<!tpu.dma_semaphore, #tpu.memory_space<semaphore_mem>>, %arg15: memref<!tpu.dma_semaphore, #tpu.memory_space<semaphore_mem>>, %arg16: memref<!tpu.dma_semaphore, #tpu.memory_space<semaphore_mem>>) attributes {dimension_semantics = [#tpu.dimension_semantics<core_parallel>, #tpu.dimension_semantics<subcore_parallel>], iteration_bounds = array<i64: 2, 16>, scalar_prefetch = 0 : i64, scratch_operands = 11 : i64, tpu.core_type = #tpu.core_type<sc_vector_subcore>, window_params = [{transform_indices = #map}, {transform_indices = #map1}, {transform_indices = #map1}, {transform_indices = #map}]} {
    %mul3A = arith.constant 160 : i32
    %mul3A_0 = arith.muli %arg1, %mul3A : i32
    %dma_start3A = arith.constant 0 : i32
    %dma_start3A_1 = tpu.memref_slice %arg3[%mul3A_0, %dma_start3A] : memref<2560x128xi32, #tpu.memory_space<hbm>> -> memref<160x128xi32, #tpu.memory_space<hbm>>
    %dma_start3A_2 = arith.constant 0 : i32
    %dma_start3A_3 = tpu.memref_slice %arg3[%mul3A_0, %dma_start3A_2] : memref<2560x128xi32, #tpu.memory_space<hbm>> -> memref<160x128xi32, #tpu.memory_space<hbm>>
    tpu.enqueue_dma source(%dma_start3A_3 : memref<160x128xi32, #tpu.memory_space<hbm>>) target(%arg6 : memref<160x128xi32, #tpu.memory_space<vmem>>) target_semaphore(%arg15 : memref<!tpu.dma_semaphore, #tpu.memory_space<semaphore_mem>>)
    %dma_start3A_4 = arith.constant 0 : i32
    %dma_start3A_5 = tpu.memref_slice %arg4[%mul3A_0, %dma_start3A_4] : memref<2560x128xi32, #tpu.memory_space<hbm>> -> memref<160x128xi32, #tpu.memory_space<hbm>>
    %dma_start3A_6 = arith.constant 0 : i32
    %dma_start3A_7 = tpu.memref_slice %arg4[%mul3A_0, %dma_start3A_6] : memref<2560x128xi32, #tpu.memory_space<hbm>> -> memref<160x128xi32, #tpu.memory_space<hbm>>
    tpu.enqueue_dma source(%dma_start3A_7 : memref<160x128xi32, #tpu.memory_space<hbm>>) target(%arg7 : memref<160x128xi32, #tpu.memory_space<vmem>>) target_semaphore(%arg16 : memref<!tpu.dma_semaphore, #tpu.memory_space<semaphore_mem>>)
    %broadcast_in_dim3A = arith.constant 0.000000e+00 : f32
    %broadcast_in_dim3A_8 = vector.broadcast %broadcast_in_dim3A : f32 to vector<16xf32>
    %scan3A = arith.constant 0 : i32
    %scan3A_9 = arith.constant 128 : i32
    %scan3A_10 = arith.addi %scan3A, %scan3A_9 : i32
    %scan3A_11 = arith.constant 1 : i32
    scf.for %scan3A_81 = %scan3A to %scan3A_10 step %scan3A_11  : i32 {
      %mul3A_82 = arith.constant 1 : i32
      %mul3A_83 = arith.muli %scan3A_81, %mul3A_82 : i32
      %add3A = arith.constant 0 : i32
      %add3A_84 = arith.addi %add3A, %mul3A_83 : i32
      %scan3A_85 = arith.constant 0 : i32
      %scan3A_86 = arith.constant 4 : i32
      %scan3A_87 = arith.addi %scan3A_85, %scan3A_86 : i32
      %scan3A_88 = arith.constant 1 : i32
      scf.for %scan3A_90 = %scan3A_85 to %scan3A_87 step %scan3A_88  : i32 {
        %mul3A_91 = arith.constant 1 : i32
        %mul3A_92 = arith.muli %scan3A_90, %mul3A_91 : i32
        %add3A_93 = arith.constant 0 : i32
        %add3A_94 = arith.addi %add3A_93, %mul3A_92 : i32
        %mul3A_95 = arith.constant 16 : i32
        %mul3A_96 = arith.muli %add3A_94, %mul3A_95 : i32
        %swap3A = arith.index_cast %add3A_84 : i32 to index
        %swap3A_97 = arith.index_cast %mul3A_96 : i32 to index
        %swap3A_98 = tpu.vector_load %arg9[%swap3A, %swap3A_97] {strides = array<i32>} : memref<128x64xf32, #tpu.memory_space<vmem>>, vector<1x16xf32>,
        %swap3A_99 = vector.shape_cast %swap3A_98 : vector<1x16xf32> to vector<16xf32>
        %swap3A_100 = vector.shape_cast %broadcast_in_dim3A_8 : vector<16xf32> to vector<1x16xf32>
        tpu.vector_store %arg9[%swap3A, %swap3A_97], %swap3A_100 {strides = array<i32>} : memref<128x64xf32, #tpu.memory_space<vmem>>, vector<1x16xf32>,
      }
      %scan3A_89 = arith.constant 4 : i32
    }
    %scan3A_12 = arith.constant 128 : i32
    %mul3A_13 = arith.constant 640 : i32
    %mul3A_14 = arith.muli %arg1, %mul3A_13 : i32
    %scan3A_15 = arith.constant 0 : i32
    %scan3A_16 = arith.constant 5 : i32
    %scan3A_17 = arith.addi %scan3A_15, %scan3A_16 : i32
    %scan3A_18 = arith.constant 1 : i32
    scf.for %scan3A_81 = %scan3A_15 to %scan3A_17 step %scan3A_18  : i32 {
      %mul3A_82 = arith.constant 1 : i32
      %mul3A_83 = arith.muli %scan3A_81, %mul3A_82 : i32
      %add3A = arith.constant 0 : i32
      %add3A_84 = arith.addi %add3A, %mul3A_83 : i32
      %mul3A_85 = arith.constant 128 : i32
      %mul3A_86 = arith.muli %add3A_84, %mul3A_85 : i32
      %add3A_87 = arith.addi %mul3A_14, %mul3A_86 : i32
      "tpu.region"() ({
        %run_scoped3A = tpu.sem_alloc : memref<!tpu.dma_semaphore, #tpu.memory_space<semaphore_mem>>
        %dma_start3A_88 = arith.constant 0 : i32
        %dma_start3A_89 = tpu.memref_slice %arg10[%add3A_87, %dma_start3A_88] : memref<10240x64xf32, #tpu.memory_space<vmem_shared>> -> memref<128x64xf32, #tpu.memory_space<vmem_shared>>
        %dma_start3A_90 = arith.constant 0 : i32
        %dma_start3A_91 = tpu.memref_slice %arg10[%add3A_87, %dma_start3A_90] : memref<10240x64xf32, #tpu.memory_space<vmem_shared>> -> memref<128x64xf32, #tpu.memory_space<vmem_shared>>
        tpu.enqueue_dma source(%arg9 : memref<128x64xf32, #tpu.memory_space<vmem>>) target(%dma_start3A_91 : memref<128x64xf32, #tpu.memory_space<vmem_shared>>) target_semaphore(%run_scoped3A : memref<!tpu.dma_semaphore, #tpu.memory_space<semaphore_mem>>)
        %dma_wait3A_92 = arith.constant 0 : i32
        %dma_wait3A_93 = tpu.memref_slice %arg10[%add3A_87, %dma_wait3A_92] : memref<10240x64xf32, #tpu.memory_space<vmem_shared>> -> memref<128x64xf32, #tpu.memory_space<vmem_shared>>
        %dma_wait3A_94 = arith.constant 0 : i32
        %dma_wait3A_95 = tpu.memref_slice %arg10[%add3A_87, %dma_wait3A_94] : memref<10240x64xf32, #tpu.memory_space<vmem_shared>> -> memref<128x64xf32, #tpu.memory_space<vmem_shared>>
        tpu.wait_dma2 semaphore(%run_scoped3A : memref<!tpu.dma_semaphore, #tpu.memory_space<semaphore_mem>>) src(%arg9 : memref<128x64xf32, #tpu.memory_space<vmem>>) dst(%dma_wait3A_95 : memref<128x64xf32, #tpu.memory_space<vmem_shared>>)
        tpu.yield
      }) : () -> ()
    }
    %scan3A_19 = arith.constant 5 : i32
    %barrier3A = arith.constant 0 : index
    tpu.barrier barrier_id(%barrier3A)
    %dma_wait3A = arith.constant 0 : i32
    %dma_wait3A_20 = tpu.memref_slice %arg3[%mul3A_0, %dma_wait3A] : memref<2560x128xi32, #tpu.memory_space<hbm>> -> memref<160x128xi32, #tpu.memory_space<hbm>>
    %dma_wait3A_21 = arith.constant 0 : i32
    %dma_wait3A_22 = tpu.memref_slice %arg3[%mul3A_0, %dma_wait3A_21] : memref<2560x128xi32, #tpu.memory_space<hbm>> -> memref<160x128xi32, #tpu.memory_space<hbm>>
    tpu.wait_dma2 semaphore(%arg15 : memref<!tpu.dma_semaphore, #tpu.memory_space<semaphore_mem>>) src(%dma_wait3A_22 : memref<160x128xi32, #tpu.memory_space<hbm>>) dst(%arg6 : memref<160x128xi32, #tpu.memory_space<vmem>>)
    %dma_wait3A_23 = arith.constant 0 : i32
    %dma_wait3A_24 = tpu.memref_slice %arg4[%mul3A_0, %dma_wait3A_23] : memref<2560x128xi32, #tpu.memory_space<hbm>> -> memref<160x128xi32, #tpu.memory_space<hbm>>
    %dma_wait3A_25 = arith.constant 0 : i32
    %dma_wait3A_26 = tpu.memref_slice %arg4[%mul3A_0, %dma_wait3A_25] : memref<2560x128xi32, #tpu.memory_space<hbm>> -> memref<160x128xi32, #tpu.memory_space<hbm>>
    tpu.wait_dma2 semaphore(%arg16 : memref<!tpu.dma_semaphore, #tpu.memory_space<semaphore_mem>>) src(%dma_wait3A_26 : memref<160x128xi32, #tpu.memory_space<hbm>>) dst(%arg7 : memref<160x128xi32, #tpu.memory_space<vmem>>)
    %dma_start3A_27 = arith.constant 0 : i32
    %dma_start3A_28 = arith.constant 0 : i32
    %dma_start3A_29 = arith.constant 0 : i32
    %dma_start3A_30 = arith.constant 0 : i32
    %dma_start3A_31 = tpu.memref_slice %arg8[%dma_start3A_28, %dma_start3A_29, %dma_start3A_30] : memref<4x128x64xf32, #tpu.memory_space<vmem>> -> memref<1x128x64xf32, #tpu.memory_space<vmem>>
    %dma_start3A_32 = tpu.memref_squeeze %dma_start3A_31 : memref<1x128x64xf32, #tpu.memory_space<vmem>> -> memref<128x64xf32, #tpu.memory_space<vmem>>
    %dma_start3A_33 = arith.constant 0 : i32
    %dma_start3A_34 = tpu.memref_slice %arg6[%dma_start3A_27, %dma_start3A_33] : memref<160x128xi32, #tpu.memory_space<vmem>> -> memref<1x128xi32, #tpu.memory_space<vmem>>
    %dma_start3A_35 = tpu.memref_squeeze %dma_start3A_34 : memref<1x128xi32, #tpu.memory_space<vmem>> -> memref<128xi32, #tpu.memory_space<vmem>>
    %dma_start3A_36 = arith.constant 0 : i32
    %dma_start3A_37 = arith.constant 0 : i32
    %dma_start3A_38 = tpu.memref_slice %arg2[%arg0, %dma_start3A_36, %dma_start3A_37] : memref<2x10240x64xf32, #tpu.memory_space<hbm>> -> memref<1x10240x64xf32, #tpu.memory_space<hbm>>
    %dma_start3A_39 = tpu.memref_squeeze %dma_start3A_38 : memref<1x10240x64xf32, #tpu.memory_space<hbm>> -> memref<10240x64xf32, #tpu.memory_space<hbm>>
    %dma_start3A_40 = arith.constant 0 : i32
    %dma_start3A_41 = arith.constant 0 : i32
    %dma_start3A_42 = tpu.memref_slice %dma_start3A_39[%dma_start3A_40, %dma_start3A_41] : memref<10240x64xf32, #tpu.memory_space<hbm>> -> memref<10240x64xf32, #tpu.memory_space<hbm>>
    tpu.enqueue_indirect_dma source(%dma_start3A_42 : memref<10240x64xf32, #tpu.memory_space<hbm>>) target(%dma_start3A_32 : memref<128x64xf32, #tpu.memory_space<vmem>>) offsets(%dma_start3A_35 : memref<128xi32, #tpu.memory_space<vmem>>) semaphore(%arg11 : memref<!tpu.dma_semaphore, #tpu.memory_space<semaphore_mem>>)
    %dma_start3A_43 = arith.constant 1 : i32
    %dma_start3A_44 = arith.constant 1 : i32
    %dma_start3A_45 = arith.constant 0 : i32
    %dma_start3A_46 = arith.constant 0 : i32
    %dma_start3A_47 = tpu.memref_slice %arg8[%dma_start3A_44, %dma_start3A_45, %dma_start3A_46] : memref<4x128x64xf32, #tpu.memory_space<vmem>> -> memref<1x128x64xf32, #tpu.memory_space<vmem>>
    %dma_start3A_48 = tpu.memref_squeeze %dma_start3A_47 : memref<1x128x64xf32, #tpu.memory_space<vmem>> -> memref<128x64xf32, #tpu.memory_space<vmem>>
    %dma_start3A_49 = arith.constant 0 : i32
    %dma_start3A_50 = tpu.memref_slice %arg6[%dma_start3A_43, %dma_start3A_49] : memref<160x128xi32, #tpu.memory_space<vmem>> -> memref<1x128xi32, #tpu.memory_space<vmem>>
    %dma_start3A_51 = tpu.memref_squeeze %dma_start3A_50 : memref<1x128xi32, #tpu.memory_space<vmem>> -> memref<128xi32, #tpu.memory_space<vmem>>
    %dma_start3A_52 = arith.constant 0 : i32
    %dma_start3A_53 = arith.constant 0 : i32
    %dma_start3A_54 = tpu.memref_slice %arg2[%arg0, %dma_start3A_52, %dma_start3A_53] : memref<2x10240x64xf32, #tpu.memory_space<hbm>> -> memref<1x10240x64xf32, #tpu.memory_space<hbm>>
    %dma_start3A_55 = tpu.memref_squeeze %dma_start3A_54 : memref<1x10240x64xf32, #tpu.memory_space<hbm>> -> memref<10240x64xf32, #tpu.memory_space<hbm>>
    %dma_start3A_56 = arith.constant 0 : i32
    %dma_start3A_57 = arith.constant 0 : i32
    %dma_start3A_58 = tpu.memref_slice %dma_start3A_55[%dma_start3A_56, %dma_start3A_57] : memref<10240x64xf32, #tpu.memory_space<hbm>> -> memref<10240x64xf32, #tpu.memory_space<hbm>>
    tpu.enqueue_indirect_dma source(%dma_start3A_58 : memref<10240x64xf32, #tpu.memory_space<hbm>>) target(%dma_start3A_48 : memref<128x64xf32, #tpu.memory_space<vmem>>) offsets(%dma_start3A_51 : memref<128xi32, #tpu.memory_space<vmem>>) semaphore(%arg12 : memref<!tpu.dma_semaphore, #tpu.memory_space<semaphore_mem>>)
    %dma_start3A_59 = arith.constant 2 : i32
    %dma_start3A_60 = arith.constant 2 : i32
    %dma_start3A_61 = arith.constant 0 : i32
    %dma_start3A_62 = arith.constant 0 : i32
    %dma_start3A_63 = tpu.memref_slice %arg8[%dma_start3A_60, %dma_start3A_61, %dma_start3A_62] : memref<4x128x64xf32, #tpu.memory_space<vmem>> -> memref<1x128x64xf32, #tpu.memory_space<vmem>>
    %dma_start3A_64 = tpu.memref_squeeze %dma_start3A_63 : memref<1x128x64xf32, #tpu.memory_space<vmem>> -> memref<128x64xf32, #tpu.memory_space<vmem>>
    %dma_start3A_65 = arith.constant 0 : i32
    %dma_start3A_66 = tpu.memref_slice %arg6[%dma_start3A_59, %dma_start3A_65] : memref<160x128xi32, #tpu.memory_space<vmem>> -> memref<1x128xi32, #tpu.memory_space<vmem>>
    %dma_start3A_67 = tpu.memref_squeeze %dma_start3A_66 : memref<1x128xi32, #tpu.memory_space<vmem>> -> memref<128xi32, #tpu.memory_space<vmem>>
    %dma_start3A_68 = arith.constant 0 : i32
    %dma_start3A_69 = arith.constant 0 : i32
    %dma_start3A_70 = tpu.memref_slice %arg2[%arg0, %dma_start3A_68, %dma_start3A_69] : memref<2x10240x64xf32, #tpu.memory_space<hbm>> -> memref<1x10240x64xf32, #tpu.memory_space<hbm>>
    %dma_start3A_71 = tpu.memref_squeeze %dma_start3A_70 : memref<1x10240x64xf32, #tpu.memory_space<hbm>> -> memref<10240x64xf32, #tpu.memory_space<hbm>>
    %dma_start3A_72 = arith.constant 0 : i32
    %dma_start3A_73 = arith.constant 0 : i32
    %dma_start3A_74 = tpu.memref_slice %dma_start3A_71[%dma_start3A_72, %dma_start3A_73] : memref<10240x64xf32, #tpu.memory_space<hbm>> -> memref<10240x64xf32, #tpu.memory_space<hbm>>
    tpu.enqueue_indirect_dma source(%dma_start3A_74 : memref<10240x64xf32, #tpu.memory_space<hbm>>) target(%dma_start3A_64 : memref<128x64xf32, #tpu.memory_space<vmem>>) offsets(%dma_start3A_67 : memref<128xi32, #tpu.memory_space<vmem>>) semaphore(%arg13 : memref<!tpu.dma_semaphore, #tpu.memory_space<semaphore_mem>>)
    %scan3A_75 = arith.constant 0 : i32
    %scan3A_76 = arith.constant 40 : i32
    %scan3A_77 = arith.addi %scan3A_75, %scan3A_76 : i32
    %scan3A_78 = arith.constant 1 : i32
    scf.for %scan3A_81 = %scan3A_75 to %scan3A_77 step %scan3A_78  : i32 {
      %mul3A_82 = arith.constant 1 : i32
      %mul3A_83 = arith.muli %scan3A_81, %mul3A_82 : i32
      %add3A = arith.constant 0 : i32
      %add3A_84 = arith.addi %add3A, %mul3A_83 : i32
      %mul3A_85 = arith.constant 4 : i32
      %mul3A_86 = arith.muli %add3A_84, %mul3A_85 : i32
      %add3A_87 = arith.constant 0 : i32
      %add3A_88 = arith.addi %mul3A_86, %add3A_87 : i32
      %add3A_89 = arith.constant 4 : i32
      %add3A_90 = arith.addi %add3A_88, %add3A_89 : i32
      %sub3A = arith.constant 1 : i32
      %sub3A_91 = arith.subi %add3A_90, %sub3A : i32
      %lt3A = arith.constant 160 : i32
      %lt3A_92 = arith.cmpi slt, %sub3A_91, %lt3A : i32
      %convert_element_type3A = arith.extui %lt3A_92 : i1 to i32
      %cond3A = arith.constant 0 : i32
      %cond3A_93 = arith.cmpi ne, %convert_element_type3A, %cond3A : i32
      scf.if %cond3A_93 {
        %dma_start3A_198 = arith.constant 3 : i32
        %dma_start3A_199 = arith.constant 0 : i32
        %dma_start3A_200 = arith.constant 0 : i32
        %dma_start3A_201 = tpu.memref_slice %arg8[%dma_start3A_198, %dma_start3A_199, %dma_start3A_200] : memref<4x128x64xf32, #tpu.memory_space<vmem>> -> memref<1x128x64xf32, #tpu.memory_space<vmem>>
        %dma_start3A_202 = tpu.memref_squeeze %dma_start3A_201 : memref<1x128x64xf32, #tpu.memory_space<vmem>> -> memref<128x64xf32, #tpu.memory_space<vmem>>
        %dma_start3A_203 = arith.constant 0 : i32
        %dma_start3A_204 = tpu.memref_slice %arg6[%sub3A_91, %dma_start3A_203] : memref<160x128xi32, #tpu.memory_space<vmem>> -> memref<1x128xi32, #tpu.memory_space<vmem>>
        %dma_start3A_205 = tpu.memref_squeeze %dma_start3A_204 : memref<1x128xi32, #tpu.memory_space<vmem>> -> memref<128xi32, #tpu.memory_space<vmem>>
        %dma_start3A_206 = arith.constant 0 : i32
        %dma_start3A_207 = arith.constant 0 : i32
        %dma_start3A_208 = tpu.memref_slice %arg2[%arg0, %dma_start3A_206, %dma_start3A_207] : memref<2x10240x64xf32, #tpu.memory_space<hbm>> -> memref<1x10240x64xf32, #tpu.memory_space<hbm>>
        %dma_start3A_209 = tpu.memref_squeeze %dma_start3A_208 : memref<1x10240x64xf32, #tpu.memory_space<hbm>> -> memref<10240x64xf32, #tpu.memory_space<hbm>>
        %dma_start3A_210 = arith.constant 0 : i32
        %dma_start3A_211 = arith.constant 0 : i32
        %dma_start3A_212 = tpu.memref_slice %dma_start3A_209[%dma_start3A_210, %dma_start3A_211] : memref<10240x64xf32, #tpu.memory_space<hbm>> -> memref<10240x64xf32, #tpu.memory_space<hbm>>
        tpu.enqueue_indirect_dma source(%dma_start3A_212 : memref<10240x64xf32, #tpu.memory_space<hbm>>) target(%dma_start3A_202 : memref<128x64xf32, #tpu.memory_space<vmem>>) offsets(%dma_start3A_205 : memref<128xi32, #tpu.memory_space<vmem>>) semaphore(%arg14 : memref<!tpu.dma_semaphore, #tpu.memory_space<semaphore_mem>>)
      } else {
      }
      %add3A_94 = arith.constant 0 : i32
      %add3A_95 = arith.addi %mul3A_86, %add3A_94 : i32
      %dma_wait3A_96 = arith.constant 0 : i32
      %dma_wait3A_97 = arith.constant 0 : i32
      %dma_wait3A_98 = arith.constant 0 : i32
      %dma_wait3A_99 = tpu.memref_slice %arg8[%dma_wait3A_96, %dma_wait3A_97, %dma_wait3A_98] : memref<4x128x64xf32, #tpu.memory_space<vmem>> -> memref<1x128x64xf32, #tpu.memory_space<vmem>>
      %dma_wait3A_100 = tpu.memref_squeeze %dma_wait3A_99 : memref<1x128x64xf32, #tpu.memory_space<vmem>> -> memref<128x64xf32, #tpu.memory_space<vmem>>
      %dma_wait3A_101 = arith.constant 0 : i32
      %dma_wait3A_102 = tpu.memref_slice %arg6[%add3A_95, %dma_wait3A_101] : memref<160x128xi32, #tpu.memory_space<vmem>> -> memref<1x128xi32, #tpu.memory_space<vmem>>
      %dma_wait3A_103 = tpu.memref_squeeze %dma_wait3A_102 : memref<1x128xi32, #tpu.memory_space<vmem>> -> memref<128xi32, #tpu.memory_space<vmem>>
      %dma_wait3A_104 = arith.constant 0 : i32
      %dma_wait3A_105 = arith.constant 0 : i32
      %dma_wait3A_106 = tpu.memref_slice %arg2[%arg0, %dma_wait3A_104, %dma_wait3A_105] : memref<2x10240x64xf32, #tpu.memory_space<hbm>> -> memref<1x10240x64xf32, #tpu.memory_space<hbm>>
      %dma_wait3A_107 = tpu.memref_squeeze %dma_wait3A_106 : memref<1x10240x64xf32, #tpu.memory_space<hbm>> -> memref<10240x64xf32, #tpu.memory_space<hbm>>
      %dma_wait3A_108 = arith.constant 0 : i32
      %dma_wait3A_109 = arith.constant 0 : i32
      %dma_wait3A_110 = tpu.memref_slice %dma_wait3A_107[%dma_wait3A_108, %dma_wait3A_109] : memref<10240x64xf32, #tpu.memory_space<hbm>> -> memref<10240x64xf32, #tpu.memory_space<hbm>>
      tpu.wait_indirect_dma semaphore(%arg11 : memref<!tpu.dma_semaphore, #tpu.memory_space<semaphore_mem>>) src(%dma_wait3A_110 : memref<10240x64xf32, #tpu.memory_space<hbm>>) dst(%dma_wait3A_100 : memref<128x64xf32, #tpu.memory_space<vmem>>)
      %run_scoped3A = arith.constant 0 : i32
      "tpu.region"() ({
        %run_scoped3A_198 = tpu.sem_alloc : memref<!tpu.dma_semaphore, #tpu.memory_space<semaphore_mem>>
        %dma_start3A_199 = arith.constant 0 : i32
        %dma_start3A_200 = arith.constant 0 : i32
        %dma_start3A_201 = tpu.memref_slice %arg8[%run_scoped3A, %dma_start3A_199, %dma_start3A_200] : memref<4x128x64xf32, #tpu.memory_space<vmem>> -> memref<1x128x64xf32, #tpu.memory_space<vmem>>
        %dma_start3A_202 = tpu.memref_squeeze %dma_start3A_201 : memref<1x128x64xf32, #tpu.memory_space<vmem>> -> memref<128x64xf32, #tpu.memory_space<vmem>>
        %dma_start3A_203 = arith.constant 0 : i32
        %dma_start3A_204 = tpu.memref_slice %arg7[%add3A_95, %dma_start3A_203] : memref<160x128xi32, #tpu.memory_space<vmem>> -> memref<1x128xi32, #tpu.memory_space<vmem>>
        %dma_start3A_205 = tpu.memref_squeeze %dma_start3A_204 : memref<1x128xi32, #tpu.memory_space<vmem>> -> memref<128xi32, #tpu.memory_space<vmem>>
        %dma_start3A_206 = arith.constant 0 : i32
        %dma_start3A_207 = arith.constant 0 : i32
        %dma_start3A_208 = tpu.memref_slice %arg10[%dma_start3A_206, %dma_start3A_207] : memref<10240x64xf32, #tpu.memory_space<vmem_shared>> -> memref<10240x64xf32, #tpu.memory_space<vmem_shared>>
        tpu.enqueue_indirect_dma source(%dma_start3A_202 : memref<128x64xf32, #tpu.memory_space<vmem>>) target(%dma_start3A_208 : memref<10240x64xf32, #tpu.memory_space<vmem_shared>>) offsets(%dma_start3A_205 : memref<128xi32, #tpu.memory_space<vmem>>) semaphore(%run_scoped3A_198 : memref<!tpu.dma_semaphore, #tpu.memory_space<semaphore_mem>>) {add = true}
        %dma_wait3A_209 = arith.constant 0 : i32
        %dma_wait3A_210 = arith.constant 0 : i32
        %dma_wait3A_211 = tpu.memref_slice %arg8[%run_scoped3A, %dma_wait3A_209, %dma_wait3A_210] : memref<4x128x64xf32, #tpu.memory_space<vmem>> -> memref<1x128x64xf32, #tpu.memory_space<vmem>>
        %dma_wait3A_212 = tpu.memref_squeeze %dma_wait3A_211 : memref<1x128x64xf32, #tpu.memory_space<vmem>> -> memref<128x64xf32, #tpu.memory_space<vmem>>
        %dma_wait3A_213 = arith.constant 0 : i32
        %dma_wait3A_214 = tpu.memref_slice %arg7[%add3A_95, %dma_wait3A_213] : memref<160x128xi32, #tpu.memory_space<vmem>> -> memref<1x128xi32, #tpu.memory_space<vmem>>
        %dma_wait3A_215 = tpu.memref_squeeze %dma_wait3A_214 : memref<1x128xi32, #tpu.memory_space<vmem>> -> memref<128xi32, #tpu.memory_space<vmem>>
        %dma_wait3A_216 = arith.constant 0 : i32
        %dma_wait3A_217 = arith.constant 0 : i32
        %dma_wait3A_218 = tpu.memref_slice %arg10[%dma_wait3A_216, %dma_wait3A_217] : memref<10240x64xf32, #tpu.memory_space<vmem_shared>> -> memref<10240x64xf32, #tpu.memory_space<vmem_shared>>
        tpu.wait_indirect_dma semaphore(%run_scoped3A_198 : memref<!tpu.dma_semaphore, #tpu.memory_space<semaphore_mem>>) src(%dma_wait3A_212 : memref<128x64xf32, #tpu.memory_space<vmem>>) dst(%dma_wait3A_218 : memref<10240x64xf32, #tpu.memory_space<vmem_shared>>)
        tpu.yield
      }) : () -> ()
      %add3A_111 = arith.constant 1 : i32
      %add3A_112 = arith.addi %mul3A_86, %add3A_111 : i32
      %add3A_113 = arith.constant 4 : i32
      %add3A_114 = arith.addi %add3A_112, %add3A_113 : i32
      %sub3A_115 = arith.constant 1 : i32
      %sub3A_116 = arith.subi %add3A_114, %sub3A_115 : i32
      %lt3A_117 = arith.constant 160 : i32
      %lt3A_118 = arith.cmpi slt, %sub3A_116, %lt3A_117 : i32
      %convert_element_type3A_119 = arith.extui %lt3A_118 : i1 to i32
      %cond3A_120 = arith.constant 0 : i32
      %cond3A_121 = arith.cmpi ne, %convert_element_type3A_119, %cond3A_120 : i32
      scf.if %cond3A_121 {
        %dma_start3A_198 = arith.constant 0 : i32
        %dma_start3A_199 = arith.constant 0 : i32
        %dma_start3A_200 = arith.constant 0 : i32
        %dma_start3A_201 = tpu.memref_slice %arg8[%dma_start3A_198, %dma_start3A_199, %dma_start3A_200] : memref<4x128x64xf32, #tpu.memory_space<vmem>> -> memref<1x128x64xf32, #tpu.memory_space<vmem>>
        %dma_start3A_202 = tpu.memref_squeeze %dma_start3A_201 : memref<1x128x64xf32, #tpu.memory_space<vmem>> -> memref<128x64xf32, #tpu.memory_space<vmem>>
        %dma_start3A_203 = arith.constant 0 : i32
        %dma_start3A_204 = tpu.memref_slice %arg6[%sub3A_116, %dma_start3A_203] : memref<160x128xi32, #tpu.memory_space<vmem>> -> memref<1x128xi32, #tpu.memory_space<vmem>>
        %dma_start3A_205 = tpu.memref_squeeze %dma_start3A_204 : memref<1x128xi32, #tpu.memory_space<vmem>> -> memref<128xi32, #tpu.memory_space<vmem>>
        %dma_start3A_206 = arith.constant 0 : i32
        %dma_start3A_207 = arith.constant 0 : i32
        %dma_start3A_208 = tpu.memref_slice %arg2[%arg0, %dma_start3A_206, %dma_start3A_207] : memref<2x10240x64xf32, #tpu.memory_space<hbm>> -> memref<1x10240x64xf32, #tpu.memory_space<hbm>>
        %dma_start3A_209 = tpu.memref_squeeze %dma_start3A_208 : memref<1x10240x64xf32, #tpu.memory_space<hbm>> -> memref<10240x64xf32, #tpu.memory_space<hbm>>
        %dma_start3A_210 = arith.constant 0 : i32
        %dma_start3A_211 = arith.constant 0 : i32
        %dma_start3A_212 = tpu.memref_slice %dma_start3A_209[%dma_start3A_210, %dma_start3A_211] : memref<10240x64xf32, #tpu.memory_space<hbm>> -> memref<10240x64xf32, #tpu.memory_space<hbm>>
        tpu.enqueue_indirect_dma source(%dma_start3A_212 : memref<10240x64xf32, #tpu.memory_space<hbm>>) target(%dma_start3A_202 : memref<128x64xf32, #tpu.memory_space<vmem>>) offsets(%dma_start3A_205 : memref<128xi32, #tpu.memory_space<vmem>>) semaphore(%arg11 : memref<!tpu.dma_semaphore, #tpu.memory_space<semaphore_mem>>)
      } else {
      }
      %add3A_122 = arith.constant 1 : i32
      %add3A_123 = arith.addi %mul3A_86, %add3A_122 : i32
      %dma_wait3A_124 = arith.constant 1 : i32
      %dma_wait3A_125 = arith.constant 0 : i32
      %dma_wait3A_126 = arith.constant 0 : i32
      %dma_wait3A_127 = tpu.memref_slice %arg8[%dma_wait3A_124, %dma_wait3A_125, %dma_wait3A_126] : memref<4x128x64xf32, #tpu.memory_space<vmem>> -> memref<1x128x64xf32, #tpu.memory_space<vmem>>
      %dma_wait3A_128 = tpu.memref_squeeze %dma_wait3A_127 : memref<1x128x64xf32, #tpu.memory_space<vmem>> -> memref<128x64xf32, #tpu.memory_space<vmem>>
      %dma_wait3A_129 = arith.constant 0 : i32
      %dma_wait3A_130 = tpu.memref_slice %arg6[%add3A_123, %dma_wait3A_129] : memref<160x128xi32, #tpu.memory_space<vmem>> -> memref<1x128xi32, #tpu.memory_space<vmem>>
      %dma_wait3A_131 = tpu.memref_squeeze %dma_wait3A_130 : memref<1x128xi32, #tpu.memory_space<vmem>> -> memref<128xi32, #tpu.memory_space<vmem>>
      %dma_wait3A_132 = arith.constant 0 : i32
      %dma_wait3A_133 = arith.constant 0 : i32
      %dma_wait3A_134 = tpu.memref_slice %arg2[%arg0, %dma_wait3A_132, %dma_wait3A_133] : memref<2x10240x64xf32, #tpu.memory_space<hbm>> -> memref<1x10240x64xf32, #tpu.memory_space<hbm>>
      %dma_wait3A_135 = tpu.memref_squeeze %dma_wait3A_134 : memref<1x10240x64xf32, #tpu.memory_space<hbm>> -> memref<10240x64xf32, #tpu.memory_space<hbm>>
      %dma_wait3A_136 = arith.constant 0 : i32
      %dma_wait3A_137 = arith.constant 0 : i32
      %dma_wait3A_138 = tpu.memref_slice %dma_wait3A_135[%dma_wait3A_136, %dma_wait3A_137] : memref<10240x64xf32, #tpu.memory_space<hbm>> -> memref<10240x64xf32, #tpu.memory_space<hbm>>
      tpu.wait_indirect_dma semaphore(%arg12 : memref<!tpu.dma_semaphore, #tpu.memory_space<semaphore_mem>>) src(%dma_wait3A_138 : memref<10240x64xf32, #tpu.memory_space<hbm>>) dst(%dma_wait3A_128 : memref<128x64xf32, #tpu.memory_space<vmem>>)
      %run_scoped3A_139 = arith.constant 1 : i32
      "tpu.region"() ({
        %run_scoped3A_198 = tpu.sem_alloc : memref<!tpu.dma_semaphore, #tpu.memory_space<semaphore_mem>>
        %dma_start3A_199 = arith.constant 0 : i32
        %dma_start3A_200 = arith.constant 0 : i32
        %dma_start3A_201 = tpu.memref_slice %arg8[%run_scoped3A_139, %dma_start3A_199, %dma_start3A_200] : memref<4x128x64xf32, #tpu.memory_space<vmem>> -> memref<1x128x64xf32, #tpu.memory_space<vmem>>
        %dma_start3A_202 = tpu.memref_squeeze %dma_start3A_201 : memref<1x128x64xf32, #tpu.memory_space<vmem>> -> memref<128x64xf32, #tpu.memory_space<vmem>>
        %dma_start3A_203 = arith.constant 0 : i32
        %dma_start3A_204 = tpu.memref_slice %arg7[%add3A_123, %dma_start3A_203] : memref<160x128xi32, #tpu.memory_space<vmem>> -> memref<1x128xi32, #tpu.memory_space<vmem>>
        %dma_start3A_205 = tpu.memref_squeeze %dma_start3A_204 : memref<1x128xi32, #tpu.memory_space<vmem>> -> memref<128xi32, #tpu.memory_space<vmem>>
        %dma_start3A_206 = arith.constant 0 : i32
        %dma_start3A_207 = arith.constant 0 : i32
        %dma_start3A_208 = tpu.memref_slice %arg10[%dma_start3A_206, %dma_start3A_207] : memref<10240x64xf32, #tpu.memory_space<vmem_shared>> -> memref<10240x64xf32, #tpu.memory_space<vmem_shared>>
        tpu.enqueue_indirect_dma source(%dma_start3A_202 : memref<128x64xf32, #tpu.memory_space<vmem>>) target(%dma_start3A_208 : memref<10240x64xf32, #tpu.memory_space<vmem_shared>>) offsets(%dma_start3A_205 : memref<128xi32, #tpu.memory_space<vmem>>) semaphore(%run_scoped3A_198 : memref<!tpu.dma_semaphore, #tpu.memory_space<semaphore_mem>>) {add = true}
        %dma_wait3A_209 = arith.constant 0 : i32
        %dma_wait3A_210 = arith.constant 0 : i32
        %dma_wait3A_211 = tpu.memref_slice %arg8[%run_scoped3A_139, %dma_wait3A_209, %dma_wait3A_210] : memref<4x128x64xf32, #tpu.memory_space<vmem>> -> memref<1x128x64xf32, #tpu.memory_space<vmem>>
        %dma_wait3A_212 = tpu.memref_squeeze %dma_wait3A_211 : memref<1x128x64xf32, #tpu.memory_space<vmem>> -> memref<128x64xf32, #tpu.memory_space<vmem>>
        %dma_wait3A_213 = arith.constant 0 : i32
        %dma_wait3A_214 = tpu.memref_slice %arg7[%add3A_123, %dma_wait3A_213] : memref<160x128xi32, #tpu.memory_space<vmem>> -> memref<1x128xi32, #tpu.memory_space<vmem>>
        %dma_wait3A_215 = tpu.memref_squeeze %dma_wait3A_214 : memref<1x128xi32, #tpu.memory_space<vmem>> -> memref<128xi32, #tpu.memory_space<vmem>>
        %dma_wait3A_216 = arith.constant 0 : i32
        %dma_wait3A_217 = arith.constant 0 : i32
        %dma_wait3A_218 = tpu.memref_slice %arg10[%dma_wait3A_216, %dma_wait3A_217] : memref<10240x64xf32, #tpu.memory_space<vmem_shared>> -> memref<10240x64xf32, #tpu.memory_space<vmem_shared>>
        tpu.wait_indirect_dma semaphore(%run_scoped3A_198 : memref<!tpu.dma_semaphore, #tpu.memory_space<semaphore_mem>>) src(%dma_wait3A_212 : memref<128x64xf32, #tpu.memory_space<vmem>>) dst(%dma_wait3A_218 : memref<10240x64xf32, #tpu.memory_space<vmem_shared>>)
        tpu.yield
      }) : () -> ()
      %add3A_140 = arith.constant 2 : i32
      %add3A_141 = arith.addi %mul3A_86, %add3A_140 : i32
      %add3A_142 = arith.constant 4 : i32
      %add3A_143 = arith.addi %add3A_141, %add3A_142 : i32
      %sub3A_144 = arith.constant 1 : i32
      %sub3A_145 = arith.subi %add3A_143, %sub3A_144 : i32
      %lt3A_146 = arith.constant 160 : i32
      %lt3A_147 = arith.cmpi slt, %sub3A_145, %lt3A_146 : i32
      %convert_element_type3A_148 = arith.extui %lt3A_147 : i1 to i32
      %cond3A_149 = arith.constant 0 : i32
      %cond3A_150 = arith.cmpi ne, %convert_element_type3A_148, %cond3A_149 : i32
      scf.if %cond3A_150 {
        %dma_start3A_198 = arith.constant 1 : i32
        %dma_start3A_199 = arith.constant 0 : i32
        %dma_start3A_200 = arith.constant 0 : i32
        %dma_start3A_201 = tpu.memref_slice %arg8[%dma_start3A_198, %dma_start3A_199, %dma_start3A_200] : memref<4x128x64xf32, #tpu.memory_space<vmem>> -> memref<1x128x64xf32, #tpu.memory_space<vmem>>
        %dma_start3A_202 = tpu.memref_squeeze %dma_start3A_201 : memref<1x128x64xf32, #tpu.memory_space<vmem>> -> memref<128x64xf32, #tpu.memory_space<vmem>>
        %dma_start3A_203 = arith.constant 0 : i32
        %dma_start3A_204 = tpu.memref_slice %arg6[%sub3A_145, %dma_start3A_203] : memref<160x128xi32, #tpu.memory_space<vmem>> -> memref<1x128xi32, #tpu.memory_space<vmem>>
        %dma_start3A_205 = tpu.memref_squeeze %dma_start3A_204 : memref<1x128xi32, #tpu.memory_space<vmem>> -> memref<128xi32, #tpu.memory_space<vmem>>
        %dma_start3A_206 = arith.constant 0 : i32
        %dma_start3A_207 = arith.constant 0 : i32
        %dma_start3A_208 = tpu.memref_slice %arg2[%arg0, %dma_start3A_206, %dma_start3A_207] : memref<2x10240x64xf32, #tpu.memory_space<hbm>> -> memref<1x10240x64xf32, #tpu.memory_space<hbm>>
        %dma_start3A_209 = tpu.memref_squeeze %dma_start3A_208 : memref<1x10240x64xf32, #tpu.memory_space<hbm>> -> memref<10240x64xf32, #tpu.memory_space<hbm>>
        %dma_start3A_210 = arith.constant 0 : i32
        %dma_start3A_211 = arith.constant 0 : i32
        %dma_start3A_212 = tpu.memref_slice %dma_start3A_209[%dma_start3A_210, %dma_start3A_211] : memref<10240x64xf32, #tpu.memory_space<hbm>> -> memref<10240x64xf32, #tpu.memory_space<hbm>>
        tpu.enqueue_indirect_dma source(%dma_start3A_212 : memref<10240x64xf32, #tpu.memory_space<hbm>>) target(%dma_start3A_202 : memref<128x64xf32, #tpu.memory_space<vmem>>) offsets(%dma_start3A_205 : memref<128xi32, #tpu.memory_space<vmem>>) semaphore(%arg12 : memref<!tpu.dma_semaphore, #tpu.memory_space<semaphore_mem>>)
      } else {
      }
      %add3A_151 = arith.constant 2 : i32
      %add3A_152 = arith.addi %mul3A_86, %add3A_151 : i32
      %dma_wait3A_153 = arith.constant 2 : i32
      %dma_wait3A_154 = arith.constant 0 : i32
      %dma_wait3A_155 = arith.constant 0 : i32
      %dma_wait3A_156 = tpu.memref_slice %arg8[%dma_wait3A_153, %dma_wait3A_154, %dma_wait3A_155] : memref<4x128x64xf32, #tpu.memory_space<vmem>> -> memref<1x128x64xf32, #tpu.memory_space<vmem>>
      %dma_wait3A_157 = tpu.memref_squeeze %dma_wait3A_156 : memref<1x128x64xf32, #tpu.memory_space<vmem>> -> memref<128x64xf32, #tpu.memory_space<vmem>>
      %dma_wait3A_158 = arith.constant 0 : i32
      %dma_wait3A_159 = tpu.memref_slice %arg6[%add3A_152, %dma_wait3A_158] : memref<160x128xi32, #tpu.memory_space<vmem>> -> memref<1x128xi32, #tpu.memory_space<vmem>>
      %dma_wait3A_160 = tpu.memref_squeeze %dma_wait3A_159 : memref<1x128xi32, #tpu.memory_space<vmem>> -> memref<128xi32, #tpu.memory_space<vmem>>
      %dma_wait3A_161 = arith.constant 0 : i32
      %dma_wait3A_162 = arith.constant 0 : i32
      %dma_wait3A_163 = tpu.memref_slice %arg2[%arg0, %dma_wait3A_161, %dma_wait3A_162] : memref<2x10240x64xf32, #tpu.memory_space<hbm>> -> memref<1x10240x64xf32, #tpu.memory_space<hbm>>
      %dma_wait3A_164 = tpu.memref_squeeze %dma_wait3A_163 : memref<1x10240x64xf32, #tpu.memory_space<hbm>> -> memref<10240x64xf32, #tpu.memory_space<hbm>>
      %dma_wait3A_165 = arith.constant 0 : i32
      %dma_wait3A_166 = arith.constant 0 : i32
      %dma_wait3A_167 = tpu.memref_slice %dma_wait3A_164[%dma_wait3A_165, %dma_wait3A_166] : memref<10240x64xf32, #tpu.memory_space<hbm>> -> memref<10240x64xf32, #tpu.memory_space<hbm>>
      tpu.wait_indirect_dma semaphore(%arg13 : memref<!tpu.dma_semaphore, #tpu.memory_space<semaphore_mem>>) src(%dma_wait3A_167 : memref<10240x64xf32, #tpu.memory_space<hbm>>) dst(%dma_wait3A_157 : memref<128x64xf32, #tpu.memory_space<vmem>>)
      %run_scoped3A_168 = arith.constant 2 : i32
      "tpu.region"() ({
        %run_scoped3A_198 = tpu.sem_alloc : memref<!tpu.dma_semaphore, #tpu.memory_space<semaphore_mem>>
        %dma_start3A_199 = arith.constant 0 : i32
        %dma_start3A_200 = arith.constant 0 : i32
        %dma_start3A_201 = tpu.memref_slice %arg8[%run_scoped3A_168, %dma_start3A_199, %dma_start3A_200] : memref<4x128x64xf32, #tpu.memory_space<vmem>> -> memref<1x128x64xf32, #tpu.memory_space<vmem>>
        %dma_start3A_202 = tpu.memref_squeeze %dma_start3A_201 : memref<1x128x64xf32, #tpu.memory_space<vmem>> -> memref<128x64xf32, #tpu.memory_space<vmem>>
        %dma_start3A_203 = arith.constant 0 : i32
        %dma_start3A_204 = tpu.memref_slice %arg7[%add3A_152, %dma_start3A_203] : memref<160x128xi32, #tpu.memory_space<vmem>> -> memref<1x128xi32, #tpu.memory_space<vmem>>
        %dma_start3A_205 = tpu.memref_squeeze %dma_start3A_204 : memref<1x128xi32, #tpu.memory_space<vmem>> -> memref<128xi32, #tpu.memory_space<vmem>>
        %dma_start3A_206 = arith.constant 0 : i32
        %dma_start3A_207 = arith.constant 0 : i32
        %dma_start3A_208 = tpu.memref_slice %arg10[%dma_start3A_206, %dma_start3A_207] : memref<10240x64xf32, #tpu.memory_space<vmem_shared>> -> memref<10240x64xf32, #tpu.memory_space<vmem_shared>>
        tpu.enqueue_indirect_dma source(%dma_start3A_202 : memref<128x64xf32, #tpu.memory_space<vmem>>) target(%dma_start3A_208 : memref<10240x64xf32, #tpu.memory_space<vmem_shared>>) offsets(%dma_start3A_205 : memref<128xi32, #tpu.memory_space<vmem>>) semaphore(%run_scoped3A_198 : memref<!tpu.dma_semaphore, #tpu.memory_space<semaphore_mem>>) {add = true}
        %dma_wait3A_209 = arith.constant 0 : i32
        %dma_wait3A_210 = arith.constant 0 : i32
        %dma_wait3A_211 = tpu.memref_slice %arg8[%run_scoped3A_168, %dma_wait3A_209, %dma_wait3A_210] : memref<4x128x64xf32, #tpu.memory_space<vmem>> -> memref<1x128x64xf32, #tpu.memory_space<vmem>>
        %dma_wait3A_212 = tpu.memref_squeeze %dma_wait3A_211 : memref<1x128x64xf32, #tpu.memory_space<vmem>> -> memref<128x64xf32, #tpu.memory_space<vmem>>
        %dma_wait3A_213 = arith.constant 0 : i32
        %dma_wait3A_214 = tpu.memref_slice %arg7[%add3A_152, %dma_wait3A_213] : memref<160x128xi32, #tpu.memory_space<vmem>> -> memref<1x128xi32, #tpu.memory_space<vmem>>
        %dma_wait3A_215 = tpu.memref_squeeze %dma_wait3A_214 : memref<1x128xi32, #tpu.memory_space<vmem>> -> memref<128xi32, #tpu.memory_space<vmem>>
        %dma_wait3A_216 = arith.constant 0 : i32
        %dma_wait3A_217 = arith.constant 0 : i32
        %dma_wait3A_218 = tpu.memref_slice %arg10[%dma_wait3A_216, %dma_wait3A_217] : memref<10240x64xf32, #tpu.memory_space<vmem_shared>> -> memref<10240x64xf32, #tpu.memory_space<vmem_shared>>
        tpu.wait_indirect_dma semaphore(%run_scoped3A_198 : memref<!tpu.dma_semaphore, #tpu.memory_space<semaphore_mem>>) src(%dma_wait3A_212 : memref<128x64xf32, #tpu.memory_space<vmem>>) dst(%dma_wait3A_218 : memref<10240x64xf32, #tpu.memory_space<vmem_shared>>)
        tpu.yield
      }) : () -> ()
      %add3A_169 = arith.constant 3 : i32
      %add3A_170 = arith.addi %mul3A_86, %add3A_169 : i32
      %add3A_171 = arith.constant 4 : i32
      %add3A_172 = arith.addi %add3A_170, %add3A_171 : i32
      %sub3A_173 = arith.constant 1 : i32
      %sub3A_174 = arith.subi %add3A_172, %sub3A_173 : i32
      %lt3A_175 = arith.constant 160 : i32
      %lt3A_176 = arith.cmpi slt, %sub3A_174, %lt3A_175 : i32
      %convert_element_type3A_177 = arith.extui %lt3A_176 : i1 to i32
      %cond3A_178 = arith.constant 0 : i32
      %cond3A_179 = arith.cmpi ne, %convert_element_type3A_177, %cond3A_178 : i32
      scf.if %cond3A_179 {
        %dma_start3A_198 = arith.constant 2 : i32
        %dma_start3A_199 = arith.constant 0 : i32
        %dma_start3A_200 = arith.constant 0 : i32
        %dma_start3A_201 = tpu.memref_slice %arg8[%dma_start3A_198, %dma_start3A_199, %dma_start3A_200] : memref<4x128x64xf32, #tpu.memory_space<vmem>> -> memref<1x128x64xf32, #tpu.memory_space<vmem>>
        %dma_start3A_202 = tpu.memref_squeeze %dma_start3A_201 : memref<1x128x64xf32, #tpu.memory_space<vmem>> -> memref<128x64xf32, #tpu.memory_space<vmem>>
        %dma_start3A_203 = arith.constant 0 : i32
        %dma_start3A_204 = tpu.memref_slice %arg6[%sub3A_174, %dma_start3A_203] : memref<160x128xi32, #tpu.memory_space<vmem>> -> memref<1x128xi32, #tpu.memory_space<vmem>>
        %dma_start3A_205 = tpu.memref_squeeze %dma_start3A_204 : memref<1x128xi32, #tpu.memory_space<vmem>> -> memref<128xi32, #tpu.memory_space<vmem>>
        %dma_start3A_206 = arith.constant 0 : i32
        %dma_start3A_207 = arith.constant 0 : i32
        %dma_start3A_208 = tpu.memref_slice %arg2[%arg0, %dma_start3A_206, %dma_start3A_207] : memref<2x10240x64xf32, #tpu.memory_space<hbm>> -> memref<1x10240x64xf32, #tpu.memory_space<hbm>>
        %dma_start3A_209 = tpu.memref_squeeze %dma_start3A_208 : memref<1x10240x64xf32, #tpu.memory_space<hbm>> -> memref<10240x64xf32, #tpu.memory_space<hbm>>
        %dma_start3A_210 = arith.constant 0 : i32
        %dma_start3A_211 = arith.constant 0 : i32
        %dma_start3A_212 = tpu.memref_slice %dma_start3A_209[%dma_start3A_210, %dma_start3A_211] : memref<10240x64xf32, #tpu.memory_space<hbm>> -> memref<10240x64xf32, #tpu.memory_space<hbm>>
        tpu.enqueue_indirect_dma source(%dma_start3A_212 : memref<10240x64xf32, #tpu.memory_space<hbm>>) target(%dma_start3A_202 : memref<128x64xf32, #tpu.memory_space<vmem>>) offsets(%dma_start3A_205 : memref<128xi32, #tpu.memory_space<vmem>>) semaphore(%arg13 : memref<!tpu.dma_semaphore, #tpu.memory_space<semaphore_mem>>)
      } else {
      }
      %add3A_180 = arith.constant 3 : i32
      %add3A_181 = arith.addi %mul3A_86, %add3A_180 : i32
      %dma_wait3A_182 = arith.constant 3 : i32
      %dma_wait3A_183 = arith.constant 0 : i32
      %dma_wait3A_184 = arith.constant 0 : i32
      %dma_wait3A_185 = tpu.memref_slice %arg8[%dma_wait3A_182, %dma_wait3A_183, %dma_wait3A_184] : memref<4x128x64xf32, #tpu.memory_space<vmem>> -> memref<1x128x64xf32, #tpu.memory_space<vmem>>
      %dma_wait3A_186 = tpu.memref_squeeze %dma_wait3A_185 : memref<1x128x64xf32, #tpu.memory_space<vmem>> -> memref<128x64xf32, #tpu.memory_space<vmem>>
      %dma_wait3A_187 = arith.constant 0 : i32
      %dma_wait3A_188 = tpu.memref_slice %arg6[%add3A_181, %dma_wait3A_187] : memref<160x128xi32, #tpu.memory_space<vmem>> -> memref<1x128xi32, #tpu.memory_space<vmem>>
      %dma_wait3A_189 = tpu.memref_squeeze %dma_wait3A_188 : memref<1x128xi32, #tpu.memory_space<vmem>> -> memref<128xi32, #tpu.memory_space<vmem>>
      %dma_wait3A_190 = arith.constant 0 : i32
      %dma_wait3A_191 = arith.constant 0 : i32
      %dma_wait3A_192 = tpu.memref_slice %arg2[%arg0, %dma_wait3A_190, %dma_wait3A_191] : memref<2x10240x64xf32, #tpu.memory_space<hbm>> -> memref<1x10240x64xf32, #tpu.memory_space<hbm>>
      %dma_wait3A_193 = tpu.memref_squeeze %dma_wait3A_192 : memref<1x10240x64xf32, #tpu.memory_space<hbm>> -> memref<10240x64xf32, #tpu.memory_space<hbm>>
      %dma_wait3A_194 = arith.constant 0 : i32
      %dma_wait3A_195 = arith.constant 0 : i32
      %dma_wait3A_196 = tpu.memref_slice %dma_wait3A_193[%dma_wait3A_194, %dma_wait3A_195] : memref<10240x64xf32, #tpu.memory_space<hbm>> -> memref<10240x64xf32, #tpu.memory_space<hbm>>
      tpu.wait_indirect_dma semaphore(%arg14 : memref<!tpu.dma_semaphore, #tpu.memory_space<semaphore_mem>>) src(%dma_wait3A_196 : memref<10240x64xf32, #tpu.memory_space<hbm>>) dst(%dma_wait3A_186 : memref<128x64xf32, #tpu.memory_space<vmem>>)
      %run_scoped3A_197 = arith.constant 3 : i32
      "tpu.region"() ({
        %run_scoped3A_198 = tpu.sem_alloc : memref<!tpu.dma_semaphore, #tpu.memory_space<semaphore_mem>>
        %dma_start3A_199 = arith.constant 0 : i32
        %dma_start3A_200 = arith.constant 0 : i32
        %dma_start3A_201 = tpu.memref_slice %arg8[%run_scoped3A_197, %dma_start3A_199, %dma_start3A_200] : memref<4x128x64xf32, #tpu.memory_space<vmem>> -> memref<1x128x64xf32, #tpu.memory_space<vmem>>
        %dma_start3A_202 = tpu.memref_squeeze %dma_start3A_201 : memref<1x128x64xf32, #tpu.memory_space<vmem>> -> memref<128x64xf32, #tpu.memory_space<vmem>>
        %dma_start3A_203 = arith.constant 0 : i32
        %dma_start3A_204 = tpu.memref_slice %arg7[%add3A_181, %dma_start3A_203] : memref<160x128xi32, #tpu.memory_space<vmem>> -> memref<1x128xi32, #tpu.memory_space<vmem>>
        %dma_start3A_205 = tpu.memref_squeeze %dma_start3A_204 : memref<1x128xi32, #tpu.memory_space<vmem>> -> memref<128xi32, #tpu.memory_space<vmem>>
        %dma_start3A_206 = arith.constant 0 : i32
        %dma_start3A_207 = arith.constant 0 : i32
        %dma_start3A_208 = tpu.memref_slice %arg10[%dma_start3A_206, %dma_start3A_207] : memref<10240x64xf32, #tpu.memory_space<vmem_shared>> -> memref<10240x64xf32, #tpu.memory_space<vmem_shared>>
        tpu.enqueue_indirect_dma source(%dma_start3A_202 : memref<128x64xf32, #tpu.memory_space<vmem>>) target(%dma_start3A_208 : memref<10240x64xf32, #tpu.memory_space<vmem_shared>>) offsets(%dma_start3A_205 : memref<128xi32, #tpu.memory_space<vmem>>) semaphore(%run_scoped3A_198 : memref<!tpu.dma_semaphore, #tpu.memory_space<semaphore_mem>>) {add = true}
        %dma_wait3A_209 = arith.constant 0 : i32
        %dma_wait3A_210 = arith.constant 0 : i32
        %dma_wait3A_211 = tpu.memref_slice %arg8[%run_scoped3A_197, %dma_wait3A_209, %dma_wait3A_210] : memref<4x128x64xf32, #tpu.memory_space<vmem>> -> memref<1x128x64xf32, #tpu.memory_space<vmem>>
        %dma_wait3A_212 = tpu.memref_squeeze %dma_wait3A_211 : memref<1x128x64xf32, #tpu.memory_space<vmem>> -> memref<128x64xf32, #tpu.memory_space<vmem>>
        %dma_wait3A_213 = arith.constant 0 : i32
        %dma_wait3A_214 = tpu.memref_slice %arg7[%add3A_181, %dma_wait3A_213] : memref<160x128xi32, #tpu.memory_space<vmem>> -> memref<1x128xi32, #tpu.memory_space<vmem>>
        %dma_wait3A_215 = tpu.memref_squeeze %dma_wait3A_214 : memref<1x128xi32, #tpu.memory_space<vmem>> -> memref<128xi32, #tpu.memory_space<vmem>>
        %dma_wait3A_216 = arith.constant 0 : i32
        %dma_wait3A_217 = arith.constant 0 : i32
        %dma_wait3A_218 = tpu.memref_slice %arg10[%dma_wait3A_216, %dma_wait3A_217] : memref<10240x64xf32, #tpu.memory_space<vmem_shared>> -> memref<10240x64xf32, #tpu.memory_space<vmem_shared>>
        tpu.wait_indirect_dma semaphore(%run_scoped3A_198 : memref<!tpu.dma_semaphore, #tpu.memory_space<semaphore_mem>>) src(%dma_wait3A_212 : memref<128x64xf32, #tpu.memory_space<vmem>>) dst(%dma_wait3A_218 : memref<10240x64xf32, #tpu.memory_space<vmem_shared>>)
        tpu.yield
      }) : () -> ()
    }
    %scan3A_79 = arith.constant 40 : i32
    %barrier3A_80 = arith.constant 0 : index
    tpu.barrier barrier_id(%barrier3A_80)
    "tpu.region"() ({
      %run_scoped3A = tpu.sem_alloc : memref<!tpu.dma_semaphore, #tpu.memory_space<semaphore_mem>>
      %dma_start3A_81 = arith.constant 0 : i32
      %dma_start3A_82 = arith.constant 0 : i32
      %dma_start3A_83 = tpu.memref_slice %arg5[%arg0, %dma_start3A_81, %dma_start3A_82] : memref<2x10240x64xf32, #tpu.memory_space<hbm>> -> memref<1x10240x64xf32, #tpu.memory_space<hbm>>
      %dma_start3A_84 = tpu.memref_squeeze %dma_start3A_83 : memref<1x10240x64xf32, #tpu.memory_space<hbm>> -> memref<10240x64xf32, #tpu.memory_space<hbm>>
      %dma_start3A_85 = arith.constant 0 : i32
      %dma_start3A_86 = tpu.memref_slice %dma_start3A_84[%mul3A_14, %dma_start3A_85] : memref<10240x64xf32, #tpu.memory_space<hbm>> -> memref<640x64xf32, #tpu.memory_space<hbm>>
      %dma_start3A_87 = arith.constant 0 : i32
      %dma_start3A_88 = tpu.memref_slice %arg10[%mul3A_14, %dma_start3A_87] : memref<10240x64xf32, #tpu.memory_space<vmem_shared>> -> memref<640x64xf32, #tpu.memory_space<vmem_shared>>
      tpu.enqueue_dma source(%dma_start3A_88 : memref<640x64xf32, #tpu.memory_space<vmem_shared>>) target(%dma_start3A_86 : memref<640x64xf32, #tpu.memory_space<hbm>>) target_semaphore(%run_scoped3A : memref<!tpu.dma_semaphore, #tpu.memory_space<semaphore_mem>>)
      %dma_wait3A_89 = arith.constant 0 : i32
      %dma_wait3A_90 = arith.constant 0 : i32
      %dma_wait3A_91 = tpu.memref_slice %arg5[%arg0, %dma_wait3A_89, %dma_wait3A_90] : memref<2x10240x64xf32, #tpu.memory_space<hbm>> -> memref<1x10240x64xf32, #tpu.memory_space<hbm>>
      %dma_wait3A_92 = tpu.memref_squeeze %dma_wait3A_91 : memref<1x10240x64xf32, #tpu.memory_space<hbm>> -> memref<10240x64xf32, #tpu.memory_space<hbm>>
      %dma_wait3A_93 = arith.constant 0 : i32
      %dma_wait3A_94 = tpu.memref_slice %dma_wait3A_92[%mul3A_14, %dma_wait3A_93] : memref<10240x64xf32, #tpu.memory_space<hbm>> -> memref<640x64xf32, #tpu.memory_space<hbm>>
      %dma_wait3A_95 = arith.constant 0 : i32
      %dma_wait3A_96 = tpu.memref_slice %arg10[%mul3A_14, %dma_wait3A_95] : memref<10240x64xf32, #tpu.memory_space<vmem_shared>> -> memref<640x64xf32, #tpu.memory_space<vmem_shared>>
      tpu.wait_dma2 semaphore(%run_scoped3A : memref<!tpu.dma_semaphore, #tpu.memory_space<semaphore_mem>>) src(%dma_wait3A_96 : memref<640x64xf32, #tpu.memory_space<vmem_shared>>) dst(%dma_wait3A_94 : memref<640x64xf32, #tpu.memory_space<hbm>>)
      tpu.yield
    }) : () -> ()
    return
  }
}

#map = affine_map<(d0, d1) -> (0, 0, 0)>
#map1 = affine_map<(d0, d1) -> (0, 0)>
module attributes {stable_mosaic.version = 14 : i64} {
  func.func @_sc_aggregate(%arg0: i32, %arg1: i32, %arg2: memref<2x10240x64xf32, #tpu.memory_space<hbm>>, %arg3: memref<2560x128xi32, #tpu.memory_space<hbm>>, %arg4: memref<2560x128xi32, #tpu.memory_space<hbm>>, %arg5: memref<2x10240x64xf32, #tpu.memory_space<hbm>>, %arg6: memref<160x128xi32, #tpu.memory_space<vmem>>, %arg7: memref<160x128xi32, #tpu.memory_space<vmem>>, %arg8: memref<4x128x64xf32, #tpu.memory_space<vmem>>, %arg9: memref<128x64xf32, #tpu.memory_space<vmem>>, %arg10: memref<10240x64xf32, #tpu.memory_space<vmem_shared>>, %arg11: memref<!tpu.dma_semaphore, #tpu.memory_space<semaphore_mem>>, %arg12: memref<!tpu.dma_semaphore, #tpu.memory_space<semaphore_mem>>, %arg13: memref<!tpu.dma_semaphore, #tpu.memory_space<semaphore_mem>>, %arg14: memref<!tpu.dma_semaphore, #tpu.memory_space<semaphore_mem>>, %arg15: memref<!tpu.dma_semaphore, #tpu.memory_space<semaphore_mem>>, %arg16: memref<!tpu.dma_semaphore, #tpu.memory_space<semaphore_mem>>) attributes {dimension_semantics = [#tpu.dimension_semantics<core_parallel>, #tpu.dimension_semantics<subcore_parallel>], iteration_bounds = array<i64: 2, 16>, scalar_prefetch = 0 : i64, scratch_operands = 11 : i64, tpu.core_type = #tpu.core_type<sc_vector_subcore>, window_params = [{transform_indices = #map}, {transform_indices = #map1}, {transform_indices = #map1}, {transform_indices = #map}]} {
    %mul3A = arith.constant 160 : i32
    %mul3A_0 = arith.muli %arg1, %mul3A : i32
    %dma_start3A = arith.constant 0 : i32
    %dma_start3A_1 = tpu.memref_slice %arg3[%mul3A_0, %dma_start3A] : memref<2560x128xi32, #tpu.memory_space<hbm>> -> memref<160x128xi32, #tpu.memory_space<hbm>>
    %dma_start3A_2 = arith.constant 0 : i32
    %dma_start3A_3 = tpu.memref_slice %arg3[%mul3A_0, %dma_start3A_2] : memref<2560x128xi32, #tpu.memory_space<hbm>> -> memref<160x128xi32, #tpu.memory_space<hbm>>
    tpu.enqueue_dma source(%dma_start3A_3 : memref<160x128xi32, #tpu.memory_space<hbm>>) target(%arg6 : memref<160x128xi32, #tpu.memory_space<vmem>>) target_semaphore(%arg15 : memref<!tpu.dma_semaphore, #tpu.memory_space<semaphore_mem>>)
    %dma_start3A_4 = arith.constant 0 : i32
    %dma_start3A_5 = tpu.memref_slice %arg4[%mul3A_0, %dma_start3A_4] : memref<2560x128xi32, #tpu.memory_space<hbm>> -> memref<160x128xi32, #tpu.memory_space<hbm>>
    %dma_start3A_6 = arith.constant 0 : i32
    %dma_start3A_7 = tpu.memref_slice %arg4[%mul3A_0, %dma_start3A_6] : memref<2560x128xi32, #tpu.memory_space<hbm>> -> memref<160x128xi32, #tpu.memory_space<hbm>>
    tpu.enqueue_dma source(%dma_start3A_7 : memref<160x128xi32, #tpu.memory_space<hbm>>) target(%arg7 : memref<160x128xi32, #tpu.memory_space<vmem>>) target_semaphore(%arg16 : memref<!tpu.dma_semaphore, #tpu.memory_space<semaphore_mem>>)
    %broadcast_in_dim3A = arith.constant 0.000000e+00 : f32
    %broadcast_in_dim3A_8 = vector.broadcast %broadcast_in_dim3A : f32 to vector<16xf32>
    %scan3A = arith.constant 0 : i32
    %scan3A_9 = arith.constant 128 : i32
    %scan3A_10 = arith.addi %scan3A, %scan3A_9 : i32
    %scan3A_11 = arith.constant 1 : i32
    scf.for %scan3A_81 = %scan3A to %scan3A_10 step %scan3A_11  : i32 {
      %mul3A_82 = arith.constant 1 : i32
      %mul3A_83 = arith.muli %scan3A_81, %mul3A_82 : i32
      %add3A = arith.constant 0 : i32
      %add3A_84 = arith.addi %add3A, %mul3A_83 : i32
      %scan3A_85 = arith.constant 0 : i32
      %scan3A_86 = arith.constant 4 : i32
      %scan3A_87 = arith.addi %scan3A_85, %scan3A_86 : i32
      %scan3A_88 = arith.constant 1 : i32
      scf.for %scan3A_90 = %scan3A_85 to %scan3A_87 step %scan3A_88  : i32 {
        %mul3A_91 = arith.constant 1 : i32
        %mul3A_92 = arith.muli %scan3A_90, %mul3A_91 : i32
        %add3A_93 = arith.constant 0 : i32
        %add3A_94 = arith.addi %add3A_93, %mul3A_92 : i32
        %mul3A_95 = arith.constant 16 : i32
        %mul3A_96 = arith.muli %add3A_94, %mul3A_95 : i32
        %swap3A = arith.index_cast %add3A_84 : i32 to index
        %swap3A_97 = arith.index_cast %mul3A_96 : i32 to index
        %swap3A_98 = tpu.vector_load %arg9[%swap3A, %swap3A_97] {strides = array<i32>} : memref<128x64xf32, #tpu.memory_space<vmem>>, vector<1x16xf32>,
        %swap3A_99 = vector.shape_cast %swap3A_98 : vector<1x16xf32> to vector<16xf32>
        %swap3A_100 = vector.shape_cast %broadcast_in_dim3A_8 : vector<16xf32> to vector<1x16xf32>
        tpu.vector_store %arg9[%swap3A, %swap3A_97], %swap3A_100 {strides = array<i32>} : memref<128x64xf32, #tpu.memory_space<vmem>>, vector<1x16xf32>,
      }
      %scan3A_89 = arith.constant 4 : i32
    }
    %scan3A_12 = arith.constant 128 : i32
    %mul3A_13 = arith.constant 640 : i32
    %mul3A_14 = arith.muli %arg1, %mul3A_13 : i32
    %scan3A_15 = arith.constant 0 : i32
    %scan3A_16 = arith.constant 5 : i32
    %scan3A_17 = arith.addi %scan3A_15, %scan3A_16 : i32
    %scan3A_18 = arith.constant 1 : i32
    scf.for %scan3A_81 = %scan3A_15 to %scan3A_17 step %scan3A_18  : i32 {
      %mul3A_82 = arith.constant 1 : i32
      %mul3A_83 = arith.muli %scan3A_81, %mul3A_82 : i32
      %add3A = arith.constant 0 : i32
      %add3A_84 = arith.addi %add3A, %mul3A_83 : i32
      %mul3A_85 = arith.constant 128 : i32
      %mul3A_86 = arith.muli %add3A_84, %mul3A_85 : i32
      %add3A_87 = arith.addi %mul3A_14, %mul3A_86 : i32
      "tpu.region"() ({
        %run_scoped3A = tpu.sem_alloc : memref<!tpu.dma_semaphore, #tpu.memory_space<semaphore_mem>>
        %dma_start3A_88 = arith.constant 0 : i32
        %dma_start3A_89 = tpu.memref_slice %arg10[%add3A_87, %dma_start3A_88] : memref<10240x64xf32, #tpu.memory_space<vmem_shared>> -> memref<128x64xf32, #tpu.memory_space<vmem_shared>>
        %dma_start3A_90 = arith.constant 0 : i32
        %dma_start3A_91 = tpu.memref_slice %arg10[%add3A_87, %dma_start3A_90] : memref<10240x64xf32, #tpu.memory_space<vmem_shared>> -> memref<128x64xf32, #tpu.memory_space<vmem_shared>>
        tpu.enqueue_dma source(%arg9 : memref<128x64xf32, #tpu.memory_space<vmem>>) target(%dma_start3A_91 : memref<128x64xf32, #tpu.memory_space<vmem_shared>>) target_semaphore(%run_scoped3A : memref<!tpu.dma_semaphore, #tpu.memory_space<semaphore_mem>>)
        %dma_wait3A_92 = arith.constant 0 : i32
        %dma_wait3A_93 = tpu.memref_slice %arg10[%add3A_87, %dma_wait3A_92] : memref<10240x64xf32, #tpu.memory_space<vmem_shared>> -> memref<128x64xf32, #tpu.memory_space<vmem_shared>>
        %dma_wait3A_94 = arith.constant 0 : i32
        %dma_wait3A_95 = tpu.memref_slice %arg10[%add3A_87, %dma_wait3A_94] : memref<10240x64xf32, #tpu.memory_space<vmem_shared>> -> memref<128x64xf32, #tpu.memory_space<vmem_shared>>
        tpu.wait_dma2 semaphore(%run_scoped3A : memref<!tpu.dma_semaphore, #tpu.memory_space<semaphore_mem>>) src(%arg9 : memref<128x64xf32, #tpu.memory_space<vmem>>) dst(%dma_wait3A_95 : memref<128x64xf32, #tpu.memory_space<vmem_shared>>)
        tpu.yield
      }) : () -> ()
    }
    %scan3A_19 = arith.constant 5 : i32
    %barrier3A = arith.constant 0 : index
    tpu.barrier barrier_id(%barrier3A)
    %dma_wait3A = arith.constant 0 : i32
    %dma_wait3A_20 = tpu.memref_slice %arg3[%mul3A_0, %dma_wait3A] : memref<2560x128xi32, #tpu.memory_space<hbm>> -> memref<160x128xi32, #tpu.memory_space<hbm>>
    %dma_wait3A_21 = arith.constant 0 : i32
    %dma_wait3A_22 = tpu.memref_slice %arg3[%mul3A_0, %dma_wait3A_21] : memref<2560x128xi32, #tpu.memory_space<hbm>> -> memref<160x128xi32, #tpu.memory_space<hbm>>
    tpu.wait_dma2 semaphore(%arg15 : memref<!tpu.dma_semaphore, #tpu.memory_space<semaphore_mem>>) src(%dma_wait3A_22 : memref<160x128xi32, #tpu.memory_space<hbm>>) dst(%arg6 : memref<160x128xi32, #tpu.memory_space<vmem>>)
    %dma_wait3A_23 = arith.constant 0 : i32
    %dma_wait3A_24 = tpu.memref_slice %arg4[%mul3A_0, %dma_wait3A_23] : memref<2560x128xi32, #tpu.memory_space<hbm>> -> memref<160x128xi32, #tpu.memory_space<hbm>>
    %dma_wait3A_25 = arith.constant 0 : i32
    %dma_wait3A_26 = tpu.memref_slice %arg4[%mul3A_0, %dma_wait3A_25] : memref<2560x128xi32, #tpu.memory_space<hbm>> -> memref<160x128xi32, #tpu.memory_space<hbm>>
    tpu.wait_dma2 semaphore(%arg16 : memref<!tpu.dma_semaphore, #tpu.memory_space<semaphore_mem>>) src(%dma_wait3A_26 : memref<160x128xi32, #tpu.memory_space<hbm>>) dst(%arg7 : memref<160x128xi32, #tpu.memory_space<vmem>>)
    %dma_start3A_27 = arith.constant 0 : i32
    %dma_start3A_28 = arith.constant 0 : i32
    %dma_start3A_29 = arith.constant 0 : i32
    %dma_start3A_30 = arith.constant 0 : i32
    %dma_start3A_31 = tpu.memref_slice %arg8[%dma_start3A_28, %dma_start3A_29, %dma_start3A_30] : memref<4x128x64xf32, #tpu.memory_space<vmem>> -> memref<1x128x64xf32, #tpu.memory_space<vmem>>
    %dma_start3A_32 = tpu.memref_squeeze %dma_start3A_31 : memref<1x128x64xf32, #tpu.memory_space<vmem>> -> memref<128x64xf32, #tpu.memory_space<vmem>>
    %dma_start3A_33 = arith.constant 0 : i32
    %dma_start3A_34 = tpu.memref_slice %arg6[%dma_start3A_27, %dma_start3A_33] : memref<160x128xi32, #tpu.memory_space<vmem>> -> memref<1x128xi32, #tpu.memory_space<vmem>>
    %dma_start3A_35 = tpu.memref_squeeze %dma_start3A_34 : memref<1x128xi32, #tpu.memory_space<vmem>> -> memref<128xi32, #tpu.memory_space<vmem>>
    %dma_start3A_36 = arith.constant 0 : i32
    %dma_start3A_37 = arith.constant 0 : i32
    %dma_start3A_38 = tpu.memref_slice %arg2[%arg0, %dma_start3A_36, %dma_start3A_37] : memref<2x10240x64xf32, #tpu.memory_space<hbm>> -> memref<1x10240x64xf32, #tpu.memory_space<hbm>>
    %dma_start3A_39 = tpu.memref_squeeze %dma_start3A_38 : memref<1x10240x64xf32, #tpu.memory_space<hbm>> -> memref<10240x64xf32, #tpu.memory_space<hbm>>
    %dma_start3A_40 = arith.constant 0 : i32
    %dma_start3A_41 = arith.constant 0 : i32
    %dma_start3A_42 = tpu.memref_slice %dma_start3A_39[%dma_start3A_40, %dma_start3A_41] : memref<10240x64xf32, #tpu.memory_space<hbm>> -> memref<10240x64xf32, #tpu.memory_space<hbm>>
    tpu.enqueue_indirect_dma source(%dma_start3A_42 : memref<10240x64xf32, #tpu.memory_space<hbm>>) target(%dma_start3A_32 : memref<128x64xf32, #tpu.memory_space<vmem>>) offsets(%dma_start3A_35 : memref<128xi32, #tpu.memory_space<vmem>>) semaphore(%arg11 : memref<!tpu.dma_semaphore, #tpu.memory_space<semaphore_mem>>)
    %dma_start3A_43 = arith.constant 1 : i32
    %dma_start3A_44 = arith.constant 1 : i32
    %dma_start3A_45 = arith.constant 0 : i32
    %dma_start3A_46 = arith.constant 0 : i32
    %dma_start3A_47 = tpu.memref_slice %arg8[%dma_start3A_44, %dma_start3A_45, %dma_start3A_46] : memref<4x128x64xf32, #tpu.memory_space<vmem>> -> memref<1x128x64xf32, #tpu.memory_space<vmem>>
    %dma_start3A_48 = tpu.memref_squeeze %dma_start3A_47 : memref<1x128x64xf32, #tpu.memory_space<vmem>> -> memref<128x64xf32, #tpu.memory_space<vmem>>
    %dma_start3A_49 = arith.constant 0 : i32
    %dma_start3A_50 = tpu.memref_slice %arg6[%dma_start3A_43, %dma_start3A_49] : memref<160x128xi32, #tpu.memory_space<vmem>> -> memref<1x128xi32, #tpu.memory_space<vmem>>
    %dma_start3A_51 = tpu.memref_squeeze %dma_start3A_50 : memref<1x128xi32, #tpu.memory_space<vmem>> -> memref<128xi32, #tpu.memory_space<vmem>>
    %dma_start3A_52 = arith.constant 0 : i32
    %dma_start3A_53 = arith.constant 0 : i32
    %dma_start3A_54 = tpu.memref_slice %arg2[%arg0, %dma_start3A_52, %dma_start3A_53] : memref<2x10240x64xf32, #tpu.memory_space<hbm>> -> memref<1x10240x64xf32, #tpu.memory_space<hbm>>
    %dma_start3A_55 = tpu.memref_squeeze %dma_start3A_54 : memref<1x10240x64xf32, #tpu.memory_space<hbm>> -> memref<10240x64xf32, #tpu.memory_space<hbm>>
    %dma_start3A_56 = arith.constant 0 : i32
    %dma_start3A_57 = arith.constant 0 : i32
    %dma_start3A_58 = tpu.memref_slice %dma_start3A_55[%dma_start3A_56, %dma_start3A_57] : memref<10240x64xf32, #tpu.memory_space<hbm>> -> memref<10240x64xf32, #tpu.memory_space<hbm>>
    tpu.enqueue_indirect_dma source(%dma_start3A_58 : memref<10240x64xf32, #tpu.memory_space<hbm>>) target(%dma_start3A_48 : memref<128x64xf32, #tpu.memory_space<vmem>>) offsets(%dma_start3A_51 : memref<128xi32, #tpu.memory_space<vmem>>) semaphore(%arg12 : memref<!tpu.dma_semaphore, #tpu.memory_space<semaphore_mem>>)
    %dma_start3A_59 = arith.constant 2 : i32
    %dma_start3A_60 = arith.constant 2 : i32
    %dma_start3A_61 = arith.constant 0 : i32
    %dma_start3A_62 = arith.constant 0 : i32
    %dma_start3A_63 = tpu.memref_slice %arg8[%dma_start3A_60, %dma_start3A_61, %dma_start3A_62] : memref<4x128x64xf32, #tpu.memory_space<vmem>> -> memref<1x128x64xf32, #tpu.memory_space<vmem>>
    %dma_start3A_64 = tpu.memref_squeeze %dma_start3A_63 : memref<1x128x64xf32, #tpu.memory_space<vmem>> -> memref<128x64xf32, #tpu.memory_space<vmem>>
    %dma_start3A_65 = arith.constant 0 : i32
    %dma_start3A_66 = tpu.memref_slice %arg6[%dma_start3A_59, %dma_start3A_65] : memref<160x128xi32, #tpu.memory_space<vmem>> -> memref<1x128xi32, #tpu.memory_space<vmem>>
    %dma_start3A_67 = tpu.memref_squeeze %dma_start3A_66 : memref<1x128xi32, #tpu.memory_space<vmem>> -> memref<128xi32, #tpu.memory_space<vmem>>
    %dma_start3A_68 = arith.constant 0 : i32
    %dma_start3A_69 = arith.constant 0 : i32
    %dma_start3A_70 = tpu.memref_slice %arg2[%arg0, %dma_start3A_68, %dma_start3A_69] : memref<2x10240x64xf32, #tpu.memory_space<hbm>> -> memref<1x10240x64xf32, #tpu.memory_space<hbm>>
    %dma_start3A_71 = tpu.memref_squeeze %dma_start3A_70 : memref<1x10240x64xf32, #tpu.memory_space<hbm>> -> memref<10240x64xf32, #tpu.memory_space<hbm>>
    %dma_start3A_72 = arith.constant 0 : i32
    %dma_start3A_73 = arith.constant 0 : i32
    %dma_start3A_74 = tpu.memref_slice %dma_start3A_71[%dma_start3A_72, %dma_start3A_73] : memref<10240x64xf32, #tpu.memory_space<hbm>> -> memref<10240x64xf32, #tpu.memory_space<hbm>>
    tpu.enqueue_indirect_dma source(%dma_start3A_74 : memref<10240x64xf32, #tpu.memory_space<hbm>>) target(%dma_start3A_64 : memref<128x64xf32, #tpu.memory_space<vmem>>) offsets(%dma_start3A_67 : memref<128xi32, #tpu.memory_space<vmem>>) semaphore(%arg13 : memref<!tpu.dma_semaphore, #tpu.memory_space<semaphore_mem>>)
    %scan3A_75 = arith.constant 0 : i32
    %scan3A_76 = arith.constant 40 : i32
    %scan3A_77 = arith.addi %scan3A_75, %scan3A_76 : i32
    %scan3A_78 = arith.constant 1 : i32
    scf.for %scan3A_81 = %scan3A_75 to %scan3A_77 step %scan3A_78  : i32 {
      %mul3A_82 = arith.constant 1 : i32
      %mul3A_83 = arith.muli %scan3A_81, %mul3A_82 : i32
      %add3A = arith.constant 0 : i32
      %add3A_84 = arith.addi %add3A, %mul3A_83 : i32
      %mul3A_85 = arith.constant 4 : i32
      %mul3A_86 = arith.muli %add3A_84, %mul3A_85 : i32
      %add3A_87 = arith.constant 0 : i32
      %add3A_88 = arith.addi %mul3A_86, %add3A_87 : i32
      %add3A_89 = arith.constant 4 : i32
      %add3A_90 = arith.addi %add3A_88, %add3A_89 : i32
      %sub3A = arith.constant 1 : i32
      %sub3A_91 = arith.subi %add3A_90, %sub3A : i32
      %lt3A = arith.constant 160 : i32
      %lt3A_92 = arith.cmpi slt, %sub3A_91, %lt3A : i32
      %convert_element_type3A = arith.extui %lt3A_92 : i1 to i32
      %cond3A = arith.constant 0 : i32
      %cond3A_93 = arith.cmpi ne, %convert_element_type3A, %cond3A : i32
      scf.if %cond3A_93 {
        %dma_start3A_198 = arith.constant 3 : i32
        %dma_start3A_199 = arith.constant 0 : i32
        %dma_start3A_200 = arith.constant 0 : i32
        %dma_start3A_201 = tpu.memref_slice %arg8[%dma_start3A_198, %dma_start3A_199, %dma_start3A_200] : memref<4x128x64xf32, #tpu.memory_space<vmem>> -> memref<1x128x64xf32, #tpu.memory_space<vmem>>
        %dma_start3A_202 = tpu.memref_squeeze %dma_start3A_201 : memref<1x128x64xf32, #tpu.memory_space<vmem>> -> memref<128x64xf32, #tpu.memory_space<vmem>>
        %dma_start3A_203 = arith.constant 0 : i32
        %dma_start3A_204 = tpu.memref_slice %arg6[%sub3A_91, %dma_start3A_203] : memref<160x128xi32, #tpu.memory_space<vmem>> -> memref<1x128xi32, #tpu.memory_space<vmem>>
        %dma_start3A_205 = tpu.memref_squeeze %dma_start3A_204 : memref<1x128xi32, #tpu.memory_space<vmem>> -> memref<128xi32, #tpu.memory_space<vmem>>
        %dma_start3A_206 = arith.constant 0 : i32
        %dma_start3A_207 = arith.constant 0 : i32
        %dma_start3A_208 = tpu.memref_slice %arg2[%arg0, %dma_start3A_206, %dma_start3A_207] : memref<2x10240x64xf32, #tpu.memory_space<hbm>> -> memref<1x10240x64xf32, #tpu.memory_space<hbm>>
        %dma_start3A_209 = tpu.memref_squeeze %dma_start3A_208 : memref<1x10240x64xf32, #tpu.memory_space<hbm>> -> memref<10240x64xf32, #tpu.memory_space<hbm>>
        %dma_start3A_210 = arith.constant 0 : i32
        %dma_start3A_211 = arith.constant 0 : i32
        %dma_start3A_212 = tpu.memref_slice %dma_start3A_209[%dma_start3A_210, %dma_start3A_211] : memref<10240x64xf32, #tpu.memory_space<hbm>> -> memref<10240x64xf32, #tpu.memory_space<hbm>>
        tpu.enqueue_indirect_dma source(%dma_start3A_212 : memref<10240x64xf32, #tpu.memory_space<hbm>>) target(%dma_start3A_202 : memref<128x64xf32, #tpu.memory_space<vmem>>) offsets(%dma_start3A_205 : memref<128xi32, #tpu.memory_space<vmem>>) semaphore(%arg14 : memref<!tpu.dma_semaphore, #tpu.memory_space<semaphore_mem>>)
      } else {
      }
      %add3A_94 = arith.constant 0 : i32
      %add3A_95 = arith.addi %mul3A_86, %add3A_94 : i32
      %dma_wait3A_96 = arith.constant 0 : i32
      %dma_wait3A_97 = arith.constant 0 : i32
      %dma_wait3A_98 = arith.constant 0 : i32
      %dma_wait3A_99 = tpu.memref_slice %arg8[%dma_wait3A_96, %dma_wait3A_97, %dma_wait3A_98] : memref<4x128x64xf32, #tpu.memory_space<vmem>> -> memref<1x128x64xf32, #tpu.memory_space<vmem>>
      %dma_wait3A_100 = tpu.memref_squeeze %dma_wait3A_99 : memref<1x128x64xf32, #tpu.memory_space<vmem>> -> memref<128x64xf32, #tpu.memory_space<vmem>>
      %dma_wait3A_101 = arith.constant 0 : i32
      %dma_wait3A_102 = tpu.memref_slice %arg6[%add3A_95, %dma_wait3A_101] : memref<160x128xi32, #tpu.memory_space<vmem>> -> memref<1x128xi32, #tpu.memory_space<vmem>>
      %dma_wait3A_103 = tpu.memref_squeeze %dma_wait3A_102 : memref<1x128xi32, #tpu.memory_space<vmem>> -> memref<128xi32, #tpu.memory_space<vmem>>
      %dma_wait3A_104 = arith.constant 0 : i32
      %dma_wait3A_105 = arith.constant 0 : i32
      %dma_wait3A_106 = tpu.memref_slice %arg2[%arg0, %dma_wait3A_104, %dma_wait3A_105] : memref<2x10240x64xf32, #tpu.memory_space<hbm>> -> memref<1x10240x64xf32, #tpu.memory_space<hbm>>
      %dma_wait3A_107 = tpu.memref_squeeze %dma_wait3A_106 : memref<1x10240x64xf32, #tpu.memory_space<hbm>> -> memref<10240x64xf32, #tpu.memory_space<hbm>>
      %dma_wait3A_108 = arith.constant 0 : i32
      %dma_wait3A_109 = arith.constant 0 : i32
      %dma_wait3A_110 = tpu.memref_slice %dma_wait3A_107[%dma_wait3A_108, %dma_wait3A_109] : memref<10240x64xf32, #tpu.memory_space<hbm>> -> memref<10240x64xf32, #tpu.memory_space<hbm>>
      tpu.wait_indirect_dma semaphore(%arg11 : memref<!tpu.dma_semaphore, #tpu.memory_space<semaphore_mem>>) src(%dma_wait3A_110 : memref<10240x64xf32, #tpu.memory_space<hbm>>) dst(%dma_wait3A_100 : memref<128x64xf32, #tpu.memory_space<vmem>>)
      %run_scoped3A = arith.constant 0 : i32
      "tpu.region"() ({
        %run_scoped3A_198 = tpu.sem_alloc : memref<!tpu.dma_semaphore, #tpu.memory_space<semaphore_mem>>
        %dma_start3A_199 = arith.constant 0 : i32
        %dma_start3A_200 = arith.constant 0 : i32
        %dma_start3A_201 = tpu.memref_slice %arg8[%run_scoped3A, %dma_start3A_199, %dma_start3A_200] : memref<4x128x64xf32, #tpu.memory_space<vmem>> -> memref<1x128x64xf32, #tpu.memory_space<vmem>>
        %dma_start3A_202 = tpu.memref_squeeze %dma_start3A_201 : memref<1x128x64xf32, #tpu.memory_space<vmem>> -> memref<128x64xf32, #tpu.memory_space<vmem>>
        %dma_start3A_203 = arith.constant 0 : i32
        %dma_start3A_204 = tpu.memref_slice %arg7[%add3A_95, %dma_start3A_203] : memref<160x128xi32, #tpu.memory_space<vmem>> -> memref<1x128xi32, #tpu.memory_space<vmem>>
        %dma_start3A_205 = tpu.memref_squeeze %dma_start3A_204 : memref<1x128xi32, #tpu.memory_space<vmem>> -> memref<128xi32, #tpu.memory_space<vmem>>
        %dma_start3A_206 = arith.constant 0 : i32
        %dma_start3A_207 = arith.constant 0 : i32
        %dma_start3A_208 = tpu.memref_slice %arg10[%dma_start3A_206, %dma_start3A_207] : memref<10240x64xf32, #tpu.memory_space<vmem_shared>> -> memref<10240x64xf32, #tpu.memory_space<vmem_shared>>
        tpu.enqueue_indirect_dma source(%dma_start3A_202 : memref<128x64xf32, #tpu.memory_space<vmem>>) target(%dma_start3A_208 : memref<10240x64xf32, #tpu.memory_space<vmem_shared>>) offsets(%dma_start3A_205 : memref<128xi32, #tpu.memory_space<vmem>>) semaphore(%run_scoped3A_198 : memref<!tpu.dma_semaphore, #tpu.memory_space<semaphore_mem>>) {add = true}
        %dma_wait3A_209 = arith.constant 0 : i32
        %dma_wait3A_210 = arith.constant 0 : i32
        %dma_wait3A_211 = tpu.memref_slice %arg8[%run_scoped3A, %dma_wait3A_209, %dma_wait3A_210] : memref<4x128x64xf32, #tpu.memory_space<vmem>> -> memref<1x128x64xf32, #tpu.memory_space<vmem>>
        %dma_wait3A_212 = tpu.memref_squeeze %dma_wait3A_211 : memref<1x128x64xf32, #tpu.memory_space<vmem>> -> memref<128x64xf32, #tpu.memory_space<vmem>>
        %dma_wait3A_213 = arith.constant 0 : i32
        %dma_wait3A_214 = tpu.memref_slice %arg7[%add3A_95, %dma_wait3A_213] : memref<160x128xi32, #tpu.memory_space<vmem>> -> memref<1x128xi32, #tpu.memory_space<vmem>>
        %dma_wait3A_215 = tpu.memref_squeeze %dma_wait3A_214 : memref<1x128xi32, #tpu.memory_space<vmem>> -> memref<128xi32, #tpu.memory_space<vmem>>
        %dma_wait3A_216 = arith.constant 0 : i32
        %dma_wait3A_217 = arith.constant 0 : i32
        %dma_wait3A_218 = tpu.memref_slice %arg10[%dma_wait3A_216, %dma_wait3A_217] : memref<10240x64xf32, #tpu.memory_space<vmem_shared>> -> memref<10240x64xf32, #tpu.memory_space<vmem_shared>>
        tpu.wait_indirect_dma semaphore(%run_scoped3A_198 : memref<!tpu.dma_semaphore, #tpu.memory_space<semaphore_mem>>) src(%dma_wait3A_212 : memref<128x64xf32, #tpu.memory_space<vmem>>) dst(%dma_wait3A_218 : memref<10240x64xf32, #tpu.memory_space<vmem_shared>>)
        tpu.yield
      }) : () -> ()
      %add3A_111 = arith.constant 1 : i32
      %add3A_112 = arith.addi %mul3A_86, %add3A_111 : i32
      %add3A_113 = arith.constant 4 : i32
      %add3A_114 = arith.addi %add3A_112, %add3A_113 : i32
      %sub3A_115 = arith.constant 1 : i32
      %sub3A_116 = arith.subi %add3A_114, %sub3A_115 : i32
      %lt3A_117 = arith.constant 160 : i32
      %lt3A_118 = arith.cmpi slt, %sub3A_116, %lt3A_117 : i32
      %convert_element_type3A_119 = arith.extui %lt3A_118 : i1 to i32
      %cond3A_120 = arith.constant 0 : i32
      %cond3A_121 = arith.cmpi ne, %convert_element_type3A_119, %cond3A_120 : i32
      scf.if %cond3A_121 {
        %dma_start3A_198 = arith.constant 0 : i32
        %dma_start3A_199 = arith.constant 0 : i32
        %dma_start3A_200 = arith.constant 0 : i32
        %dma_start3A_201 = tpu.memref_slice %arg8[%dma_start3A_198, %dma_start3A_199, %dma_start3A_200] : memref<4x128x64xf32, #tpu.memory_space<vmem>> -> memref<1x128x64xf32, #tpu.memory_space<vmem>>
        %dma_start3A_202 = tpu.memref_squeeze %dma_start3A_201 : memref<1x128x64xf32, #tpu.memory_space<vmem>> -> memref<128x64xf32, #tpu.memory_space<vmem>>
        %dma_start3A_203 = arith.constant 0 : i32
        %dma_start3A_204 = tpu.memref_slice %arg6[%sub3A_116, %dma_start3A_203] : memref<160x128xi32, #tpu.memory_space<vmem>> -> memref<1x128xi32, #tpu.memory_space<vmem>>
        %dma_start3A_205 = tpu.memref_squeeze %dma_start3A_204 : memref<1x128xi32, #tpu.memory_space<vmem>> -> memref<128xi32, #tpu.memory_space<vmem>>
        %dma_start3A_206 = arith.constant 0 : i32
        %dma_start3A_207 = arith.constant 0 : i32
        %dma_start3A_208 = tpu.memref_slice %arg2[%arg0, %dma_start3A_206, %dma_start3A_207] : memref<2x10240x64xf32, #tpu.memory_space<hbm>> -> memref<1x10240x64xf32, #tpu.memory_space<hbm>>
        %dma_start3A_209 = tpu.memref_squeeze %dma_start3A_208 : memref<1x10240x64xf32, #tpu.memory_space<hbm>> -> memref<10240x64xf32, #tpu.memory_space<hbm>>
        %dma_start3A_210 = arith.constant 0 : i32
        %dma_start3A_211 = arith.constant 0 : i32
        %dma_start3A_212 = tpu.memref_slice %dma_start3A_209[%dma_start3A_210, %dma_start3A_211] : memref<10240x64xf32, #tpu.memory_space<hbm>> -> memref<10240x64xf32, #tpu.memory_space<hbm>>
        tpu.enqueue_indirect_dma source(%dma_start3A_212 : memref<10240x64xf32, #tpu.memory_space<hbm>>) target(%dma_start3A_202 : memref<128x64xf32, #tpu.memory_space<vmem>>) offsets(%dma_start3A_205 : memref<128xi32, #tpu.memory_space<vmem>>) semaphore(%arg11 : memref<!tpu.dma_semaphore, #tpu.memory_space<semaphore_mem>>)
      } else {
      }
      %add3A_122 = arith.constant 1 : i32
      %add3A_123 = arith.addi %mul3A_86, %add3A_122 : i32
      %dma_wait3A_124 = arith.constant 1 : i32
      %dma_wait3A_125 = arith.constant 0 : i32
      %dma_wait3A_126 = arith.constant 0 : i32
      %dma_wait3A_127 = tpu.memref_slice %arg8[%dma_wait3A_124, %dma_wait3A_125, %dma_wait3A_126] : memref<4x128x64xf32, #tpu.memory_space<vmem>> -> memref<1x128x64xf32, #tpu.memory_space<vmem>>
      %dma_wait3A_128 = tpu.memref_squeeze %dma_wait3A_127 : memref<1x128x64xf32, #tpu.memory_space<vmem>> -> memref<128x64xf32, #tpu.memory_space<vmem>>
      %dma_wait3A_129 = arith.constant 0 : i32
      %dma_wait3A_130 = tpu.memref_slice %arg6[%add3A_123, %dma_wait3A_129] : memref<160x128xi32, #tpu.memory_space<vmem>> -> memref<1x128xi32, #tpu.memory_space<vmem>>
      %dma_wait3A_131 = tpu.memref_squeeze %dma_wait3A_130 : memref<1x128xi32, #tpu.memory_space<vmem>> -> memref<128xi32, #tpu.memory_space<vmem>>
      %dma_wait3A_132 = arith.constant 0 : i32
      %dma_wait3A_133 = arith.constant 0 : i32
      %dma_wait3A_134 = tpu.memref_slice %arg2[%arg0, %dma_wait3A_132, %dma_wait3A_133] : memref<2x10240x64xf32, #tpu.memory_space<hbm>> -> memref<1x10240x64xf32, #tpu.memory_space<hbm>>
      %dma_wait3A_135 = tpu.memref_squeeze %dma_wait3A_134 : memref<1x10240x64xf32, #tpu.memory_space<hbm>> -> memref<10240x64xf32, #tpu.memory_space<hbm>>
      %dma_wait3A_136 = arith.constant 0 : i32
      %dma_wait3A_137 = arith.constant 0 : i32
      %dma_wait3A_138 = tpu.memref_slice %dma_wait3A_135[%dma_wait3A_136, %dma_wait3A_137] : memref<10240x64xf32, #tpu.memory_space<hbm>> -> memref<10240x64xf32, #tpu.memory_space<hbm>>
      tpu.wait_indirect_dma semaphore(%arg12 : memref<!tpu.dma_semaphore, #tpu.memory_space<semaphore_mem>>) src(%dma_wait3A_138 : memref<10240x64xf32, #tpu.memory_space<hbm>>) dst(%dma_wait3A_128 : memref<128x64xf32, #tpu.memory_space<vmem>>)
      %run_scoped3A_139 = arith.constant 1 : i32
      "tpu.region"() ({
        %run_scoped3A_198 = tpu.sem_alloc : memref<!tpu.dma_semaphore, #tpu.memory_space<semaphore_mem>>
        %dma_start3A_199 = arith.constant 0 : i32
        %dma_start3A_200 = arith.constant 0 : i32
        %dma_start3A_201 = tpu.memref_slice %arg8[%run_scoped3A_139, %dma_start3A_199, %dma_start3A_200] : memref<4x128x64xf32, #tpu.memory_space<vmem>> -> memref<1x128x64xf32, #tpu.memory_space<vmem>>
        %dma_start3A_202 = tpu.memref_squeeze %dma_start3A_201 : memref<1x128x64xf32, #tpu.memory_space<vmem>> -> memref<128x64xf32, #tpu.memory_space<vmem>>
        %dma_start3A_203 = arith.constant 0 : i32
        %dma_start3A_204 = tpu.memref_slice %arg7[%add3A_123, %dma_start3A_203] : memref<160x128xi32, #tpu.memory_space<vmem>> -> memref<1x128xi32, #tpu.memory_space<vmem>>
        %dma_start3A_205 = tpu.memref_squeeze %dma_start3A_204 : memref<1x128xi32, #tpu.memory_space<vmem>> -> memref<128xi32, #tpu.memory_space<vmem>>
        %dma_start3A_206 = arith.constant 0 : i32
        %dma_start3A_207 = arith.constant 0 : i32
        %dma_start3A_208 = tpu.memref_slice %arg10[%dma_start3A_206, %dma_start3A_207] : memref<10240x64xf32, #tpu.memory_space<vmem_shared>> -> memref<10240x64xf32, #tpu.memory_space<vmem_shared>>
        tpu.enqueue_indirect_dma source(%dma_start3A_202 : memref<128x64xf32, #tpu.memory_space<vmem>>) target(%dma_start3A_208 : memref<10240x64xf32, #tpu.memory_space<vmem_shared>>) offsets(%dma_start3A_205 : memref<128xi32, #tpu.memory_space<vmem>>) semaphore(%run_scoped3A_198 : memref<!tpu.dma_semaphore, #tpu.memory_space<semaphore_mem>>) {add = true}
        %dma_wait3A_209 = arith.constant 0 : i32
        %dma_wait3A_210 = arith.constant 0 : i32
        %dma_wait3A_211 = tpu.memref_slice %arg8[%run_scoped3A_139, %dma_wait3A_209, %dma_wait3A_210] : memref<4x128x64xf32, #tpu.memory_space<vmem>> -> memref<1x128x64xf32, #tpu.memory_space<vmem>>
        %dma_wait3A_212 = tpu.memref_squeeze %dma_wait3A_211 : memref<1x128x64xf32, #tpu.memory_space<vmem>> -> memref<128x64xf32, #tpu.memory_space<vmem>>
        %dma_wait3A_213 = arith.constant 0 : i32
        %dma_wait3A_214 = tpu.memref_slice %arg7[%add3A_123, %dma_wait3A_213] : memref<160x128xi32, #tpu.memory_space<vmem>> -> memref<1x128xi32, #tpu.memory_space<vmem>>
        %dma_wait3A_215 = tpu.memref_squeeze %dma_wait3A_214 : memref<1x128xi32, #tpu.memory_space<vmem>> -> memref<128xi32, #tpu.memory_space<vmem>>
        %dma_wait3A_216 = arith.constant 0 : i32
        %dma_wait3A_217 = arith.constant 0 : i32
        %dma_wait3A_218 = tpu.memref_slice %arg10[%dma_wait3A_216, %dma_wait3A_217] : memref<10240x64xf32, #tpu.memory_space<vmem_shared>> -> memref<10240x64xf32, #tpu.memory_space<vmem_shared>>
        tpu.wait_indirect_dma semaphore(%run_scoped3A_198 : memref<!tpu.dma_semaphore, #tpu.memory_space<semaphore_mem>>) src(%dma_wait3A_212 : memref<128x64xf32, #tpu.memory_space<vmem>>) dst(%dma_wait3A_218 : memref<10240x64xf32, #tpu.memory_space<vmem_shared>>)
        tpu.yield
      }) : () -> ()
      %add3A_140 = arith.constant 2 : i32
      %add3A_141 = arith.addi %mul3A_86, %add3A_140 : i32
      %add3A_142 = arith.constant 4 : i32
      %add3A_143 = arith.addi %add3A_141, %add3A_142 : i32
      %sub3A_144 = arith.constant 1 : i32
      %sub3A_145 = arith.subi %add3A_143, %sub3A_144 : i32
      %lt3A_146 = arith.constant 160 : i32
      %lt3A_147 = arith.cmpi slt, %sub3A_145, %lt3A_146 : i32
      %convert_element_type3A_148 = arith.extui %lt3A_147 : i1 to i32
      %cond3A_149 = arith.constant 0 : i32
      %cond3A_150 = arith.cmpi ne, %convert_element_type3A_148, %cond3A_149 : i32
      scf.if %cond3A_150 {
        %dma_start3A_198 = arith.constant 1 : i32
        %dma_start3A_199 = arith.constant 0 : i32
        %dma_start3A_200 = arith.constant 0 : i32
        %dma_start3A_201 = tpu.memref_slice %arg8[%dma_start3A_198, %dma_start3A_199, %dma_start3A_200] : memref<4x128x64xf32, #tpu.memory_space<vmem>> -> memref<1x128x64xf32, #tpu.memory_space<vmem>>
        %dma_start3A_202 = tpu.memref_squeeze %dma_start3A_201 : memref<1x128x64xf32, #tpu.memory_space<vmem>> -> memref<128x64xf32, #tpu.memory_space<vmem>>
        %dma_start3A_203 = arith.constant 0 : i32
        %dma_start3A_204 = tpu.memref_slice %arg6[%sub3A_145, %dma_start3A_203] : memref<160x128xi32, #tpu.memory_space<vmem>> -> memref<1x128xi32, #tpu.memory_space<vmem>>
        %dma_start3A_205 = tpu.memref_squeeze %dma_start3A_204 : memref<1x128xi32, #tpu.memory_space<vmem>> -> memref<128xi32, #tpu.memory_space<vmem>>
        %dma_start3A_206 = arith.constant 0 : i32
        %dma_start3A_207 = arith.constant 0 : i32
        %dma_start3A_208 = tpu.memref_slice %arg2[%arg0, %dma_start3A_206, %dma_start3A_207] : memref<2x10240x64xf32, #tpu.memory_space<hbm>> -> memref<1x10240x64xf32, #tpu.memory_space<hbm>>
        %dma_start3A_209 = tpu.memref_squeeze %dma_start3A_208 : memref<1x10240x64xf32, #tpu.memory_space<hbm>> -> memref<10240x64xf32, #tpu.memory_space<hbm>>
        %dma_start3A_210 = arith.constant 0 : i32
        %dma_start3A_211 = arith.constant 0 : i32
        %dma_start3A_212 = tpu.memref_slice %dma_start3A_209[%dma_start3A_210, %dma_start3A_211] : memref<10240x64xf32, #tpu.memory_space<hbm>> -> memref<10240x64xf32, #tpu.memory_space<hbm>>
        tpu.enqueue_indirect_dma source(%dma_start3A_212 : memref<10240x64xf32, #tpu.memory_space<hbm>>) target(%dma_start3A_202 : memref<128x64xf32, #tpu.memory_space<vmem>>) offsets(%dma_start3A_205 : memref<128xi32, #tpu.memory_space<vmem>>) semaphore(%arg12 : memref<!tpu.dma_semaphore, #tpu.memory_space<semaphore_mem>>)
      } else {
      }
      %add3A_151 = arith.constant 2 : i32
      %add3A_152 = arith.addi %mul3A_86, %add3A_151 : i32
      %dma_wait3A_153 = arith.constant 2 : i32
      %dma_wait3A_154 = arith.constant 0 : i32
      %dma_wait3A_155 = arith.constant 0 : i32
      %dma_wait3A_156 = tpu.memref_slice %arg8[%dma_wait3A_153, %dma_wait3A_154, %dma_wait3A_155] : memref<4x128x64xf32, #tpu.memory_space<vmem>> -> memref<1x128x64xf32, #tpu.memory_space<vmem>>
      %dma_wait3A_157 = tpu.memref_squeeze %dma_wait3A_156 : memref<1x128x64xf32, #tpu.memory_space<vmem>> -> memref<128x64xf32, #tpu.memory_space<vmem>>
      %dma_wait3A_158 = arith.constant 0 : i32
      %dma_wait3A_159 = tpu.memref_slice %arg6[%add3A_152, %dma_wait3A_158] : memref<160x128xi32, #tpu.memory_space<vmem>> -> memref<1x128xi32, #tpu.memory_space<vmem>>
      %dma_wait3A_160 = tpu.memref_squeeze %dma_wait3A_159 : memref<1x128xi32, #tpu.memory_space<vmem>> -> memref<128xi32, #tpu.memory_space<vmem>>
      %dma_wait3A_161 = arith.constant 0 : i32
      %dma_wait3A_162 = arith.constant 0 : i32
      %dma_wait3A_163 = tpu.memref_slice %arg2[%arg0, %dma_wait3A_161, %dma_wait3A_162] : memref<2x10240x64xf32, #tpu.memory_space<hbm>> -> memref<1x10240x64xf32, #tpu.memory_space<hbm>>
      %dma_wait3A_164 = tpu.memref_squeeze %dma_wait3A_163 : memref<1x10240x64xf32, #tpu.memory_space<hbm>> -> memref<10240x64xf32, #tpu.memory_space<hbm>>
      %dma_wait3A_165 = arith.constant 0 : i32
      %dma_wait3A_166 = arith.constant 0 : i32
      %dma_wait3A_167 = tpu.memref_slice %dma_wait3A_164[%dma_wait3A_165, %dma_wait3A_166] : memref<10240x64xf32, #tpu.memory_space<hbm>> -> memref<10240x64xf32, #tpu.memory_space<hbm>>
      tpu.wait_indirect_dma semaphore(%arg13 : memref<!tpu.dma_semaphore, #tpu.memory_space<semaphore_mem>>) src(%dma_wait3A_167 : memref<10240x64xf32, #tpu.memory_space<hbm>>) dst(%dma_wait3A_157 : memref<128x64xf32, #tpu.memory_space<vmem>>)
      %run_scoped3A_168 = arith.constant 2 : i32
      "tpu.region"() ({
        %run_scoped3A_198 = tpu.sem_alloc : memref<!tpu.dma_semaphore, #tpu.memory_space<semaphore_mem>>
        %dma_start3A_199 = arith.constant 0 : i32
        %dma_start3A_200 = arith.constant 0 : i32
        %dma_start3A_201 = tpu.memref_slice %arg8[%run_scoped3A_168, %dma_start3A_199, %dma_start3A_200] : memref<4x128x64xf32, #tpu.memory_space<vmem>> -> memref<1x128x64xf32, #tpu.memory_space<vmem>>
        %dma_start3A_202 = tpu.memref_squeeze %dma_start3A_201 : memref<1x128x64xf32, #tpu.memory_space<vmem>> -> memref<128x64xf32, #tpu.memory_space<vmem>>
        %dma_start3A_203 = arith.constant 0 : i32
        %dma_start3A_204 = tpu.memref_slice %arg7[%add3A_152, %dma_start3A_203] : memref<160x128xi32, #tpu.memory_space<vmem>> -> memref<1x128xi32, #tpu.memory_space<vmem>>
        %dma_start3A_205 = tpu.memref_squeeze %dma_start3A_204 : memref<1x128xi32, #tpu.memory_space<vmem>> -> memref<128xi32, #tpu.memory_space<vmem>>
        %dma_start3A_206 = arith.constant 0 : i32
        %dma_start3A_207 = arith.constant 0 : i32
        %dma_start3A_208 = tpu.memref_slice %arg10[%dma_start3A_206, %dma_start3A_207] : memref<10240x64xf32, #tpu.memory_space<vmem_shared>> -> memref<10240x64xf32, #tpu.memory_space<vmem_shared>>
        tpu.enqueue_indirect_dma source(%dma_start3A_202 : memref<128x64xf32, #tpu.memory_space<vmem>>) target(%dma_start3A_208 : memref<10240x64xf32, #tpu.memory_space<vmem_shared>>) offsets(%dma_start3A_205 : memref<128xi32, #tpu.memory_space<vmem>>) semaphore(%run_scoped3A_198 : memref<!tpu.dma_semaphore, #tpu.memory_space<semaphore_mem>>) {add = true}
        %dma_wait3A_209 = arith.constant 0 : i32
        %dma_wait3A_210 = arith.constant 0 : i32
        %dma_wait3A_211 = tpu.memref_slice %arg8[%run_scoped3A_168, %dma_wait3A_209, %dma_wait3A_210] : memref<4x128x64xf32, #tpu.memory_space<vmem>> -> memref<1x128x64xf32, #tpu.memory_space<vmem>>
        %dma_wait3A_212 = tpu.memref_squeeze %dma_wait3A_211 : memref<1x128x64xf32, #tpu.memory_space<vmem>> -> memref<128x64xf32, #tpu.memory_space<vmem>>
        %dma_wait3A_213 = arith.constant 0 : i32
        %dma_wait3A_214 = tpu.memref_slice %arg7[%add3A_152, %dma_wait3A_213] : memref<160x128xi32, #tpu.memory_space<vmem>> -> memref<1x128xi32, #tpu.memory_space<vmem>>
        %dma_wait3A_215 = tpu.memref_squeeze %dma_wait3A_214 : memref<1x128xi32, #tpu.memory_space<vmem>> -> memref<128xi32, #tpu.memory_space<vmem>>
        %dma_wait3A_216 = arith.constant 0 : i32
        %dma_wait3A_217 = arith.constant 0 : i32
        %dma_wait3A_218 = tpu.memref_slice %arg10[%dma_wait3A_216, %dma_wait3A_217] : memref<10240x64xf32, #tpu.memory_space<vmem_shared>> -> memref<10240x64xf32, #tpu.memory_space<vmem_shared>>
        tpu.wait_indirect_dma semaphore(%run_scoped3A_198 : memref<!tpu.dma_semaphore, #tpu.memory_space<semaphore_mem>>) src(%dma_wait3A_212 : memref<128x64xf32, #tpu.memory_space<vmem>>) dst(%dma_wait3A_218 : memref<10240x64xf32, #tpu.memory_space<vmem_shared>>)
        tpu.yield
      }) : () -> ()
      %add3A_169 = arith.constant 3 : i32
      %add3A_170 = arith.addi %mul3A_86, %add3A_169 : i32
      %add3A_171 = arith.constant 4 : i32
      %add3A_172 = arith.addi %add3A_170, %add3A_171 : i32
      %sub3A_173 = arith.constant 1 : i32
      %sub3A_174 = arith.subi %add3A_172, %sub3A_173 : i32
      %lt3A_175 = arith.constant 160 : i32
      %lt3A_176 = arith.cmpi slt, %sub3A_174, %lt3A_175 : i32
      %convert_element_type3A_177 = arith.extui %lt3A_176 : i1 to i32
      %cond3A_178 = arith.constant 0 : i32
      %cond3A_179 = arith.cmpi ne, %convert_element_type3A_177, %cond3A_178 : i32
      scf.if %cond3A_179 {
        %dma_start3A_198 = arith.constant 2 : i32
        %dma_start3A_199 = arith.constant 0 : i32
        %dma_start3A_200 = arith.constant 0 : i32
        %dma_start3A_201 = tpu.memref_slice %arg8[%dma_start3A_198, %dma_start3A_199, %dma_start3A_200] : memref<4x128x64xf32, #tpu.memory_space<vmem>> -> memref<1x128x64xf32, #tpu.memory_space<vmem>>
        %dma_start3A_202 = tpu.memref_squeeze %dma_start3A_201 : memref<1x128x64xf32, #tpu.memory_space<vmem>> -> memref<128x64xf32, #tpu.memory_space<vmem>>
        %dma_start3A_203 = arith.constant 0 : i32
        %dma_start3A_204 = tpu.memref_slice %arg6[%sub3A_174, %dma_start3A_203] : memref<160x128xi32, #tpu.memory_space<vmem>> -> memref<1x128xi32, #tpu.memory_space<vmem>>
        %dma_start3A_205 = tpu.memref_squeeze %dma_start3A_204 : memref<1x128xi32, #tpu.memory_space<vmem>> -> memref<128xi32, #tpu.memory_space<vmem>>
        %dma_start3A_206 = arith.constant 0 : i32
        %dma_start3A_207 = arith.constant 0 : i32
        %dma_start3A_208 = tpu.memref_slice %arg2[%arg0, %dma_start3A_206, %dma_start3A_207] : memref<2x10240x64xf32, #tpu.memory_space<hbm>> -> memref<1x10240x64xf32, #tpu.memory_space<hbm>>
        %dma_start3A_209 = tpu.memref_squeeze %dma_start3A_208 : memref<1x10240x64xf32, #tpu.memory_space<hbm>> -> memref<10240x64xf32, #tpu.memory_space<hbm>>
        %dma_start3A_210 = arith.constant 0 : i32
        %dma_start3A_211 = arith.constant 0 : i32
        %dma_start3A_212 = tpu.memref_slice %dma_start3A_209[%dma_start3A_210, %dma_start3A_211] : memref<10240x64xf32, #tpu.memory_space<hbm>> -> memref<10240x64xf32, #tpu.memory_space<hbm>>
        tpu.enqueue_indirect_dma source(%dma_start3A_212 : memref<10240x64xf32, #tpu.memory_space<hbm>>) target(%dma_start3A_202 : memref<128x64xf32, #tpu.memory_space<vmem>>) offsets(%dma_start3A_205 : memref<128xi32, #tpu.memory_space<vmem>>) semaphore(%arg13 : memref<!tpu.dma_semaphore, #tpu.memory_space<semaphore_mem>>)
      } else {
      }
      %add3A_180 = arith.constant 3 : i32
      %add3A_181 = arith.addi %mul3A_86, %add3A_180 : i32
      %dma_wait3A_182 = arith.constant 3 : i32
      %dma_wait3A_183 = arith.constant 0 : i32
      %dma_wait3A_184 = arith.constant 0 : i32
      %dma_wait3A_185 = tpu.memref_slice %arg8[%dma_wait3A_182, %dma_wait3A_183, %dma_wait3A_184] : memref<4x128x64xf32, #tpu.memory_space<vmem>> -> memref<1x128x64xf32, #tpu.memory_space<vmem>>
      %dma_wait3A_186 = tpu.memref_squeeze %dma_wait3A_185 : memref<1x128x64xf32, #tpu.memory_space<vmem>> -> memref<128x64xf32, #tpu.memory_space<vmem>>
      %dma_wait3A_187 = arith.constant 0 : i32
      %dma_wait3A_188 = tpu.memref_slice %arg6[%add3A_181, %dma_wait3A_187] : memref<160x128xi32, #tpu.memory_space<vmem>> -> memref<1x128xi32, #tpu.memory_space<vmem>>
      %dma_wait3A_189 = tpu.memref_squeeze %dma_wait3A_188 : memref<1x128xi32, #tpu.memory_space<vmem>> -> memref<128xi32, #tpu.memory_space<vmem>>
      %dma_wait3A_190 = arith.constant 0 : i32
      %dma_wait3A_191 = arith.constant 0 : i32
      %dma_wait3A_192 = tpu.memref_slice %arg2[%arg0, %dma_wait3A_190, %dma_wait3A_191] : memref<2x10240x64xf32, #tpu.memory_space<hbm>> -> memref<1x10240x64xf32, #tpu.memory_space<hbm>>
      %dma_wait3A_193 = tpu.memref_squeeze %dma_wait3A_192 : memref<1x10240x64xf32, #tpu.memory_space<hbm>> -> memref<10240x64xf32, #tpu.memory_space<hbm>>
      %dma_wait3A_194 = arith.constant 0 : i32
      %dma_wait3A_195 = arith.constant 0 : i32
      %dma_wait3A_196 = tpu.memref_slice %dma_wait3A_193[%dma_wait3A_194, %dma_wait3A_195] : memref<10240x64xf32, #tpu.memory_space<hbm>> -> memref<10240x64xf32, #tpu.memory_space<hbm>>
      tpu.wait_indirect_dma semaphore(%arg14 : memref<!tpu.dma_semaphore, #tpu.memory_space<semaphore_mem>>) src(%dma_wait3A_196 : memref<10240x64xf32, #tpu.memory_space<hbm>>) dst(%dma_wait3A_186 : memref<128x64xf32, #tpu.memory_space<vmem>>)
      %run_scoped3A_197 = arith.constant 3 : i32
      "tpu.region"() ({
        %run_scoped3A_198 = tpu.sem_alloc : memref<!tpu.dma_semaphore, #tpu.memory_space<semaphore_mem>>
        %dma_start3A_199 = arith.constant 0 : i32
        %dma_start3A_200 = arith.constant 0 : i32
        %dma_start3A_201 = tpu.memref_slice %arg8[%run_scoped3A_197, %dma_start3A_199, %dma_start3A_200] : memref<4x128x64xf32, #tpu.memory_space<vmem>> -> memref<1x128x64xf32, #tpu.memory_space<vmem>>
        %dma_start3A_202 = tpu.memref_squeeze %dma_start3A_201 : memref<1x128x64xf32, #tpu.memory_space<vmem>> -> memref<128x64xf32, #tpu.memory_space<vmem>>
        %dma_start3A_203 = arith.constant 0 : i32
        %dma_start3A_204 = tpu.memref_slice %arg7[%add3A_181, %dma_start3A_203] : memref<160x128xi32, #tpu.memory_space<vmem>> -> memref<1x128xi32, #tpu.memory_space<vmem>>
        %dma_start3A_205 = tpu.memref_squeeze %dma_start3A_204 : memref<1x128xi32, #tpu.memory_space<vmem>> -> memref<128xi32, #tpu.memory_space<vmem>>
        %dma_start3A_206 = arith.constant 0 : i32
        %dma_start3A_207 = arith.constant 0 : i32
        %dma_start3A_208 = tpu.memref_slice %arg10[%dma_start3A_206, %dma_start3A_207] : memref<10240x64xf32, #tpu.memory_space<vmem_shared>> -> memref<10240x64xf32, #tpu.memory_space<vmem_shared>>
        tpu.enqueue_indirect_dma source(%dma_start3A_202 : memref<128x64xf32, #tpu.memory_space<vmem>>) target(%dma_start3A_208 : memref<10240x64xf32, #tpu.memory_space<vmem_shared>>) offsets(%dma_start3A_205 : memref<128xi32, #tpu.memory_space<vmem>>) semaphore(%run_scoped3A_198 : memref<!tpu.dma_semaphore, #tpu.memory_space<semaphore_mem>>) {add = true}
        %dma_wait3A_209 = arith.constant 0 : i32
        %dma_wait3A_210 = arith.constant 0 : i32
        %dma_wait3A_211 = tpu.memref_slice %arg8[%run_scoped3A_197, %dma_wait3A_209, %dma_wait3A_210] : memref<4x128x64xf32, #tpu.memory_space<vmem>> -> memref<1x128x64xf32, #tpu.memory_space<vmem>>
        %dma_wait3A_212 = tpu.memref_squeeze %dma_wait3A_211 : memref<1x128x64xf32, #tpu.memory_space<vmem>> -> memref<128x64xf32, #tpu.memory_space<vmem>>
        %dma_wait3A_213 = arith.constant 0 : i32
        %dma_wait3A_214 = tpu.memref_slice %arg7[%add3A_181, %dma_wait3A_213] : memref<160x128xi32, #tpu.memory_space<vmem>> -> memref<1x128xi32, #tpu.memory_space<vmem>>
        %dma_wait3A_215 = tpu.memref_squeeze %dma_wait3A_214 : memref<1x128xi32, #tpu.memory_space<vmem>> -> memref<128xi32, #tpu.memory_space<vmem>>
        %dma_wait3A_216 = arith.constant 0 : i32
        %dma_wait3A_217 = arith.constant 0 : i32
        %dma_wait3A_218 = tpu.memref_slice %arg10[%dma_wait3A_216, %dma_wait3A_217] : memref<10240x64xf32, #tpu.memory_space<vmem_shared>> -> memref<10240x64xf32, #tpu.memory_space<vmem_shared>>
        tpu.wait_indirect_dma semaphore(%run_scoped3A_198 : memref<!tpu.dma_semaphore, #tpu.memory_space<semaphore_mem>>) src(%dma_wait3A_212 : memref<128x64xf32, #tpu.memory_space<vmem>>) dst(%dma_wait3A_218 : memref<10240x64xf32, #tpu.memory_space<vmem_shared>>)
        tpu.yield
      }) : () -> ()
    }
    %scan3A_79 = arith.constant 40 : i32
    %barrier3A_80 = arith.constant 0 : index
    tpu.barrier barrier_id(%barrier3A_80)
    "tpu.region"() ({
      %run_scoped3A = tpu.sem_alloc : memref<!tpu.dma_semaphore, #tpu.memory_space<semaphore_mem>>
      %dma_start3A_81 = arith.constant 0 : i32
      %dma_start3A_82 = arith.constant 0 : i32
      %dma_start3A_83 = tpu.memref_slice %arg5[%arg0, %dma_start3A_81, %dma_start3A_82] : memref<2x10240x64xf32, #tpu.memory_space<hbm>> -> memref<1x10240x64xf32, #tpu.memory_space<hbm>>
      %dma_start3A_84 = tpu.memref_squeeze %dma_start3A_83 : memref<1x10240x64xf32, #tpu.memory_space<hbm>> -> memref<10240x64xf32, #tpu.memory_space<hbm>>
      %dma_start3A_85 = arith.constant 0 : i32
      %dma_start3A_86 = tpu.memref_slice %dma_start3A_84[%mul3A_14, %dma_start3A_85] : memref<10240x64xf32, #tpu.memory_space<hbm>> -> memref<640x64xf32, #tpu.memory_space<hbm>>
      %dma_start3A_87 = arith.constant 0 : i32
      %dma_start3A_88 = tpu.memref_slice %arg10[%mul3A_14, %dma_start3A_87] : memref<10240x64xf32, #tpu.memory_space<vmem_shared>> -> memref<640x64xf32, #tpu.memory_space<vmem_shared>>
      tpu.enqueue_dma source(%dma_start3A_88 : memref<640x64xf32, #tpu.memory_space<vmem_shared>>) target(%dma_start3A_86 : memref<640x64xf32, #tpu.memory_space<hbm>>) target_semaphore(%run_scoped3A : memref<!tpu.dma_semaphore, #tpu.memory_space<semaphore_mem>>)
      %dma_wait3A_89 = arith.constant 0 : i32
      %dma_wait3A_90 = arith.constant 0 : i32
      %dma_wait3A_91 = tpu.memref_slice %arg5[%arg0, %dma_wait3A_89, %dma_wait3A_90] : memref<2x10240x64xf32, #tpu.memory_space<hbm>> -> memref<1x10240x64xf32, #tpu.memory_space<hbm>>
      %dma_wait3A_92 = tpu.memref_squeeze %dma_wait3A_91 : memref<1x10240x64xf32, #tpu.memory_space<hbm>> -> memref<10240x64xf32, #tpu.memory_space<hbm>>
      %dma_wait3A_93 = arith.constant 0 : i32
      %dma_wait3A_94 = tpu.memref_slice %dma_wait3A_92[%mul3A_14, %dma_wait3A_93] : memref<10240x64xf32, #tpu.memory_space<hbm>> -> memref<640x64xf32, #tpu.memory_space<hbm>>
      %dma_wait3A_95 = arith.constant 0 : i32
      %dma_wait3A_96 = tpu.memref_slice %arg10[%mul3A_14, %dma_wait3A_95] : memref<10240x64xf32, #tpu.memory_space<vmem_shared>> -> memref<640x64xf32, #tpu.memory_space<vmem_shared>>
      tpu.wait_dma2 semaphore(%run_scoped3A : memref<!tpu.dma_semaphore, #tpu.memory_space<semaphore_mem>>) src(%dma_wait3A_96 : memref<640x64xf32, #tpu.memory_space<vmem_shared>>) dst(%dma_wait3A_94 : memref<640x64xf32, #tpu.memory_space<hbm>>)
      tpu.yield
    }) : () -> ()
    return
  }
}

module attributes {stable_mosaic.version = 14 : i64} {
  func.func @_dense_body(%arg0: i32, %arg1: memref<2x1024x64xf32, #tpu.memory_space<vmem>>, %arg2: memref<128x128xf32, #tpu.memory_space<vmem>>, %arg3: memref<1x128xf32, #tpu.memory_space<vmem>>, %arg4: memref<2x1024x64xf32, #tpu.memory_space<vmem>>) attributes {dimension_semantics = [#tpu.dimension_semantics<arbitrary>], iteration_bounds = array<i64: 10>, scalar_prefetch = 0 : i64, scratch_operands = 0 : i64, tpu.core_type = #tpu.core_type<tc>, window_params = [{transform_indices = @transform_0, window_bounds = array<i64: 2, 1024, 64>}, {pipeline_mode = #tpu.pipeline_mode<synchronous>, transform_indices = @transform_1, window_bounds = array<i64: 128, 128>}, {pipeline_mode = #tpu.pipeline_mode<synchronous>, transform_indices = @transform_2, window_bounds = array<i64: 1, 128>}, {transform_indices = @transform_3, window_bounds = array<i64: 2, 1024, 64>}]} {
    %get3A = arith.constant 0 : index
    %get3A_0 = arith.constant 0 : index
    %get3A_1 = arith.constant 0 : index
    %get3A_2 = vector.load %arg1[%get3A, %get3A_0, %get3A_1] : memref<2x1024x64xf32, #tpu.memory_space<vmem>>, vector<1x1024x64xf32>
    %get3A_3 = vector.shape_cast %get3A_2 : vector<1x1024x64xf32> to vector<1024x64xf32>
    %get3A_4 = arith.constant 1 : index
    %get3A_5 = arith.constant 0 : index
    %get3A_6 = arith.constant 0 : index
    %get3A_7 = vector.load %arg1[%get3A_4, %get3A_5, %get3A_6] : memref<2x1024x64xf32, #tpu.memory_space<vmem>>, vector<1x1024x64xf32>
    %get3A_8 = vector.shape_cast %get3A_7 : vector<1x1024x64xf32> to vector<1024x64xf32>
    %concatenate3A = tpu.concatenate %get3A_3, %get3A_8 in 1 : vector<1024x64xf32>, vector<1024x64xf32> -> vector<1024x128xf32>
    %get3A_9 = arith.constant 0 : index
    %get3A_10 = arith.constant 0 : index
    %get3A_11 = vector.load %arg2[%get3A_9, %get3A_10] : memref<128x128xf32, #tpu.memory_space<vmem>>, vector<128x128xf32>
    %dot_general3A = arith.constant dense<0.000000e+00> : vector<1024x128xf32>
    %dot_general3A_12 = tpu.matmul %concatenate3A, %get3A_11, %dot_general3A {dimension_numbers = #tpu.dot_dimension_numbers<[1], [0], [0], [1], [0, 0, 1, 1], [], []>, precision = #tpu.contract_precision<fp32>, transpose_lhs_hint = false} : vector<1024x128xf32>, vector<128x128xf32>, vector<1024x128xf32> -> vector<1024x128xf32>
    %get3A_13 = arith.constant 0 : index
    %get3A_14 = arith.constant 0 : index
    %get3A_15 = vector.load %arg3[%get3A_13, %get3A_14] : memref<1x128xf32, #tpu.memory_space<vmem>>, vector<1x128xf32>
    %add3A = vector.broadcast %get3A_15 : vector<1x128xf32> to vector<1024x128xf32>
    %add3A_16 = arith.addf %dot_general3A_12, %add3A : vector<1024x128xf32>
    %max3A = arith.constant 0.000000e+00 : f32
    %max3A_17 = vector.broadcast %max3A : f32 to vector<1024x128xf32>
    %max3A_18 = arith.maximumf %add3A_16, %max3A_17 : vector<1024x128xf32>
    %slice3A = vector.extract_strided_slice %max3A_18 {offsets = [0, 0], sizes = [1024, 64], strides = [1, 1]} : vector<1024x128xf32> to vector<1024x64xf32>
    %slice3A_19 = vector.extract_strided_slice %max3A_18 {offsets = [0, 64], sizes = [1024, 64], strides = [1, 1]} : vector<1024x128xf32> to vector<1024x64xf32>
    %swap3A = arith.constant 0 : index
    %swap3A_20 = arith.constant 0 : index
    %swap3A_21 = arith.constant 0 : index
    %swap3A_22 = vector.load %arg4[%swap3A, %swap3A_20, %swap3A_21] : memref<2x1024x64xf32, #tpu.memory_space<vmem>>, vector<1x1024x64xf32>
    %swap3A_23 = vector.shape_cast %swap3A_22 : vector<1x1024x64xf32> to vector<1024x64xf32>
    %swap3A_24 = vector.shape_cast %slice3A : vector<1024x64xf32> to vector<1x1024x64xf32>
    tpu.vector_store %arg4[%swap3A, %swap3A_20, %swap3A_21], %swap3A_24 {strides = array<i32>} : memref<2x1024x64xf32, #tpu.memory_space<vmem>>, vector<1x1024x64xf32>,
    %swap3A_25 = arith.constant 1 : index
    %swap3A_26 = arith.constant 0 : index
    %swap3A_27 = arith.constant 0 : index
    %swap3A_28 = vector.load %arg4[%swap3A_25, %swap3A_26, %swap3A_27] : memref<2x1024x64xf32, #tpu.memory_space<vmem>>, vector<1x1024x64xf32>
    %swap3A_29 = vector.shape_cast %swap3A_28 : vector<1x1024x64xf32> to vector<1024x64xf32>
    %swap3A_30 = vector.shape_cast %slice3A_19 : vector<1024x64xf32> to vector<1x1024x64xf32>
    tpu.vector_store %arg4[%swap3A_25, %swap3A_26, %swap3A_27], %swap3A_30 {strides = array<i32>} : memref<2x1024x64xf32, #tpu.memory_space<vmem>>, vector<1x1024x64xf32>,
    return
  }
  func.func @transform_0(%arg0: i32) -> (i32, i32, i32) {
    %c0_i32 = arith.constant 0 : i32
    %c0_i32_0 = arith.constant 0 : i32
    %c0_i32_1 = arith.constant 0 : i32
    return %c0_i32, %arg0, %c0_i32_0 : i32, i32, i32
  }
  func.func @transform_1(%arg0: i32) -> (i32, i32) {
    %c0_i32 = arith.constant 0 : i32
    %c0_i32_0 = arith.constant 0 : i32
    %c0_i32_1 = arith.constant 0 : i32
    return %c0_i32, %c0_i32_0 : i32, i32
  }
  func.func @transform_2(%arg0: i32) -> (i32, i32) {
    %c0_i32 = arith.constant 0 : i32
    %c0_i32_0 = arith.constant 0 : i32
    %c0_i32_1 = arith.constant 0 : i32
    return %c0_i32, %c0_i32_0 : i32, i32
  }
  func.func @transform_3(%arg0: i32) -> (i32, i32, i32) {
    %c0_i32 = arith.constant 0 : i32
    %c0_i32_0 = arith.constant 0 : i32
    %c0_i32_1 = arith.constant 0 : i32
    return %c0_i32, %arg0, %c0_i32_0 : i32, i32, i32
  }
}

module attributes {stable_mosaic.version = 14 : i64} {
  func.func @_dense_body(%arg0: i32, %arg1: memref<2x1000x64xf32, #tpu.memory_space<vmem>>, %arg2: memref<128x128xf32, #tpu.memory_space<vmem>>, %arg3: memref<1x128xf32, #tpu.memory_space<vmem>>, %arg4: memref<1000x128xf32, #tpu.memory_space<vmem>>) attributes {dimension_semantics = [#tpu.dimension_semantics<arbitrary>], iteration_bounds = array<i64: 10>, scalar_prefetch = 0 : i64, scratch_operands = 0 : i64, tpu.core_type = #tpu.core_type<tc>, window_params = [{transform_indices = @transform_0, window_bounds = array<i64: 2, 1000, 64>}, {pipeline_mode = #tpu.pipeline_mode<synchronous>, transform_indices = @transform_1, window_bounds = array<i64: 128, 128>}, {pipeline_mode = #tpu.pipeline_mode<synchronous>, transform_indices = @transform_2, window_bounds = array<i64: 1, 128>}, {transform_indices = @transform_3, window_bounds = array<i64: 1000, 128>}]} {
    %get3A = arith.constant 0 : index
    %get3A_0 = arith.constant 0 : index
    %get3A_1 = arith.constant 0 : index
    %get3A_2 = vector.load %arg1[%get3A, %get3A_0, %get3A_1] : memref<2x1000x64xf32, #tpu.memory_space<vmem>>, vector<1x1000x64xf32>
    %get3A_3 = vector.shape_cast %get3A_2 : vector<1x1000x64xf32> to vector<1000x64xf32>
    %get3A_4 = arith.constant 1 : index
    %get3A_5 = arith.constant 0 : index
    %get3A_6 = arith.constant 0 : index
    %get3A_7 = vector.load %arg1[%get3A_4, %get3A_5, %get3A_6] : memref<2x1000x64xf32, #tpu.memory_space<vmem>>, vector<1x1000x64xf32>
    %get3A_8 = vector.shape_cast %get3A_7 : vector<1x1000x64xf32> to vector<1000x64xf32>
    %concatenate3A = tpu.concatenate %get3A_3, %get3A_8 in 1 : vector<1000x64xf32>, vector<1000x64xf32> -> vector<1000x128xf32>
    %get3A_9 = arith.constant 0 : index
    %get3A_10 = arith.constant 0 : index
    %get3A_11 = vector.load %arg2[%get3A_9, %get3A_10] : memref<128x128xf32, #tpu.memory_space<vmem>>, vector<128x128xf32>
    %dot_general3A = arith.constant dense<0.000000e+00> : vector<1000x128xf32>
    %dot_general3A_12 = tpu.matmul %concatenate3A, %get3A_11, %dot_general3A {dimension_numbers = #tpu.dot_dimension_numbers<[1], [0], [0], [1], [0, 0, 1, 1], [], []>, precision = #tpu.contract_precision<fp32>, transpose_lhs_hint = false} : vector<1000x128xf32>, vector<128x128xf32>, vector<1000x128xf32> -> vector<1000x128xf32>
    %get3A_13 = arith.constant 0 : index
    %get3A_14 = arith.constant 0 : index
    %get3A_15 = vector.load %arg3[%get3A_13, %get3A_14] : memref<1x128xf32, #tpu.memory_space<vmem>>, vector<1x128xf32>
    %add3A = vector.broadcast %get3A_15 : vector<1x128xf32> to vector<1000x128xf32>
    %add3A_16 = arith.addf %dot_general3A_12, %add3A : vector<1000x128xf32>
    %reduce_max3A = arith.constant dense<0xFF800000> : vector<1000xf32>
    %reduce_max3A_17 = vector.multi_reduction <maximumf>, %add3A_16, %reduce_max3A [1] : vector<1000x128xf32> to vector<1000xf32>
    %broadcast_in_dim3A = vector.shape_cast %reduce_max3A_17 : vector<1000xf32> to vector<1000x1xf32>
    %sub3A = vector.broadcast %broadcast_in_dim3A : vector<1000x1xf32> to vector<1000x128xf32>
    %sub3A_18 = arith.subf %add3A_16, %sub3A : vector<1000x128xf32>
    %exp3A = math.exp %sub3A_18 : vector<1000x128xf32>
    %reduce_sum3A = arith.constant dense<0.000000e+00> : vector<1000xf32>
    %reduce_sum3A_19 = vector.multi_reduction <add>, %exp3A, %reduce_sum3A [1] : vector<1000x128xf32> to vector<1000xf32>
    %broadcast_in_dim3A_20 = vector.shape_cast %reduce_sum3A_19 : vector<1000xf32> to vector<1000x1xf32>
    %log3A = math.log %broadcast_in_dim3A_20 : vector<1000x1xf32>
    %add3A_21 = arith.addf %broadcast_in_dim3A, %log3A : vector<1000x1xf32>
    %sub3A_22 = vector.broadcast %add3A_21 : vector<1000x1xf32> to vector<1000x128xf32>
    %sub3A_23 = arith.subf %add3A_16, %sub3A_22 : vector<1000x128xf32>
    %swap3A = arith.constant 0 : index
    %swap3A_24 = arith.constant 0 : index
    %swap3A_25 = vector.load %arg4[%swap3A, %swap3A_24] : memref<1000x128xf32, #tpu.memory_space<vmem>>, vector<1000x128xf32>
    tpu.vector_store %arg4[%swap3A, %swap3A_24], %sub3A_23 {strides = array<i32>} : memref<1000x128xf32, #tpu.memory_space<vmem>>, vector<1000x128xf32>,
    return
  }
  func.func @transform_0(%arg0: i32) -> (i32, i32, i32) {
    %c0_i32 = arith.constant 0 : i32
    %c0_i32_0 = arith.constant 0 : i32
    %c0_i32_1 = arith.constant 0 : i32
    return %c0_i32, %arg0, %c0_i32_0 : i32, i32, i32
  }
  func.func @transform_1(%arg0: i32) -> (i32, i32) {
    %c0_i32 = arith.constant 0 : i32
    %c0_i32_0 = arith.constant 0 : i32
    %c0_i32_1 = arith.constant 0 : i32
    return %c0_i32, %c0_i32_0 : i32, i32
  }
  func.func @transform_2(%arg0: i32) -> (i32, i32) {
    %c0_i32 = arith.constant 0 : i32
    %c0_i32_0 = arith.constant 0 : i32
    %c0_i32_1 = arith.constant 0 : i32
    return %c0_i32, %c0_i32_0 : i32, i32
  }
  func.func @transform_3(%arg0: i32) -> (i32, i32) {
    %c0_i32 = arith.constant 0 : i32
    %c0_i32_0 = arith.constant 0 : i32
    return %arg0, %c0_i32 : i32, i32
  }
}

</mosaic_0001>

<sc_bundles>
// kernel: kernel.11.cloned.1.call-start
scs
__scs_entry_jumppad:
0x0: {  	(pc) =	sbr.rel $0x88, $3  }
0x1: {  	(tag) =	ssettag $0x0;
	lr =	simm.s32 $0x1  }
0x2: {  	[smem:$0x3F99] =	sst lr;
	_ =	strace $0xD0000000  }
0x3: {  	_ = 	snop  }
0x4: {  	_ = 	snop  }
0x5: {  	_ = 	snop  }
0x6: {  	_ = 	snop  }
0x7: {  	_ = 	snop  }
__scs_overlays_trampoline_lowered:
0x8: {  	[smem:$0x3FA8] =	sst s0  }
0x9: {  	[smem:$0x3FA9] =	sst s1  }
0xa: {  	[smem:$0x3FAA] =	sst s2  }
0xb: {  	[smem:$0x3FAB] =	sst s3  }
0xc: {  	[smem:$0x3FAC] =	sst s4  }
0xd: {  	[smem:$0x3FAD] =	sst s5  }
0xe: {  	[smem:$0x3FAE] =	sst s6  }
0xf: {  	[smem:$0x3FAF] =	sst s7  }
0x10: {  	[smem:$0x3FB0] =	sst s8  }
0x11: {  	[smem:$0x3FB1] =	sst s9;
	s0 =	simm.s32 @!p0 $0x0  }
0x12: {  	s1 =	sld [smem:$0x3F97];
	s0 =	simm.s32 @p0 $0x1  }
0x13: {  	[smem:$0x3FB2] =	sst s0;
	s0 =	simm.s32 @!p1 $0x0  }
0x14: {  	s2 =	sld [smem:$0x3F96];
	s0 =	simm.s32 @p1 $0x1  }
0x15: {  	[smem:$0x3FB3] =	sst s0;
	s0 =	simm.s32 @!p2 $0x0  }
0x16: {  	s3 =	sld [smem:$0x3FDB];
	s0 =	simm.s32 @p2 $0x1  }
0x17: {  	s4 =	simm.s32 $0x1BF5;
	[smem:$0x3FB5] =	sst s0  }
0x18: {  	s0 =	sld [smem:$0x3F98];
	_ =	swait.ge [sflag:s4], $0x0  }
0x19: {  	s7 =	sld [smem:$0x3F99]  }
0x1a: {  	s8 =	sadd.s32 $0xFFFFE003, lr  }
0x1b: {  	s9 =	sadd.s32 $0xFFFFFEF7, lr;
	s5 =	simm.s32 $0xFFFFFFFF;
	p2 =	slt.u32 s8, $0xFFFFF086  }
0x1c: {  	p1 =	slt.u32 s9, $0xF7A;
	s5 =	simm.s32 @!p2 $0x0  }
0x1d: {  	s5 =	simm.s32 @p1 $0x1;
	p0 =	seq.s32 s7, s2  }
0x1e: {  	s7 =	smul.u32 @!p0 $0xF7A, s2;
	p2 =	seq.s32 @!p0 s5, $0x0  }
0x1f: {  	s9 =	smul.u32 $0xF7A, s1;
	s8 =	simm.s32 @!p0 $0x1BF5;
	p2 =	por !p2, p0  }
0x20: {  	[sflag:s8] =	ssyncset.s32 @!p0 $0xFFFFF086;
	s6 =	sadd.s32 @!p0 s3, s7;
	s7 =	simm.s32 @!p0 $0x108  }
0x21: {  	s3 =	sadd.s32 s3, s9;
	s6 =	sadd.s32 @!p0 $0x88, s6;
	s7 =	simm.s32 @p2 $0x1082  }
0x22: {  	[simem:s7], [sflag:s8] =	dma.local @!p0 [hbm:s6], $0xF7A  }
0x23: {  	s9 =	sor.u32 $0xD0000000, s2;
	s6 =	simm.s32 $0x108;
	_ =	swait.ge @!p0 [sflag:s8], $0x0  }
0x24: {  	s3 =	sadd.s32 $0x88, s3;
	s6 =	simm.s32 @!p1 $0x1082;
	[sflag:s4] =	ssyncset.s32 $0xFFFFF086  }
0x25: {  	[simem:s6], [sflag:s4] =	dma.local [hbm:s3], $0xF7A  }
0x26: {  	[smem:$0x3F99] =	sst s1;
	(tag) =	ssettag s2;
	_ =	strace s9  }
0x27: {  	s1 =	sld [smem:$0x3FA9]  }
0x28: {  	s2 =	sld [smem:$0x3FAA]  }
0x29: {  	s4 =	sld [smem:$0x3FAC]  }
0x2a: {  	p0 =	seq.s32 s5, $0x0;
	s5 =	sld [smem:$0x3FAD]  }
0x2b: {  	s6 =	sld [smem:$0x3FAE]  }
0x2c: {  	s7 =	sld [smem:$0x3FAF]  }
0x2d: {  	s3 =	simm.s32 $0x108;
	s8 =	sld [smem:$0x3FB0]  }
0x2e: {  	s3 =	simm.s32 @!p0 $0x1082;
	s9 =	sld [smem:$0x3FB1]  }
0x2f: {  	lr =	sadd.s32 s0, s3;
	s0 =	sld [smem:$0x3FA8]  }
0x30: {  	s3 =	sld [smem:$0x3FAB]  }
0x31: {  	[smem:$0x3FB4] =	sst s10  }
0x32: {  	s10 =	sld [smem:$0x3FB2];
	_ =	sdelay $0x3  }
0x33: {  	p0 =	seq.s32 s10, $0x1;
	s10 =	sld [smem:$0x3FB4];
	_ =	sdelay $0x3  }
0x34: {  	[smem:$0x3FB4] =	sst s10  }
0x35: {  	s10 =	sld [smem:$0x3FB3];
	_ =	sdelay $0x3  }
0x36: {  	p1 =	seq.s32 s10, $0x1;
	s10 =	sld [smem:$0x3FB4];
	_ =	sdelay $0x3  }
0x37: {  	[smem:$0x3FB4] =	sst s10  }
0x38: {  	s10 =	sld [smem:$0x3FB5]  }
0x39: {  	_ = 	snop;
	(pc) =	sbr.ind lr, $3  }
0x3a: {  	_ = 	snop  }
0x3b: {  	_ = 	snop  }
0x3c: {  	p2 =	seq.s32 s10, $0x1;
	s10 =	sld [smem:$0x3FB4]  }
0x3d: {  	_ =	shalt  }
0x3e: {  	_ =	shalt  }
0x3f: {  	_ =	shalt  }
0x40: {  	_ =	shalt  }
0x41: {  	_ =	shalt  }
0x42: {  	_ =	shalt  }
0x43: {  	_ =	shalt  }
0x44: {  	_ =	shalt  }
0x45: {  	_ =	shalt  }
0x46: {  	_ =	shalt  }
0x47: {  	_ =	shalt  }
0x48: {  	_ =	shalt  }
0x49: {  	_ =	shalt  }
0x4a: {  	_ =	shalt  }
0x4b: {  	_ =	shalt  }
0x4c: {  	_ =	shalt  }
0x4d: {  	_ =	shalt  }
0x4e: {  	_ =	shalt  }
0x4f: {  	_ =	shalt  }
0x50: {  	_ =	shalt  }
0x51: {  	_ =	shalt  }
0x52: {  	_ =	shalt  }
0x53: {  	_ =	shalt  }
0x54: {  	_ =	shalt  }
0x55: {  	_ =	shalt  }
0x56: {  	_ =	shalt  }
0x57: {  	_ =	shalt  }
0x58: {  	_ =	shalt  }
0x59: {  	_ =	shalt  }
0x5a: {  	_ =	shalt  }
0x5b: {  	_ =	shalt  }
0x5c: {  	_ =	shalt  }
0x5d: {  	_ =	shalt  }
0x5e: {  	_ =	shalt  }
0x5f: {  	_ =	shalt  }
0x60: {  	_ =	shalt  }
0x61: {  	_ =	shalt  }
0x62: {  	_ =	shalt  }
0x63: {  	_ =	shalt  }
0x64: {  	_ =	shalt  }
0x65: {  	_ =	shalt  }
0x66: {  	_ =	shalt  }
0x67: {  	_ =	shalt  }
0x68: {  	_ =	shalt  }
0x69: {  	_ =	shalt  }
0x6a: {  	_ =	shalt  }
0x6b: {  	_ =	shalt  }
0x6c: {  	_ =	shalt  }
0x6d: {  	_ =	shalt  }
0x6e: {  	_ =	shalt  }
0x6f: {  	_ =	shalt  }
0x70: {  	_ =	shalt  }
0x71: {  	_ =	shalt  }
0x72: {  	_ =	shalt  }
0x73: {  	_ =	shalt  }
0x74: {  	_ =	shalt  }
0x75: {  	_ =	shalt  }
0x76: {  	_ =	shalt  }
0x77: {  	_ =	shalt  }
0x78: {  	_ =	shalt  }
0x79: {  	_ =	shalt  }
0x7a: {  	_ =	shalt  }
0x7b: {  	_ =	shalt  }
0x7c: {  	_ =	shalt  }
0x7d: {  	_ =	shalt  }
0x7e: {  	_ =	shalt  }
0x7f: {  	_ =	shalt  }
0x80: {  	_ =	shalt  }
0x81: {  	_ =	shalt  }
0x82: {  	_ =	shalt  }
0x83: {  	_ =	shalt  }
0x84: {  	_ =	shalt  }
0x85: {  	_ =	shalt  }
0x86: {  	_ =	shalt  }
0x87: {  	_ =	shalt  }
.Lfunc_end0:
.L_simem_size_0:
called_computation.1_lowered:
.L_overlay_start_0:
0x88: {  	s2 =	sld [smem:$0x3FD9]  }
0x89: {  	s3 =	sld [smem:$0x3FFE];
	_ =	sdelay $0x1  }
0x8a: {  	s1 =	srdreg.scid  }
0x8b: {  	s0 =	sand.u32 $0x1, s1  }
0x8c: {  	s17 =	sshll.u32 s0, $0xA;
	s2 =	sadd.s32 s3, s2  }
0x8d: {  	s2 =	sadd.s32 s2, s17  }
0x8e: {  	[smem:$0x3FC0] =	sst s2  }
0x8f: {  	_ = 	snop  }
0x90: {  	s2 =	sld [smem:$0x3FD0];
	(tm) =	ssettm $0x1  }
0x91: {  	s18 =	sld [smem:$0x3FFB];
	_ =	sdelay $0x3  }
0x92: {  	_ =	strace s18  }
0x93: {  	s3 =	sld [smem:$0x3FFC];
	_ =	sdelay $0x3  }
0x94: {  	_ =	strace s3  }
0x95: {  	s3 =	sld [smem:$0x3FFD];
	_ =	sdelay $0x3  }
0x96: {  	_ =	strace s3  }
0x97: {  	_ =	strace $0x8FFFFFFF  }
0x98: {  	s19 =	sld [smem:$0x3FDB];
	_ =	sdelay $0x1  }
0x99: {  	s4 =	simm.s32 $_scs_section_size  }
0x9a: {  	s5 =	simm.s32 $_size__tile_overlayer_lowered;
	s6 =	simm.s32 $_tile_overlayer_lowered  }
0x9b: {  	s22 =	simm.s32 $0x1BFF;
	s21 =	sshll.u32 s6, $0x1;
	s3 =	sadd.s32 s4, s19  }
0x9c: {  	s7 =	simm.s32 $0x0;
	s20 =	sshll.u32 s5, $0x1;
	s5 =	sadd.s32 s21, s3  }
0x9d: {  	[timem:s7], [sflag:s22] =	dma.local [hbm:s5], s20  }
0x9e: {  	_ =	swait.ge [sflag:s22], s20  }
0x9f: {  	s4 =	ssub.s32 $0x0, s20;
	[sflag:s22] =	ssyncset.done $0x0  }
0xa0: {  	[sflag:s22] =	ssyncadd.s32 s4;
	_ =	sdelay $0x1  }
0xa1: {  	s23 =	simm.s32 $0x1B8B  }
0xa2: {  	_ =	swait.ge [sflag:s23], $0x1  }
0xa3: {  	[sflag:s23] =	ssyncset.done $0x0  }
0xa4: {  	s25 =	simm.s32 $0x1B8E;
	s24 =	sld [smem:$0x3FFE];
	[sflag:s23] =	ssyncadd.s32 $0xFFFFFFFF  }
0xa5: {  	s26 =	simm.s32 $execute0_lowered;
	[smem:$0x3FD2] =	sst s25  }
0xa6: {  	s5 =	sshll.u32 s26, $0x1;
	_ =	strace $0x80000049;
	[dreg:$0x1] =	wrdreg $0xFFFFFFFF  }
0xa7: {  	s28 =	simm.s32 $_size_execute0_lowered;
	s3 =	sadd.s32 s3, s5;
	[dreg:$0x0] =	wrdreg $0x0  }
0xa8: {  	s5 =	sshll.u32 s28, $0x1;
	[dreg:$0x2] =	wrdreg s3  }
0xa9: {  	[dreg:$0x3] =	wrdreg s5  }
0xaa: {  	[dreg:$0x4] =	wrdreg $0xC0  }
0xab: {  	_ =	task [dreg:s7], $0x5FFFF  }
0xac: {  	[dreg:$0x1] =	wrdreg $0xFFFFFFFF  }
0xad: {  	[dreg:$0x0] =	wrdreg $0x60  }
0xae: {  	[dreg:$0x2] =	wrdreg s24  }
0xaf: {  	[dreg:$0x3] =	wrdreg s2  }
0xb0: {  	[dreg:$0x4] =	wrdreg $0x140000  }
0xb1: {  	[dreg:$0x5] =	wrdreg $0x9  }
0xb2: {  	_ =	task.clear_ibuf [dreg:s7], $0x6FFFF;
	_ =	strace $0x90000049  }
0xb3: {  	s29 =	simm.s32 $0x9;
	_ =	strace $0x8000004B  }
0xb4: {  	_ =	swait.ge [sflag:s29], $0x1  }
0xb5: {  	[sflag:s29] =	ssyncadd.s32 $0xFFFFFFFF  }
0xb6: {  	_ =	strace $0x9000004B  }
0xb7: {  	_ =	sfence  }
0xb8: {  	s30 =	sld [smem:$0x0];
	_ =	sdelay $0x2  }
0xb9: {  	s31 =	sshll.u32 s1, $0xD;
	s1 =	sshrl.u32 s1, $0x2  }
0xba: {  	s3 =	sand.u32 $0x4000, s31;
	s1 =	sadd.s32 s1, s30  }
0xbb: {  	s0 =	sor.u32 s3, s0;
	s1 =	sshll.u32 s1, $0x11  }
0xbc: {  	s0 =	sor.u32 s1, s0  }
0xbd: {  	s0 =	sadd.s32 $0x8F2B, s0  }
0xbe: {  	[sflag:s0] =	ssyncadd.remote.s32 $0x1  }
0xbf: {  	_ =	sfence.sel $0xFFFF  }
0xc0: {  	[dreg:$0x0] =	wrdreg $0xFFFFFFFF;
	(pc) =	sbr.abs _section_cstart, $3  }
0xc1: {  	[dreg:$0x1] =	wrdreg $0xFFFFFFFF  }
0xc2: {  	_ =	task.clear_ibuf [dreg:s7], $0x2FFFF;
	_ =	strace $0x9FFFFFFF  }
0xc3: {  	(tm) =	ssettm $0x7FFFFFFF  }
tec
execute0_lowered:
.L_overlay_start_1:
0x0: {  	(tag) =	ssettag $0x1  }
0x1: {  	s0 =	rddreg [dreg:$0x0]  }
0x2: {  	s1 =	rddreg [dreg:$0x1]  }
0x3: {  	s2 =	rddreg [dreg:$0x2];
	s5 =	simm.s32 $0x0;
	s3 =	stileid.u32  }
0x4: {  	s4 =	srdreg.scid;
	s14 =	simm.s32 $0x12000;
	s15 =	simm.s32 $0x7  }
0x5: {  	s16 =	simm.s32 $0x5;
	s17 =	simm.s32 $0x6;
	s18 =	simm.s32 $0x80  }
0x6: {  	s19 =	simm.s32 $0xA000;
	s20 =	simm.s32 $0xC000;
	s22 =	simm.s32 $0xE000  }
0x7: {  	s28 =	simm.s32 $0x2;
	s29 =	simm.s32 $0x3;
	s23 =	smul.u32 $0xA00, s3  }
0x8: {  	s30 =	simm.s32 $0x4;
	s31 =	simm.s32 $0x0;
	s9 =	smul.u32 $0x28000, s3  }
0x9: {  	[smem:$0x7FF] =	sst s5;
	s4 =	sand.u32 $0x1, s4;
	s25 =	smul.u32 $0xA000, s3  }
0xa: {  	_ =	strace $0x8000004A;
	s6 =	smul.u32 $0x14000, s4;
	s4 =	ssub.s32 $0x2, s4  }
0xb: {  	s7 =	sadd.s32 s23, s0;
	s8 =	sshrl.u32 s4, $0x1;
	s24 =	sshrl.u32 s9, $0x2  }
0xc: {  	s26 =	sshrl.u32 s25, $0x3;
	s13 =	sadd.s32 s25, s2;
	s0 =	sadd.s32 s6, s0  }
0xd: {  	s8 =	ssub.s32 s4, s8;
	s4 =	sadd.s32 s1, s23;
	s5 =	sadd.s32 $0x29200, s7  }
0xe: {  	s6 =	sadd.s32 s24, s2;
	s24 =	simm.s32 $0x10000;
	s25 =	sshrl.u32 s13, $0x3  }
0xf: {  	s7 =	sadd.s32 $0x1200, s0;
	s0 =	sadd.s32 $0x33200, s0;
	s8 =	smax.u32 s8, $0x1  }
0x10: {  	s9 =	sadd.s32 $0x2000, s6;
	s10 =	sadd.s32 $0x4000, s6;
	s11 =	sadd.s32 $0x6000, s6  }
0x11: {  	v0 =	vimm.f32 $0.0e+00;
	s12 =	sadd.s32 $0x8000, s6;
	s23 =	sadd.s32 s26, s0;
	s26 =	simm.s32 $0x1  }
.LBB2_1:
0x12: {  	s0 =	simm.s32 $0x0  }
0x13: {  	[tilespmem:s0], [sflag:$0x5] =	stream.linear.gather [hbm4b:s4+s0], $0x5000, $0x38;
	[tilespmem:$0x1E000] =	vst v63  }
0x14: {  	s1 =	simm.s32 $0x5000  }
0x15: {  	[tilespmem:s1], [sflag:$0x6] =	stream.linear.gather [hbm4b:s5+s0], $0x5000, $0x38;
	[tilespmem:$0x1E000] =	vst v63  }
0x16: {  	s1 =	simm.s32 $0x100;
	s0 =	simm.s32 $0x0  }
.LBB2_2:
0x17: {  	p0 =	sne.s32 s1, $0x7F00;
	[tilespmem:s0+$0x12030] =	vst v0;
	s13 =	smov.u32 s1;
	s1 =	sadd.s32 $0x100, s1  }
.Ltmp0:
0x18: {  	[tilespmem:s0+$0x12020] =	vst v0;
	(pc) =	sbr.rel @p0 .LBB2_2-.Ltmp0, $3  }
0x19: {  	[tilespmem:s0+$0x12000] =	vst v0  }
0x1a: {  	[tilespmem:s0+$0x12010] =	vst v0;
	_ =	sdelay $0x1  }
0x1b: {  	s0 =	sshra.s32 s13, $0x2  }
0x1c: {  	[tilespmem:s0+$0x12030] =	vst v0  }
0x1d: {  	[tilespmem:s0+$0x12020] =	vst v0  }
0x1e: {  	[tilespmem:s0+$0x12000] =	vst v0  }
0x1f: {  	[tilespmem:s0+$0x12010] =	vst v0  }
0x20: {  	[spmem:s6] =	stream.linear.scatter [tilespmem:s14], [sflag:$0x7], $0x2000, $0x38;
	[tilespmem:$0x1E000] =	vst v63  }
0x21: {  	_ =	swait.ge [sflag:s15], $0x2000  }
0x22: {  	[sflag:s15] =	ssyncset.done $0x0  }
0x23: {  	[sflag:s15] =	ssyncadd.s32 $0xFFFFE000  }
0x24: {  	[spmem:s9] =	stream.linear.scatter [tilespmem:s14], [sflag:$0x7], $0x2000, $0x38;
	[tilespmem:$0x1E000] =	vst v63  }
0x25: {  	_ =	swait.ge [sflag:s15], $0x2000  }
0x26: {  	[sflag:s15] =	ssyncset.done $0x0  }
0x27: {  	[sflag:s15] =	ssyncadd.s32 $0xFFFFE000  }
0x28: {  	[spmem:s10] =	stream.linear.scatter [tilespmem:s14], [sflag:$0x7], $0x2000, $0x38;
	[tilespmem:$0x1E000] =	vst v63  }
0x29: {  	_ =	swait.ge [sflag:s15], $0x2000  }
0x2a: {  	[sflag:s15] =	ssyncset.done $0x0  }
0x2b: {  	[sflag:s15] =	ssyncadd.s32 $0xFFFFE000  }
0x2c: {  	[spmem:s11] =	stream.linear.scatter [tilespmem:s14], [sflag:$0x7], $0x2000, $0x38;
	[tilespmem:$0x1E000] =	vst v63  }
0x2d: {  	_ =	swait.ge [sflag:s15], $0x2000  }
0x2e: {  	[sflag:s15] =	ssyncset.done $0x0  }
0x2f: {  	[sflag:s15] =	ssyncadd.s32 $0xFFFFE000  }
0x30: {  	[spmem:s12] =	stream.linear.scatter [tilespmem:s14], [sflag:$0x7], $0x2000, $0x38;
	[tilespmem:$0x1E000] =	vst v63  }
0x31: {  	_ =	swait.ge [sflag:s15], $0x2000  }
0x32: {  	[sflag:s15] =	ssyncset.done $0x0  }
0x33: {  	[sflag:s15] =	ssyncadd.s32 $0xFFFFE000  }
0x34: {  	[bflag:$0x0] =	sbarrier.arrive $0xFFFF  }
0x35: {  	_ =	swait.ge [sflag:s16], $0x5000  }
0x36: {  	[sflag:s16] =	ssyncset.done $0x0  }
0x37: {  	[sflag:s16] =	ssyncadd.s32 $0xFFFFB000  }
0x38: {  	_ =	swait.ge [sflag:s17], $0x5000  }
0x39: {  	[sflag:s17] =	ssyncset.done $0x0  }
0x3a: {  	s13 =	simm.s32 $0x0;
	[sflag:s17] =	ssyncadd.s32 $0xFFFFB000  }
0x3b: {  	[tilespmem:s19], [sflag:$0x1] =	stream.indirect.gather [hbm4b:s7+s18], $0x40, s13, s18, $0xb8;
	[tilespmem:$0x1E000] =	vst v63  }
0x3c: {  	_ = 	snop  }
0x3d: {  	[tilespmem:s20], [sflag:$0x2] =	stream.indirect.gather [hbm4b:s7+s18], $0x40, s18, s18, $0xb8;
	[tilespmem:$0x1E000] =	vst v63  }
0x3e: {  	s21 =	simm.s32 $0x100  }
0x3f: {  	[tilespmem:s22], [sflag:$0x3] =	stream.indirect.gather [hbm4b:s7+s18], $0x40, s21, s18, $0xb8;
	[tilespmem:$0x1E000] =	vst v63  }
0x40: {  	s1 =	simm.s32 $0x180  }
0x41: {  	[tilespmem:s24], [sflag:$0x4] =	stream.indirect.gather [hbm4b:s7+s18], $0x40, s1, s18, $0xb8;
	[tilespmem:$0x1E000] =	vst v63  }
0x42: {  	_ =	swait.ge [sflag:s26], $0x2000  }
0x43: {  	[sflag:s26] =	ssyncset.done $0x0  }
0x44: {  	s3 =	simm.s32 $0x5000;
	[sflag:s26] =	ssyncadd.s32 $0xFFFFE000  }
0x45: {  	[spmem:s2] =	stream.indirect.scatter.add.f32 [tilespmem:s19], [sflag:$0x7], $0x40, s3, s18, $0xb8;
	[tilespmem:$0x1E000] =	vst v63  }
0x46: {  	_ =	swait.ge [sflag:s15], $0x2000  }
0x47: {  	[sflag:s15] =	ssyncset.done $0x0  }
0x48: {  	s13 =	simm.s32 $0x200;
	[sflag:s15] =	ssyncadd.s32 $0xFFFFE000  }
0x49: {  	[tilespmem:s19], [sflag:$0x1] =	stream.indirect.gather [hbm4b:s7+s18], $0x40, s13, s18, $0xb8;
	[tilespmem:$0x1E000] =	vst v63  }
0x4a: {  	_ =	swait.ge [sflag:s28], $0x2000  }
0x4b: {  	[sflag:s28] =	ssyncset.done $0x0  }
0x4c: {  	s21 =	simm.s32 $0x5080;
	[sflag:s28] =	ssyncadd.s32 $0xFFFFE000  }
0x4d: {  	[spmem:s2] =	stream.indirect.scatter.add.f32 [tilespmem:s20], [sflag:$0x7], $0x40, s21, s18, $0xb8;
	[tilespmem:$0x1E000] =	vst v63  }
0x4e: {  	_ =	swait.ge [sflag:s15], $0x2000  }
0x4f: {  	[sflag:s15] =	ssyncset.done $0x0  }
0x50: {  	s1 =	simm.s32 $0x280;
	[sflag:s15] =	ssyncadd.s32 $0xFFFFE000  }
0x51: {  	[tilespmem:s20], [sflag:$0x2] =	stream.indirect.gather [hbm4b:s7+s18], $0x40, s1, s18, $0xb8;
	[tilespmem:$0x1E000] =	vst v63  }
0x52: {  	_ =	swait.ge [sflag:s29], $0x2000  }
0x53: {  	[sflag:s29] =	ssyncset.done $0x0  }
0x54: {  	s3 =	simm.s32 $0x5100;
	[sflag:s29] =	ssyncadd.s32 $0xFFFFE000  }
0x55: {  	[spmem:s2] =	stream.indirect.scatter.add.f32 [tilespmem:s22], [sflag:$0x7], $0x40, s3, s18, $0xb8;
	[tilespmem:$0x1E000] =	vst v63  }
0x56: {  	_ =	swait.ge [sflag:s15], $0x2000  }
0x57: {  	[sflag:s15] =	ssyncset.done $0x0  }
0x58: {  	s13 =	simm.s32 $0x300;
	[sflag:s15] =	ssyncadd.s32 $0xFFFFE000  }
0x59: {  	[tilespmem:s22], [sflag:$0x3] =	stream.indirect.gather [hbm4b:s7+s18], $0x40, s13, s18, $0xb8;
	[tilespmem:$0x1E000] =	vst v63  }
0x5a: {  	_ =	swait.ge [sflag:s30], $0x2000  }
0x5b: {  	[sflag:s30] =	ssyncset.done $0x0  }
0x5c: {  	s21 =	simm.s32 $0x5180;
	[sflag:s30] =	ssyncadd.s32 $0xFFFFE000  }
0x5d: {  	[spmem:s2] =	stream.indirect.scatter.add.f32 [tilespmem:s24], [sflag:$0x7], $0x40, s21, s18, $0xb8;
	[tilespmem:$0x1E000] =	vst v63  }
0x5e: {  	_ =	swait.ge [sflag:s15], $0x2000  }
0x5f: {  	s0 =	simm.s32 $0x200;
	s13 =	simm.s32 $0x1000;
	[sflag:s15] =	ssyncset.done $0x0  }
.LBB2_4:
0x60: {  	s3 =	sadd.s32 $0x180, s0  }
0x61: {  	[sflag:s15] =	ssyncadd.s32 $0xFFFFE000;
	s1 =	smov.u32 s13;
	s21 =	sadd.s32 $0x800, s13  }
0x62: {  	[tilespmem:s24], [sflag:$0x4] =	stream.indirect.gather [hbm4b:s7+s18], $0x40, s3, s18, $0xb8;
	[tilespmem:$0x1E000] =	vst v63  }
0x63: {  	p0 =	sne.s32 s13, $0x13000;
	_ =	swait.ge [sflag:s26], $0x2000  }
0x64: {  	[sflag:s26] =	ssyncset.done $0x0  }
0x65: {  	s3 =	sadd.s32 $0x5000, s0;
	[sflag:s26] =	ssyncadd.s32 $0xFFFFE000  }
0x66: {  	[spmem:s2] =	stream.indirect.scatter.add.f32 [tilespmem:s19], [sflag:$0x7], $0x40, s3, s18, $0xb8;
	[tilespmem:$0x1E000] =	vst v63  }
0x67: {  	_ =	swait.ge [sflag:s15], $0x2000  }
0x68: {  	[sflag:s15] =	ssyncset.done $0x0  }
0x69: {  	s3 =	sadd.s32 $0x200, s0;
	[sflag:s15] =	ssyncadd.s32 $0xFFFFE000  }
0x6a: {  	[tilespmem:s19], [sflag:$0x1] =	stream.indirect.gather [hbm4b:s7+s18], $0x40, s3, s18, $0xb8;
	[tilespmem:$0x1E000] =	vst v63  }
0x6b: {  	_ =	swait.ge [sflag:s28], $0x2000  }
0x6c: {  	[sflag:s28] =	ssyncset.done $0x0  }
0x6d: {  	s3 =	sadd.s32 $0x5080, s0;
	[sflag:s28] =	ssyncadd.s32 $0xFFFFE000  }
0x6e: {  	[spmem:s2] =	stream.indirect.scatter.add.f32 [tilespmem:s20], [sflag:$0x7], $0x40, s3, s18, $0xb8;
	[tilespmem:$0x1E000] =	vst v63  }
0x6f: {  	_ =	swait.ge [sflag:s15], $0x2000  }
0x70: {  	[sflag:s15] =	ssyncset.done $0x0  }
0x71: {  	s3 =	sadd.s32 $0x280, s0;
	[sflag:s15] =	ssyncadd.s32 $0xFFFFE000  }
0x72: {  	[tilespmem:s20], [sflag:$0x2] =	stream.indirect.gather [hbm4b:s7+s18], $0x40, s3, s18, $0xb8;
	[tilespmem:$0x1E000] =	vst v63  }
0x73: {  	_ =	swait.ge [sflag:s29], $0x2000  }
0x74: {  	[sflag:s29] =	ssyncset.done $0x0  }
0x75: {  	s3 =	sadd.s32 $0x5100, s0;
	[sflag:s29] =	ssyncadd.s32 $0xFFFFE000  }
0x76: {  	[spmem:s2] =	stream.indirect.scatter.add.f32 [tilespmem:s22], [sflag:$0x7], $0x40, s3, s18, $0xb8;
	[tilespmem:$0x1E000] =	vst v63  }
0x77: {  	_ =	swait.ge [sflag:s15], $0x2000  }
0x78: {  	[sflag:s15] =	ssyncset.done $0x0  }
0x79: {  	s3 =	sadd.s32 $0x300, s0;
	[sflag:s15] =	ssyncadd.s32 $0xFFFFE000  }
0x7a: {  	[tilespmem:s22], [sflag:$0x3] =	stream.indirect.gather [hbm4b:s7+s18], $0x40, s3, s18, $0xb8;
	[tilespmem:$0x1E000] =	vst v63  }
0x7b: {  	_ =	swait.ge [sflag:s30], $0x2000  }
.Ltmp1:
0x7c: {  	[sflag:s30] =	ssyncset.done $0x0;
	(pc) =	sbr.rel @p0 .LBB2_4-.Ltmp1, $4  }
0x7d: {  	s0 =	sadd.s32 $0x5180, s0;
	[sflag:s30] =	ssyncadd.s32 $0xFFFFE000  }
0x7e: {  	[spmem:s2] =	stream.indirect.scatter.add.f32 [tilespmem:s24], [sflag:$0x7], $0x40, s0, s18, $0xb8;
	[tilespmem:$0x1E000] =	vst v63  }
0x7f: {  	_ =	swait.ge [sflag:s15], $0x2000  }
0x80: {  	s13 =	smov.u32 s21;
	s0 =	sshra.s32 s1, $0x2;
	[sflag:s15] =	ssyncset.done $0x0  }
0x81: {  	s1 =	sadd.s32 $0x180, s0;
	[sflag:s15] =	ssyncadd.s32 $0xFFFFE000  }
0x82: {  	[tilespmem:s24], [sflag:$0x4] =	stream.indirect.gather [hbm4b:s7+s18], $0x40, s1, s18, $0xb8;
	[tilespmem:$0x1E000] =	vst v63  }
0x83: {  	_ =	swait.ge [sflag:s26], $0x2000  }
0x84: {  	[sflag:s26] =	ssyncset.done $0x0  }
0x85: {  	s3 =	sadd.s32 $0x5000, s0;
	[sflag:s26] =	ssyncadd.s32 $0xFFFFE000  }
0x86: {  	[spmem:s2] =	stream.indirect.scatter.add.f32 [tilespmem:s19], [sflag:$0x7], $0x40, s3, s18, $0xb8;
	[tilespmem:$0x1E000] =	vst v63  }
0x87: {  	_ =	swait.ge [sflag:s15], $0x2000  }
0x88: {  	[sflag:s15] =	ssyncset.done $0x0  }
0x89: {  	s13 =	sadd.s32 $0x200, s0;
	[sflag:s15] =	ssyncadd.s32 $0xFFFFE000  }
0x8a: {  	[tilespmem:s19], [sflag:$0x1] =	stream.indirect.gather [hbm4b:s7+s18], $0x40, s13, s18, $0xb8;
	[tilespmem:$0x1E000] =	vst v63  }
0x8b: {  	_ =	swait.ge [sflag:s28], $0x2000  }
0x8c: {  	[sflag:s28] =	ssyncset.done $0x0  }
0x8d: {  	s21 =	sadd.s32 $0x5080, s0;
	[sflag:s28] =	ssyncadd.s32 $0xFFFFE000  }
0x8e: {  	[spmem:s2] =	stream.indirect.scatter.add.f32 [tilespmem:s20], [sflag:$0x7], $0x40, s21, s18, $0xb8;
	[tilespmem:$0x1E000] =	vst v63  }
0x8f: {  	_ =	swait.ge [sflag:s15], $0x2000  }
0x90: {  	[sflag:s15] =	ssyncset.done $0x0  }
0x91: {  	s3 =	sadd.s32 $0x280, s0;
	[sflag:s15] =	ssyncadd.s32 $0xFFFFE000  }
0x92: {  	[tilespmem:s20], [sflag:$0x2] =	stream.indirect.gather [hbm4b:s7+s18], $0x40, s3, s18, $0xb8;
	[tilespmem:$0x1E000] =	vst v63  }
0x93: {  	_ =	swait.ge [sflag:s29], $0x2000  }
0x94: {  	[sflag:s29] =	ssyncset.done $0x0  }
0x95: {  	s13 =	sadd.s32 $0x5100, s0;
	[sflag:s29] =	ssyncadd.s32 $0xFFFFE000  }
0x96: {  	[spmem:s2] =	stream.indirect.scatter.add.f32 [tilespmem:s22], [sflag:$0x7], $0x40, s13, s18, $0xb8;
	[tilespmem:$0x1E000] =	vst v63  }
0x97: {  	_ =	swait.ge [sflag:s15], $0x2000  }
0x98: {  	[sflag:s15] =	ssyncset.done $0x0  }
0x99: {  	s21 =	sadd.s32 $0x300, s0;
	[sflag:s15] =	ssyncadd.s32 $0xFFFFE000  }
0x9a: {  	[tilespmem:s22], [sflag:$0x3] =	stream.indirect.gather [hbm4b:s7+s18], $0x40, s21, s18, $0xb8;
	[tilespmem:$0x1E000] =	vst v63  }
0x9b: {  	_ =	swait.ge [sflag:s30], $0x2000  }
0x9c: {  	[sflag:s30] =	ssyncset.done $0x0  }
0x9d: {  	s3 =	sadd.s32 $0x5180, s0;
	[sflag:s30] =	ssyncadd.s32 $0xFFFFE000  }
0x9e: {  	[spmem:s2] =	stream.indirect.scatter.add.f32 [tilespmem:s24], [sflag:$0x7], $0x40, s3, s18, $0xb8;
	[tilespmem:$0x1E000] =	vst v63  }
0x9f: {  	_ =	swait.ge [sflag:s15], $0x2000  }
0xa0: {  	[sflag:s15] =	ssyncset.done $0x0  }
0xa1: {  	s13 =	simm.s32 $0x4F80;
	[sflag:s15] =	ssyncadd.s32 $0xFFFFE000  }
0xa2: {  	[tilespmem:s24], [sflag:$0x4] =	stream.indirect.gather [hbm4b:s7+s18], $0x40, s13, s18, $0xb8;
	[tilespmem:$0x1E000] =	vst v63  }
0xa3: {  	_ =	swait.ge [sflag:s26], $0x2000  }
0xa4: {  	[sflag:s26] =	ssyncset.done $0x0  }
0xa5: {  	s21 =	simm.s32 $0x9E00;
	[sflag:s26] =	ssyncadd.s32 $0xFFFFE000  }
0xa6: {  	[spmem:s2] =	stream.indirect.scatter.add.f32 [tilespmem:s19], [sflag:$0x7], $0x40, s21, s18, $0xb8;
	[tilespmem:$0x1E000] =	vst v63  }
0xa7: {  	_ =	swait.ge [sflag:s15], $0x2000  }
0xa8: {  	[sflag:s15] =	ssyncset.done $0x0  }
0xa9: {  	[sflag:s15] =	ssyncadd.s32 $0xFFFFE000  }
0xaa: {  	_ =	swait.ge [sflag:s28], $0x2000  }
0xab: {  	[sflag:s28] =	ssyncset.done $0x0  }
0xac: {  	s1 =	simm.s32 $0x9E80;
	[sflag:s28] =	ssyncadd.s32 $0xFFFFE000  }
0xad: {  	[spmem:s2] =	stream.indirect.scatter.add.f32 [tilespmem:s20], [sflag:$0x7], $0x40, s1, s18, $0xb8;
	[tilespmem:$0x1E000] =	vst v63  }
0xae: {  	_ =	swait.ge [sflag:s15], $0x2000  }
0xaf: {  	[sflag:s15] =	ssyncset.done $0x0  }
0xb0: {  	[sflag:s15] =	ssyncadd.s32 $0xFFFFE000  }
0xb1: {  	_ =	swait.ge [sflag:s29], $0x2000  }
0xb2: {  	[sflag:s29] =	ssyncset.done $0x0  }
0xb3: {  	s3 =	simm.s32 $0x9F00;
	[sflag:s29] =	ssyncadd.s32 $0xFFFFE000  }
0xb4: {  	[spmem:s2] =	stream.indirect.scatter.add.f32 [tilespmem:s22], [sflag:$0x7], $0x40, s3, s18, $0xb8;
	[tilespmem:$0x1E000] =	vst v63  }
0xb5: {  	_ =	swait.ge [sflag:s15], $0x2000  }
0xb6: {  	[sflag:s15] =	ssyncset.done $0x0  }
0xb7: {  	[sflag:s15] =	ssyncadd.s32 $0xFFFFE000  }
0xb8: {  	_ =	swait.ge [sflag:s30], $0x2000  }
0xb9: {  	[sflag:s30] =	ssyncset.done $0x0  }
0xba: {  	s13 =	simm.s32 $0x9F80;
	[sflag:s30] =	ssyncadd.s32 $0xFFFFE000  }
0xbb: {  	[spmem:s2] =	stream.indirect.scatter.add.f32 [tilespmem:s24], [sflag:$0x7], $0x40, s13, s18, $0xb8;
	[tilespmem:$0x1E000] =	vst v63  }
0xbc: {  	_ =	swait.ge [sflag:s15], $0x2000  }
0xbd: {  	s31 =	sadd.s32 $0x1, s31;
	s21 =	stileid.u32;
	[sflag:s15] =	ssyncset.done $0x0  }
0xbe: {  	p0 =	sne.s32 s31, s8;
	s0 =	sshll.u32 s21, $0x6;
	[sflag:s15] =	ssyncadd.s32 $0xFFFFE000  }
.Ltmp2:
0xbf: {  	s0 =	sor.u32 $0x1C07, s0;
	[bflag:$0x0] =	sbarrier.arrive $0xFFFF;
	(pc) =	sbr.rel @p0 .LBB2_1-.Ltmp2, $4  }
0xc0: {  	[hbm:s23], [sflag:s0] =	dma.local [spmem:s25], $0x1400  }
0xc1: {  	_ =	swait.ge [sflag:s15], $0x1400  }
0xc2: {  	[sflag:s15] =	ssyncset.done $0x0  }
0xc3: {  	[sflag:s15] =	ssyncadd.s32 $0xFFFFEC00  }
0xc4: {  	_ =	sfence.sel $0x180000  }
0xc5: {  	[bflag:$0x0] =	sbarrier.arrive $0xFFFF  }
0xc6: {  	_ =	strace $0x9000004A  }
0xc7: {  	s0 =	stileid.u32;
	[bflag:$0x2] =	sbarrier.arrive $0xFFFF  }
0xc8: {  	p0 =	sne.s32 s0, $0x0;
	s0 =	rddreg [dreg:$0x3]  }
0xc9: {  	s0 =	sadd.s32 @!p0 $0x100000, s0  }
0xca: {  	[sflag:s0] =	ssyncadd.tile.s32 @!p0 $0x1;
	_ =	shalt  }
.Lfunc_end2:
_tile_overlayer_lowered:
.L_overlay_start_2:
0xcb: {  	(tag) =	ssettag $0x2  }
0xcc: {  	s0 =	rddreg [dreg:$0x0];
	s2 =	stileid.u32  }
0xcd: {  	s1 =	rddreg [dreg:$0x1];
	p0 =	sne.s32 s2, $0x0  }
0xce: {  	s3 =	rddreg [dreg:$0x2];
	[bflag:$0x3] =	sbarrier.arrive $0xFFFF;
	s2 =	simm.s32 @!p0 $0x1C07  }
0xcf: {  	[timem:s3], [sflag:s2] =	dma.local @!p0 [hbm:s0], s1  }
0xd0: {  	s0 =	simm.s32 @!p0 $0x7  }
0xd1: {  	_ =	swait.ge @!p0 [sflag:s0], s1  }
0xd2: {  	s1 =	ssub.s32 @!p0 $0x0, s1;
	[sflag:s0] =	ssyncset.done @!p0 $0x0  }
0xd3: {  	[sflag:s0] =	ssyncadd.s32 @!p0 s1  }
0xd4: {  	[bflag:$0x3] =	sbarrier.arrive $0xFFFF  }
0xd5: {  	_ =	shalt  }

// kernel: kernel.14.cloned.1.call-start
scs
__scs_entry_jumppad:
0x0: {  	(pc) =	sbr.rel $0x88, $3  }
0x1: {  	(tag) =	ssettag $0x0;
	lr =	simm.s32 $0x1  }
0x2: {  	[smem:$0x3F99] =	sst lr;
	_ =	strace $0xD0000000  }
0x3: {  	_ = 	snop  }
0x4: {  	_ = 	snop  }
0x5: {  	_ = 	snop  }
0x6: {  	_ = 	snop  }
0x7: {  	_ = 	snop  }
__scs_overlays_trampoline_lowered:
0x8: {  	[smem:$0x3FA8] =	sst s0  }
0x9: {  	[smem:$0x3FA9] =	sst s1  }
0xa: {  	[smem:$0x3FAA] =	sst s2  }
0xb: {  	[smem:$0x3FAB] =	sst s3  }
0xc: {  	[smem:$0x3FAC] =	sst s4  }
0xd: {  	[smem:$0x3FAD] =	sst s5  }
0xe: {  	[smem:$0x3FAE] =	sst s6  }
0xf: {  	[smem:$0x3FAF] =	sst s7  }
0x10: {  	[smem:$0x3FB0] =	sst s8  }
0x11: {  	[smem:$0x3FB1] =	sst s9;
	s0 =	simm.s32 @!p0 $0x0  }
0x12: {  	s1 =	sld [smem:$0x3F97];
	s0 =	simm.s32 @p0 $0x1  }
0x13: {  	[smem:$0x3FB2] =	sst s0;
	s0 =	simm.s32 @!p1 $0x0  }
0x14: {  	s2 =	sld [smem:$0x3F96];
	s0 =	simm.s32 @p1 $0x1  }
0x15: {  	[smem:$0x3FB3] =	sst s0;
	s0 =	simm.s32 @!p2 $0x0  }
0x16: {  	s3 =	sld [smem:$0x3FDB];
	s0 =	simm.s32 @p2 $0x1  }
0x17: {  	s4 =	simm.s32 $0x1BF5;
	[smem:$0x3FB5] =	sst s0  }
0x18: {  	s0 =	sld [smem:$0x3F98];
	_ =	swait.ge [sflag:s4], $0x0  }
0x19: {  	s7 =	sld [smem:$0x3F99]  }
0x1a: {  	s8 =	sadd.s32 $0xFFFFE003, lr  }
0x1b: {  	s9 =	sadd.s32 $0xFFFFFEF7, lr;
	s5 =	simm.s32 $0xFFFFFFFF;
	p2 =	slt.u32 s8, $0xFFFFF086  }
0x1c: {  	p1 =	slt.u32 s9, $0xF7A;
	s5 =	simm.s32 @!p2 $0x0  }
0x1d: {  	s5 =	simm.s32 @p1 $0x1;
	p0 =	seq.s32 s7, s2  }
0x1e: {  	s7 =	smul.u32 @!p0 $0xF7A, s2;
	p2 =	seq.s32 @!p0 s5, $0x0  }
0x1f: {  	s9 =	smul.u32 $0xF7A, s1;
	s8 =	simm.s32 @!p0 $0x1BF5;
	p2 =	por !p2, p0  }
0x20: {  	[sflag:s8] =	ssyncset.s32 @!p0 $0xFFFFF086;
	s6 =	sadd.s32 @!p0 s3, s7;
	s7 =	simm.s32 @!p0 $0x108  }
0x21: {  	s3 =	sadd.s32 s3, s9;
	s6 =	sadd.s32 @!p0 $0x88, s6;
	s7 =	simm.s32 @p2 $0x1082  }
0x22: {  	[simem:s7], [sflag:s8] =	dma.local @!p0 [hbm:s6], $0xF7A  }
0x23: {  	s9 =	sor.u32 $0xD0000000, s2;
	s6 =	simm.s32 $0x108;
	_ =	swait.ge @!p0 [sflag:s8], $0x0  }
0x24: {  	s3 =	sadd.s32 $0x88, s3;
	s6 =	simm.s32 @!p1 $0x1082;
	[sflag:s4] =	ssyncset.s32 $0xFFFFF086  }
0x25: {  	[simem:s6], [sflag:s4] =	dma.local [hbm:s3], $0xF7A  }
0x26: {  	[smem:$0x3F99] =	sst s1;
	(tag) =	ssettag s2;
	_ =	strace s9  }
0x27: {  	s1 =	sld [smem:$0x3FA9]  }
0x28: {  	s2 =	sld [smem:$0x3FAA]  }
0x29: {  	s4 =	sld [smem:$0x3FAC]  }
0x2a: {  	p0 =	seq.s32 s5, $0x0;
	s5 =	sld [smem:$0x3FAD]  }
0x2b: {  	s6 =	sld [smem:$0x3FAE]  }
0x2c: {  	s7 =	sld [smem:$0x3FAF]  }
0x2d: {  	s3 =	simm.s32 $0x108;
	s8 =	sld [smem:$0x3FB0]  }
0x2e: {  	s3 =	simm.s32 @!p0 $0x1082;
	s9 =	sld [smem:$0x3FB1]  }
0x2f: {  	lr =	sadd.s32 s0, s3;
	s0 =	sld [smem:$0x3FA8]  }
0x30: {  	s3 =	sld [smem:$0x3FAB]  }
0x31: {  	[smem:$0x3FB4] =	sst s10  }
0x32: {  	s10 =	sld [smem:$0x3FB2];
	_ =	sdelay $0x3  }
0x33: {  	p0 =	seq.s32 s10, $0x1;
	s10 =	sld [smem:$0x3FB4];
	_ =	sdelay $0x3  }
0x34: {  	[smem:$0x3FB4] =	sst s10  }
0x35: {  	s10 =	sld [smem:$0x3FB3];
	_ =	sdelay $0x3  }
0x36: {  	p1 =	seq.s32 s10, $0x1;
	s10 =	sld [smem:$0x3FB4];
	_ =	sdelay $0x3  }
0x37: {  	[smem:$0x3FB4] =	sst s10  }
0x38: {  	s10 =	sld [smem:$0x3FB5]  }
0x39: {  	_ = 	snop;
	(pc) =	sbr.ind lr, $3  }
0x3a: {  	_ = 	snop  }
0x3b: {  	_ = 	snop  }
0x3c: {  	p2 =	seq.s32 s10, $0x1;
	s10 =	sld [smem:$0x3FB4]  }
0x3d: {  	_ =	shalt  }
0x3e: {  	_ =	shalt  }
0x3f: {  	_ =	shalt  }
0x40: {  	_ =	shalt  }
0x41: {  	_ =	shalt  }
0x42: {  	_ =	shalt  }
0x43: {  	_ =	shalt  }
0x44: {  	_ =	shalt  }
0x45: {  	_ =	shalt  }
0x46: {  	_ =	shalt  }
0x47: {  	_ =	shalt  }
0x48: {  	_ =	shalt  }
0x49: {  	_ =	shalt  }
0x4a: {  	_ =	shalt  }
0x4b: {  	_ =	shalt  }
0x4c: {  	_ =	shalt  }
0x4d: {  	_ =	shalt  }
0x4e: {  	_ =	shalt  }
0x4f: {  	_ =	shalt  }
0x50: {  	_ =	shalt  }
0x51: {  	_ =	shalt  }
0x52: {  	_ =	shalt  }
0x53: {  	_ =	shalt  }
0x54: {  	_ =	shalt  }
0x55: {  	_ =	shalt  }
0x56: {  	_ =	shalt  }
0x57: {  	_ =	shalt  }
0x58: {  	_ =	shalt  }
0x59: {  	_ =	shalt  }
0x5a: {  	_ =	shalt  }
0x5b: {  	_ =	shalt  }
0x5c: {  	_ =	shalt  }
0x5d: {  	_ =	shalt  }
0x5e: {  	_ =	shalt  }
0x5f: {  	_ =	shalt  }
0x60: {  	_ =	shalt  }
0x61: {  	_ =	shalt  }
0x62: {  	_ =	shalt  }
0x63: {  	_ =	shalt  }
0x64: {  	_ =	shalt  }
0x65: {  	_ =	shalt  }
0x66: {  	_ =	shalt  }
0x67: {  	_ =	shalt  }
0x68: {  	_ =	shalt  }
0x69: {  	_ =	shalt  }
0x6a: {  	_ =	shalt  }
0x6b: {  	_ =	shalt  }
0x6c: {  	_ =	shalt  }
0x6d: {  	_ =	shalt  }
0x6e: {  	_ =	shalt  }
0x6f: {  	_ =	shalt  }
0x70: {  	_ =	shalt  }
0x71: {  	_ =	shalt  }
0x72: {  	_ =	shalt  }
0x73: {  	_ =	shalt  }
0x74: {  	_ =	shalt  }
0x75: {  	_ =	shalt  }
0x76: {  	_ =	shalt  }
0x77: {  	_ =	shalt  }
0x78: {  	_ =	shalt  }
0x79: {  	_ =	shalt  }
0x7a: {  	_ =	shalt  }
0x7b: {  	_ =	shalt  }
0x7c: {  	_ =	shalt  }
0x7d: {  	_ =	shalt  }
0x7e: {  	_ =	shalt  }
0x7f: {  	_ =	shalt  }
0x80: {  	_ =	shalt  }
0x81: {  	_ =	shalt  }
0x82: {  	_ =	shalt  }
0x83: {  	_ =	shalt  }
0x84: {  	_ =	shalt  }
0x85: {  	_ =	shalt  }
0x86: {  	_ =	shalt  }
0x87: {  	_ =	shalt  }
.Lfunc_end0:
.L_simem_size_0:
called_computation.2_lowered:
.L_overlay_start_0:
0x88: {  	s2 =	sld [smem:$0x3FD9]  }
0x89: {  	s3 =	sld [smem:$0x3FFE];
	_ =	sdelay $0x1  }
0x8a: {  	s1 =	srdreg.scid  }
0x8b: {  	s0 =	sand.u32 $0x1, s1  }
0x8c: {  	s17 =	sshll.u32 s0, $0xA;
	s2 =	sadd.s32 s3, s2  }
0x8d: {  	s2 =	sadd.s32 s2, s17  }
0x8e: {  	[smem:$0x3FC0] =	sst s2  }
0x8f: {  	_ = 	snop  }
0x90: {  	s2 =	sld [smem:$0x3FD0];
	(tm) =	ssettm $0x1  }
0x91: {  	s18 =	sld [smem:$0x3FFB];
	_ =	sdelay $0x3  }
0x92: {  	_ =	strace s18  }
0x93: {  	s3 =	sld [smem:$0x3FFC];
	_ =	sdelay $0x3  }
0x94: {  	_ =	strace s3  }
0x95: {  	s3 =	sld [smem:$0x3FFD];
	_ =	sdelay $0x3  }
0x96: {  	_ =	strace s3  }
0x97: {  	_ =	strace $0x8FFFFFFF  }
0x98: {  	s19 =	sld [smem:$0x3FDB];
	_ =	sdelay $0x1  }
0x99: {  	s4 =	simm.s32 $_scs_section_size  }
0x9a: {  	s5 =	simm.s32 $_size__tile_overlayer_lowered;
	s6 =	simm.s32 $_tile_overlayer_lowered  }
0x9b: {  	s22 =	simm.s32 $0x1BFF;
	s21 =	sshll.u32 s6, $0x1;
	s3 =	sadd.s32 s4, s19  }
0x9c: {  	s7 =	simm.s32 $0x0;
	s20 =	sshll.u32 s5, $0x1;
	s5 =	sadd.s32 s21, s3  }
0x9d: {  	[timem:s7], [sflag:s22] =	dma.local [hbm:s5], s20  }
0x9e: {  	_ =	swait.ge [sflag:s22], s20  }
0x9f: {  	s4 =	ssub.s32 $0x0, s20;
	[sflag:s22] =	ssyncset.done $0x0  }
0xa0: {  	[sflag:s22] =	ssyncadd.s32 s4;
	_ =	sdelay $0x1  }
0xa1: {  	s23 =	simm.s32 $0x1B8B  }
0xa2: {  	_ =	swait.ge [sflag:s23], $0x1  }
0xa3: {  	[sflag:s23] =	ssyncset.done $0x0  }
0xa4: {  	s25 =	simm.s32 $0x1B8E;
	s24 =	sld [smem:$0x3FFE];
	[sflag:s23] =	ssyncadd.s32 $0xFFFFFFFF  }
0xa5: {  	s26 =	simm.s32 $execute0_lowered;
	[smem:$0x3FD2] =	sst s25  }
0xa6: {  	s5 =	sshll.u32 s26, $0x1;
	_ =	strace $0x8000004C;
	[dreg:$0x1] =	wrdreg $0xFFFFFFFF  }
0xa7: {  	s28 =	simm.s32 $_size_execute0_lowered;
	s3 =	sadd.s32 s3, s5;
	[dreg:$0x0] =	wrdreg $0x0  }
0xa8: {  	s5 =	sshll.u32 s28, $0x1;
	[dreg:$0x2] =	wrdreg s3  }
0xa9: {  	[dreg:$0x3] =	wrdreg s5  }
0xaa: {  	[dreg:$0x4] =	wrdreg $0xC0  }
0xab: {  	_ =	task [dreg:s7], $0x5FFFF  }
0xac: {  	[dreg:$0x1] =	wrdreg $0xFFFFFFFF  }
0xad: {  	[dreg:$0x0] =	wrdreg $0x60  }
0xae: {  	[dreg:$0x2] =	wrdreg s24  }
0xaf: {  	[dreg:$0x3] =	wrdreg s2  }
0xb0: {  	[dreg:$0x4] =	wrdreg $0x140000  }
0xb1: {  	[dreg:$0x5] =	wrdreg $0x9  }
0xb2: {  	_ =	task.clear_ibuf [dreg:s7], $0x6FFFF;
	_ =	strace $0x9000004C  }
0xb3: {  	s29 =	simm.s32 $0x9;
	_ =	strace $0x8000004E  }
0xb4: {  	_ =	swait.ge [sflag:s29], $0x1  }
0xb5: {  	[sflag:s29] =	ssyncadd.s32 $0xFFFFFFFF  }
0xb6: {  	_ =	strace $0x9000004E  }
0xb7: {  	_ =	sfence  }
0xb8: {  	s30 =	sld [smem:$0x0];
	_ =	sdelay $0x2  }
0xb9: {  	s31 =	sshll.u32 s1, $0xD;
	s1 =	sshrl.u32 s1, $0x2  }
0xba: {  	s3 =	sand.u32 $0x4000, s31;
	s1 =	sadd.s32 s1, s30  }
0xbb: {  	s0 =	sor.u32 s3, s0;
	s1 =	sshll.u32 s1, $0x11  }
0xbc: {  	s0 =	sor.u32 s1, s0  }
0xbd: {  	s0 =	sadd.s32 $0x8F2B, s0  }
0xbe: {  	[sflag:s0] =	ssyncadd.remote.s32 $0x1  }
0xbf: {  	_ =	sfence.sel $0xFFFF  }
0xc0: {  	[dreg:$0x0] =	wrdreg $0xFFFFFFFF;
	(pc) =	sbr.abs _section_cstart, $3  }
0xc1: {  	[dreg:$0x1] =	wrdreg $0xFFFFFFFF  }
0xc2: {  	_ =	task.clear_ibuf [dreg:s7], $0x2FFFF;
	_ =	strace $0x9FFFFFFF  }
0xc3: {  	(tm) =	ssettm $0x7FFFFFFF  }
tec
execute0_lowered:
.L_overlay_start_1:
0x0: {  	(tag) =	ssettag $0x1  }
0x1: {  	s0 =	rddreg [dreg:$0x0]  }
0x2: {  	s1 =	rddreg [dreg:$0x1]  }
0x3: {  	s2 =	rddreg [dreg:$0x2];
	s5 =	simm.s32 $0x0;
	s3 =	stileid.u32  }
0x4: {  	s4 =	srdreg.scid;
	s14 =	simm.s32 $0x12000;
	s15 =	simm.s32 $0x7  }
0x5: {  	s16 =	simm.s32 $0x5;
	s17 =	simm.s32 $0x6;
	s18 =	simm.s32 $0x80  }
0x6: {  	s19 =	simm.s32 $0xA000;
	s20 =	simm.s32 $0xC000;
	s22 =	simm.s32 $0xE000  }
0x7: {  	s28 =	simm.s32 $0x2;
	s29 =	simm.s32 $0x3;
	s23 =	smul.u32 $0xA00, s3  }
0x8: {  	s30 =	simm.s32 $0x4;
	s31 =	simm.s32 $0x0;
	s9 =	smul.u32 $0x28000, s3  }
0x9: {  	[smem:$0x7FF] =	sst s5;
	s4 =	sand.u32 $0x1, s4;
	s25 =	smul.u32 $0xA000, s3  }
0xa: {  	_ =	strace $0x8000004D;
	s6 =	smul.u32 $0x14000, s4;
	s4 =	ssub.s32 $0x2, s4  }
0xb: {  	s7 =	sadd.s32 s23, s0;
	s8 =	sshrl.u32 s4, $0x1;
	s24 =	sshrl.u32 s9, $0x2  }
0xc: {  	s26 =	sshrl.u32 s25, $0x3;
	s13 =	sadd.s32 s25, s2;
	s0 =	sadd.s32 s6, s0  }
0xd: {  	s8 =	ssub.s32 s4, s8;
	s4 =	sadd.s32 s1, s23;
	s5 =	sadd.s32 $0x29200, s7  }
0xe: {  	s6 =	sadd.s32 s24, s2;
	s24 =	simm.s32 $0x10000;
	s25 =	sshrl.u32 s13, $0x3  }
0xf: {  	s7 =	sadd.s32 $0x1200, s0;
	s0 =	sadd.s32 $0x33200, s0;
	s8 =	smax.u32 s8, $0x1  }
0x10: {  	s9 =	sadd.s32 $0x2000, s6;
	s10 =	sadd.s32 $0x4000, s6;
	s11 =	sadd.s32 $0x6000, s6  }
0x11: {  	v0 =	vimm.f32 $0.0e+00;
	s12 =	sadd.s32 $0x8000, s6;
	s23 =	sadd.s32 s26, s0;
	s26 =	simm.s32 $0x1  }
.LBB2_1:
0x12: {  	s0 =	simm.s32 $0x0  }
0x13: {  	[tilespmem:s0], [sflag:$0x5] =	stream.linear.gather [hbm4b:s4+s0], $0x5000, $0x38;
	[tilespmem:$0x1E000] =	vst v63  }
0x14: {  	s1 =	simm.s32 $0x5000  }
0x15: {  	[tilespmem:s1], [sflag:$0x6] =	stream.linear.gather [hbm4b:s5+s0], $0x5000, $0x38;
	[tilespmem:$0x1E000] =	vst v63  }
0x16: {  	s1 =	simm.s32 $0x100;
	s0 =	simm.s32 $0x0  }
.LBB2_2:
0x17: {  	p0 =	sne.s32 s1, $0x7F00;
	[tilespmem:s0+$0x12030] =	vst v0;
	s13 =	smov.u32 s1;
	s1 =	sadd.s32 $0x100, s1  }
.Ltmp0:
0x18: {  	[tilespmem:s0+$0x12020] =	vst v0;
	(pc) =	sbr.rel @p0 .LBB2_2-.Ltmp0, $3  }
0x19: {  	[tilespmem:s0+$0x12000] =	vst v0  }
0x1a: {  	[tilespmem:s0+$0x12010] =	vst v0;
	_ =	sdelay $0x1  }
0x1b: {  	s0 =	sshra.s32 s13, $0x2  }
0x1c: {  	[tilespmem:s0+$0x12030] =	vst v0  }
0x1d: {  	[tilespmem:s0+$0x12020] =	vst v0  }
0x1e: {  	[tilespmem:s0+$0x12000] =	vst v0  }
0x1f: {  	[tilespmem:s0+$0x12010] =	vst v0  }
0x20: {  	[spmem:s6] =	stream.linear.scatter [tilespmem:s14], [sflag:$0x7], $0x2000, $0x38;
	[tilespmem:$0x1E000] =	vst v63  }
0x21: {  	_ =	swait.ge [sflag:s15], $0x2000  }
0x22: {  	[sflag:s15] =	ssyncset.done $0x0  }
0x23: {  	[sflag:s15] =	ssyncadd.s32 $0xFFFFE000  }
0x24: {  	[spmem:s9] =	stream.linear.scatter [tilespmem:s14], [sflag:$0x7], $0x2000, $0x38;
	[tilespmem:$0x1E000] =	vst v63  }
0x25: {  	_ =	swait.ge [sflag:s15], $0x2000  }
0x26: {  	[sflag:s15] =	ssyncset.done $0x0  }
0x27: {  	[sflag:s15] =	ssyncadd.s32 $0xFFFFE000  }
0x28: {  	[spmem:s10] =	stream.linear.scatter [tilespmem:s14], [sflag:$0x7], $0x2000, $0x38;
	[tilespmem:$0x1E000] =	vst v63  }
0x29: {  	_ =	swait.ge [sflag:s15], $0x2000  }
0x2a: {  	[sflag:s15] =	ssyncset.done $0x0  }
0x2b: {  	[sflag:s15] =	ssyncadd.s32 $0xFFFFE000  }
0x2c: {  	[spmem:s11] =	stream.linear.scatter [tilespmem:s14], [sflag:$0x7], $0x2000, $0x38;
	[tilespmem:$0x1E000] =	vst v63  }
0x2d: {  	_ =	swait.ge [sflag:s15], $0x2000  }
0x2e: {  	[sflag:s15] =	ssyncset.done $0x0  }
0x2f: {  	[sflag:s15] =	ssyncadd.s32 $0xFFFFE000  }
0x30: {  	[spmem:s12] =	stream.linear.scatter [tilespmem:s14], [sflag:$0x7], $0x2000, $0x38;
	[tilespmem:$0x1E000] =	vst v63  }
0x31: {  	_ =	swait.ge [sflag:s15], $0x2000  }
0x32: {  	[sflag:s15] =	ssyncset.done $0x0  }
0x33: {  	[sflag:s15] =	ssyncadd.s32 $0xFFFFE000  }
0x34: {  	[bflag:$0x0] =	sbarrier.arrive $0xFFFF  }
0x35: {  	_ =	swait.ge [sflag:s16], $0x5000  }
0x36: {  	[sflag:s16] =	ssyncset.done $0x0  }
0x37: {  	[sflag:s16] =	ssyncadd.s32 $0xFFFFB000  }
0x38: {  	_ =	swait.ge [sflag:s17], $0x5000  }
0x39: {  	[sflag:s17] =	ssyncset.done $0x0  }
0x3a: {  	s13 =	simm.s32 $0x0;
	[sflag:s17] =	ssyncadd.s32 $0xFFFFB000  }
0x3b: {  	[tilespmem:s19], [sflag:$0x1] =	stream.indirect.gather [hbm4b:s7+s18], $0x40, s13, s18, $0xb8;
	[tilespmem:$0x1E000] =	vst v63  }
0x3c: {  	_ = 	snop  }
0x3d: {  	[tilespmem:s20], [sflag:$0x2] =	stream.indirect.gather [hbm4b:s7+s18], $0x40, s18, s18, $0xb8;
	[tilespmem:$0x1E000] =	vst v63  }
0x3e: {  	s21 =	simm.s32 $0x100  }
0x3f: {  	[tilespmem:s22], [sflag:$0x3] =	stream.indirect.gather [hbm4b:s7+s18], $0x40, s21, s18, $0xb8;
	[tilespmem:$0x1E000] =	vst v63  }
0x40: {  	s1 =	simm.s32 $0x180  }
0x41: {  	[tilespmem:s24], [sflag:$0x4] =	stream.indirect.gather [hbm4b:s7+s18], $0x40, s1, s18, $0xb8;
	[tilespmem:$0x1E000] =	vst v63  }
0x42: {  	_ =	swait.ge [sflag:s26], $0x2000  }
0x43: {  	[sflag:s26] =	ssyncset.done $0x0  }
0x44: {  	s3 =	simm.s32 $0x5000;
	[sflag:s26] =	ssyncadd.s32 $0xFFFFE000  }
0x45: {  	[spmem:s2] =	stream.indirect.scatter.add.f32 [tilespmem:s19], [sflag:$0x7], $0x40, s3, s18, $0xb8;
	[tilespmem:$0x1E000] =	vst v63  }
0x46: {  	_ =	swait.ge [sflag:s15], $0x2000  }
0x47: {  	[sflag:s15] =	ssyncset.done $0x0  }
0x48: {  	s13 =	simm.s32 $0x200;
	[sflag:s15] =	ssyncadd.s32 $0xFFFFE000  }
0x49: {  	[tilespmem:s19], [sflag:$0x1] =	stream.indirect.gather [hbm4b:s7+s18], $0x40, s13, s18, $0xb8;
	[tilespmem:$0x1E000] =	vst v63  }
0x4a: {  	_ =	swait.ge [sflag:s28], $0x2000  }
0x4b: {  	[sflag:s28] =	ssyncset.done $0x0  }
0x4c: {  	s21 =	simm.s32 $0x5080;
	[sflag:s28] =	ssyncadd.s32 $0xFFFFE000  }
0x4d: {  	[spmem:s2] =	stream.indirect.scatter.add.f32 [tilespmem:s20], [sflag:$0x7], $0x40, s21, s18, $0xb8;
	[tilespmem:$0x1E000] =	vst v63  }
0x4e: {  	_ =	swait.ge [sflag:s15], $0x2000  }
0x4f: {  	[sflag:s15] =	ssyncset.done $0x0  }
0x50: {  	s1 =	simm.s32 $0x280;
	[sflag:s15] =	ssyncadd.s32 $0xFFFFE000  }
0x51: {  	[tilespmem:s20], [sflag:$0x2] =	stream.indirect.gather [hbm4b:s7+s18], $0x40, s1, s18, $0xb8;
	[tilespmem:$0x1E000] =	vst v63  }
0x52: {  	_ =	swait.ge [sflag:s29], $0x2000  }
0x53: {  	[sflag:s29] =	ssyncset.done $0x0  }
0x54: {  	s3 =	simm.s32 $0x5100;
	[sflag:s29] =	ssyncadd.s32 $0xFFFFE000  }
0x55: {  	[spmem:s2] =	stream.indirect.scatter.add.f32 [tilespmem:s22], [sflag:$0x7], $0x40, s3, s18, $0xb8;
	[tilespmem:$0x1E000] =	vst v63  }
0x56: {  	_ =	swait.ge [sflag:s15], $0x2000  }
0x57: {  	[sflag:s15] =	ssyncset.done $0x0  }
0x58: {  	s13 =	simm.s32 $0x300;
	[sflag:s15] =	ssyncadd.s32 $0xFFFFE000  }
0x59: {  	[tilespmem:s22], [sflag:$0x3] =	stream.indirect.gather [hbm4b:s7+s18], $0x40, s13, s18, $0xb8;
	[tilespmem:$0x1E000] =	vst v63  }
0x5a: {  	_ =	swait.ge [sflag:s30], $0x2000  }
0x5b: {  	[sflag:s30] =	ssyncset.done $0x0  }
0x5c: {  	s21 =	simm.s32 $0x5180;
	[sflag:s30] =	ssyncadd.s32 $0xFFFFE000  }
0x5d: {  	[spmem:s2] =	stream.indirect.scatter.add.f32 [tilespmem:s24], [sflag:$0x7], $0x40, s21, s18, $0xb8;
	[tilespmem:$0x1E000] =	vst v63  }
0x5e: {  	_ =	swait.ge [sflag:s15], $0x2000  }
0x5f: {  	s0 =	simm.s32 $0x200;
	s13 =	simm.s32 $0x1000;
	[sflag:s15] =	ssyncset.done $0x0  }
.LBB2_4:
0x60: {  	s3 =	sadd.s32 $0x180, s0  }
0x61: {  	[sflag:s15] =	ssyncadd.s32 $0xFFFFE000;
	s1 =	smov.u32 s13;
	s21 =	sadd.s32 $0x800, s13  }
0x62: {  	[tilespmem:s24], [sflag:$0x4] =	stream.indirect.gather [hbm4b:s7+s18], $0x40, s3, s18, $0xb8;
	[tilespmem:$0x1E000] =	vst v63  }
0x63: {  	p0 =	sne.s32 s13, $0x13000;
	_ =	swait.ge [sflag:s26], $0x2000  }
0x64: {  	[sflag:s26] =	ssyncset.done $0x0  }
0x65: {  	s3 =	sadd.s32 $0x5000, s0;
	[sflag:s26] =	ssyncadd.s32 $0xFFFFE000  }
0x66: {  	[spmem:s2] =	stream.indirect.scatter.add.f32 [tilespmem:s19], [sflag:$0x7], $0x40, s3, s18, $0xb8;
	[tilespmem:$0x1E000] =	vst v63  }
0x67: {  	_ =	swait.ge [sflag:s15], $0x2000  }
0x68: {  	[sflag:s15] =	ssyncset.done $0x0  }
0x69: {  	s3 =	sadd.s32 $0x200, s0;
	[sflag:s15] =	ssyncadd.s32 $0xFFFFE000  }
0x6a: {  	[tilespmem:s19], [sflag:$0x1] =	stream.indirect.gather [hbm4b:s7+s18], $0x40, s3, s18, $0xb8;
	[tilespmem:$0x1E000] =	vst v63  }
0x6b: {  	_ =	swait.ge [sflag:s28], $0x2000  }
0x6c: {  	[sflag:s28] =	ssyncset.done $0x0  }
0x6d: {  	s3 =	sadd.s32 $0x5080, s0;
	[sflag:s28] =	ssyncadd.s32 $0xFFFFE000  }
0x6e: {  	[spmem:s2] =	stream.indirect.scatter.add.f32 [tilespmem:s20], [sflag:$0x7], $0x40, s3, s18, $0xb8;
	[tilespmem:$0x1E000] =	vst v63  }
0x6f: {  	_ =	swait.ge [sflag:s15], $0x2000  }
0x70: {  	[sflag:s15] =	ssyncset.done $0x0  }
0x71: {  	s3 =	sadd.s32 $0x280, s0;
	[sflag:s15] =	ssyncadd.s32 $0xFFFFE000  }
0x72: {  	[tilespmem:s20], [sflag:$0x2] =	stream.indirect.gather [hbm4b:s7+s18], $0x40, s3, s18, $0xb8;
	[tilespmem:$0x1E000] =	vst v63  }
0x73: {  	_ =	swait.ge [sflag:s29], $0x2000  }
0x74: {  	[sflag:s29] =	ssyncset.done $0x0  }
0x75: {  	s3 =	sadd.s32 $0x5100, s0;
	[sflag:s29] =	ssyncadd.s32 $0xFFFFE000  }
0x76: {  	[spmem:s2] =	stream.indirect.scatter.add.f32 [tilespmem:s22], [sflag:$0x7], $0x40, s3, s18, $0xb8;
	[tilespmem:$0x1E000] =	vst v63  }
0x77: {  	_ =	swait.ge [sflag:s15], $0x2000  }
0x78: {  	[sflag:s15] =	ssyncset.done $0x0  }
0x79: {  	s3 =	sadd.s32 $0x300, s0;
	[sflag:s15] =	ssyncadd.s32 $0xFFFFE000  }
0x7a: {  	[tilespmem:s22], [sflag:$0x3] =	stream.indirect.gather [hbm4b:s7+s18], $0x40, s3, s18, $0xb8;
	[tilespmem:$0x1E000] =	vst v63  }
0x7b: {  	_ =	swait.ge [sflag:s30], $0x2000  }
.Ltmp1:
0x7c: {  	[sflag:s30] =	ssyncset.done $0x0;
	(pc) =	sbr.rel @p0 .LBB2_4-.Ltmp1, $4  }
0x7d: {  	s0 =	sadd.s32 $0x5180, s0;
	[sflag:s30] =	ssyncadd.s32 $0xFFFFE000  }
0x7e: {  	[spmem:s2] =	stream.indirect.scatter.add.f32 [tilespmem:s24], [sflag:$0x7], $0x40, s0, s18, $0xb8;
	[tilespmem:$0x1E000] =	vst v63  }
0x7f: {  	_ =	swait.ge [sflag:s15], $0x2000  }
0x80: {  	s13 =	smov.u32 s21;
	s0 =	sshra.s32 s1, $0x2;
	[sflag:s15] =	ssyncset.done $0x0  }
0x81: {  	s1 =	sadd.s32 $0x180, s0;
	[sflag:s15] =	ssyncadd.s32 $0xFFFFE000  }
0x82: {  	[tilespmem:s24], [sflag:$0x4] =	stream.indirect.gather [hbm4b:s7+s18], $0x40, s1, s18, $0xb8;
	[tilespmem:$0x1E000] =	vst v63  }
0x83: {  	_ =	swait.ge [sflag:s26], $0x2000  }
0x84: {  	[sflag:s26] =	ssyncset.done $0x0  }
0x85: {  	s3 =	sadd.s32 $0x5000, s0;
	[sflag:s26] =	ssyncadd.s32 $0xFFFFE000  }
0x86: {  	[spmem:s2] =	stream.indirect.scatter.add.f32 [tilespmem:s19], [sflag:$0x7], $0x40, s3, s18, $0xb8;
	[tilespmem:$0x1E000] =	vst v63  }
0x87: {  	_ =	swait.ge [sflag:s15], $0x2000  }
0x88: {  	[sflag:s15] =	ssyncset.done $0x0  }
0x89: {  	s13 =	sadd.s32 $0x200, s0;
	[sflag:s15] =	ssyncadd.s32 $0xFFFFE000  }
0x8a: {  	[tilespmem:s19], [sflag:$0x1] =	stream.indirect.gather [hbm4b:s7+s18], $0x40, s13, s18, $0xb8;
	[tilespmem:$0x1E000] =	vst v63  }
0x8b: {  	_ =	swait.ge [sflag:s28], $0x2000  }
0x8c: {  	[sflag:s28] =	ssyncset.done $0x0  }
0x8d: {  	s21 =	sadd.s32 $0x5080, s0;
	[sflag:s28] =	ssyncadd.s32 $0xFFFFE000  }
0x8e: {  	[spmem:s2] =	stream.indirect.scatter.add.f32 [tilespmem:s20], [sflag:$0x7], $0x40, s21, s18, $0xb8;
	[tilespmem:$0x1E000] =	vst v63  }
0x8f: {  	_ =	swait.ge [sflag:s15], $0x2000  }
0x90: {  	[sflag:s15] =	ssyncset.done $0x0  }
0x91: {  	s3 =	sadd.s32 $0x280, s0;
	[sflag:s15] =	ssyncadd.s32 $0xFFFFE000  }
0x92: {  	[tilespmem:s20], [sflag:$0x2] =	stream.indirect.gather [hbm4b:s7+s18], $0x40, s3, s18, $0xb8;
	[tilespmem:$0x1E000] =	vst v63  }
0x93: {  	_ =	swait.ge [sflag:s29], $0x2000  }
0x94: {  	[sflag:s29] =	ssyncset.done $0x0  }
0x95: {  	s13 =	sadd.s32 $0x5100, s0;
	[sflag:s29] =	ssyncadd.s32 $0xFFFFE000  }
0x96: {  	[spmem:s2] =	stream.indirect.scatter.add.f32 [tilespmem:s22], [sflag:$0x7], $0x40, s13, s18, $0xb8;
	[tilespmem:$0x1E000] =	vst v63  }
0x97: {  	_ =	swait.ge [sflag:s15], $0x2000  }
0x98: {  	[sflag:s15] =	ssyncset.done $0x0  }
0x99: {  	s21 =	sadd.s32 $0x300, s0;
	[sflag:s15] =	ssyncadd.s32 $0xFFFFE000  }
0x9a: {  	[tilespmem:s22], [sflag:$0x3] =	stream.indirect.gather [hbm4b:s7+s18], $0x40, s21, s18, $0xb8;
	[tilespmem:$0x1E000] =	vst v63  }
0x9b: {  	_ =	swait.ge [sflag:s30], $0x2000  }
0x9c: {  	[sflag:s30] =	ssyncset.done $0x0  }
0x9d: {  	s3 =	sadd.s32 $0x5180, s0;
	[sflag:s30] =	ssyncadd.s32 $0xFFFFE000  }
0x9e: {  	[spmem:s2] =	stream.indirect.scatter.add.f32 [tilespmem:s24], [sflag:$0x7], $0x40, s3, s18, $0xb8;
	[tilespmem:$0x1E000] =	vst v63  }
0x9f: {  	_ =	swait.ge [sflag:s15], $0x2000  }
0xa0: {  	[sflag:s15] =	ssyncset.done $0x0  }
0xa1: {  	s13 =	simm.s32 $0x4F80;
	[sflag:s15] =	ssyncadd.s32 $0xFFFFE000  }
0xa2: {  	[tilespmem:s24], [sflag:$0x4] =	stream.indirect.gather [hbm4b:s7+s18], $0x40, s13, s18, $0xb8;
	[tilespmem:$0x1E000] =	vst v63  }
0xa3: {  	_ =	swait.ge [sflag:s26], $0x2000  }
0xa4: {  	[sflag:s26] =	ssyncset.done $0x0  }
0xa5: {  	s21 =	simm.s32 $0x9E00;
	[sflag:s26] =	ssyncadd.s32 $0xFFFFE000  }
0xa6: {  	[spmem:s2] =	stream.indirect.scatter.add.f32 [tilespmem:s19], [sflag:$0x7], $0x40, s21, s18, $0xb8;
	[tilespmem:$0x1E000] =	vst v63  }
0xa7: {  	_ =	swait.ge [sflag:s15], $0x2000  }
0xa8: {  	[sflag:s15] =	ssyncset.done $0x0  }
0xa9: {  	[sflag:s15] =	ssyncadd.s32 $0xFFFFE000  }
0xaa: {  	_ =	swait.ge [sflag:s28], $0x2000  }
0xab: {  	[sflag:s28] =	ssyncset.done $0x0  }
0xac: {  	s1 =	simm.s32 $0x9E80;
	[sflag:s28] =	ssyncadd.s32 $0xFFFFE000  }
0xad: {  	[spmem:s2] =	stream.indirect.scatter.add.f32 [tilespmem:s20], [sflag:$0x7], $0x40, s1, s18, $0xb8;
	[tilespmem:$0x1E000] =	vst v63  }
0xae: {  	_ =	swait.ge [sflag:s15], $0x2000  }
0xaf: {  	[sflag:s15] =	ssyncset.done $0x0  }
0xb0: {  	[sflag:s15] =	ssyncadd.s32 $0xFFFFE000  }
0xb1: {  	_ =	swait.ge [sflag:s29], $0x2000  }
0xb2: {  	[sflag:s29] =	ssyncset.done $0x0  }
0xb3: {  	s3 =	simm.s32 $0x9F00;
	[sflag:s29] =	ssyncadd.s32 $0xFFFFE000  }
0xb4: {  	[spmem:s2] =	stream.indirect.scatter.add.f32 [tilespmem:s22], [sflag:$0x7], $0x40, s3, s18, $0xb8;
	[tilespmem:$0x1E000] =	vst v63  }
0xb5: {  	_ =	swait.ge [sflag:s15], $0x2000  }
0xb6: {  	[sflag:s15] =	ssyncset.done $0x0  }
0xb7: {  	[sflag:s15] =	ssyncadd.s32 $0xFFFFE000  }
0xb8: {  	_ =	swait.ge [sflag:s30], $0x2000  }
0xb9: {  	[sflag:s30] =	ssyncset.done $0x0  }
0xba: {  	s13 =	simm.s32 $0x9F80;
	[sflag:s30] =	ssyncadd.s32 $0xFFFFE000  }
0xbb: {  	[spmem:s2] =	stream.indirect.scatter.add.f32 [tilespmem:s24], [sflag:$0x7], $0x40, s13, s18, $0xb8;
	[tilespmem:$0x1E000] =	vst v63  }
0xbc: {  	_ =	swait.ge [sflag:s15], $0x2000  }
0xbd: {  	s31 =	sadd.s32 $0x1, s31;
	s21 =	stileid.u32;
	[sflag:s15] =	ssyncset.done $0x0  }
0xbe: {  	p0 =	sne.s32 s31, s8;
	s0 =	sshll.u32 s21, $0x6;
	[sflag:s15] =	ssyncadd.s32 $0xFFFFE000  }
.Ltmp2:
0xbf: {  	s0 =	sor.u32 $0x1C07, s0;
	[bflag:$0x0] =	sbarrier.arrive $0xFFFF;
	(pc) =	sbr.rel @p0 .LBB2_1-.Ltmp2, $4  }
0xc0: {  	[hbm:s23], [sflag:s0] =	dma.local [spmem:s25], $0x1400  }
0xc1: {  	_ =	swait.ge [sflag:s15], $0x1400  }
0xc2: {  	[sflag:s15] =	ssyncset.done $0x0  }
0xc3: {  	[sflag:s15] =	ssyncadd.s32 $0xFFFFEC00  }
0xc4: {  	_ =	sfence.sel $0x180000  }
0xc5: {  	[bflag:$0x0] =	sbarrier.arrive $0xFFFF  }
0xc6: {  	_ =	strace $0x9000004D  }
0xc7: {  	s0 =	stileid.u32;
	[bflag:$0x2] =	sbarrier.arrive $0xFFFF  }
0xc8: {  	p0 =	sne.s32 s0, $0x0;
	s0 =	rddreg [dreg:$0x3]  }
0xc9: {  	s0 =	sadd.s32 @!p0 $0x100000, s0  }
0xca: {  	[sflag:s0] =	ssyncadd.tile.s32 @!p0 $0x1;
	_ =	shalt  }
.Lfunc_end2:
_tile_overlayer_lowered:
.L_overlay_start_2:
0xcb: {  	(tag) =	ssettag $0x2  }
0xcc: {  	s0 =	rddreg [dreg:$0x0];
	s2 =	stileid.u32  }
0xcd: {  	s1 =	rddreg [dreg:$0x1];
	p0 =	sne.s32 s2, $0x0  }
0xce: {  	s3 =	rddreg [dreg:$0x2];
	[bflag:$0x3] =	sbarrier.arrive $0xFFFF;
	s2 =	simm.s32 @!p0 $0x1C07  }
0xcf: {  	[timem:s3], [sflag:s2] =	dma.local @!p0 [hbm:s0], s1  }
0xd0: {  	s0 =	simm.s32 @!p0 $0x7  }
0xd1: {  	_ =	swait.ge @!p0 [sflag:s0], s1  }
0xd2: {  	s1 =	ssub.s32 @!p0 $0x0, s1;
	[sflag:s0] =	ssyncset.done @!p0 $0x0  }
0xd3: {  	[sflag:s0] =	ssyncadd.s32 @!p0 s1  }
0xd4: {  	[bflag:$0x3] =	sbarrier.arrive $0xFFFF  }
0xd5: {  	_ =	shalt  }

// kernel: kernel.8.cloned.1.call-start
scs
__scs_entry_jumppad:
0x0: {  	(pc) =	sbr.rel $0x88, $3  }
0x1: {  	(tag) =	ssettag $0x0;
	lr =	simm.s32 $0x1  }
0x2: {  	[smem:$0x3F99] =	sst lr;
	_ =	strace $0xD0000000  }
0x3: {  	_ = 	snop  }
0x4: {  	_ = 	snop  }
0x5: {  	_ = 	snop  }
0x6: {  	_ = 	snop  }
0x7: {  	_ = 	snop  }
__scs_overlays_trampoline_lowered:
0x8: {  	[smem:$0x3FA8] =	sst s0  }
0x9: {  	[smem:$0x3FA9] =	sst s1  }
0xa: {  	[smem:$0x3FAA] =	sst s2  }
0xb: {  	[smem:$0x3FAB] =	sst s3  }
0xc: {  	[smem:$0x3FAC] =	sst s4  }
0xd: {  	[smem:$0x3FAD] =	sst s5  }
0xe: {  	[smem:$0x3FAE] =	sst s6  }
0xf: {  	[smem:$0x3FAF] =	sst s7  }
0x10: {  	[smem:$0x3FB0] =	sst s8  }
0x11: {  	[smem:$0x3FB1] =	sst s9;
	s0 =	simm.s32 @!p0 $0x0  }
0x12: {  	s1 =	sld [smem:$0x3F97];
	s0 =	simm.s32 @p0 $0x1  }
0x13: {  	[smem:$0x3FB2] =	sst s0;
	s0 =	simm.s32 @!p1 $0x0  }
0x14: {  	s2 =	sld [smem:$0x3F96];
	s0 =	simm.s32 @p1 $0x1  }
0x15: {  	[smem:$0x3FB3] =	sst s0;
	s0 =	simm.s32 @!p2 $0x0  }
0x16: {  	s3 =	sld [smem:$0x3FDB];
	s0 =	simm.s32 @p2 $0x1  }
0x17: {  	s4 =	simm.s32 $0x1BF5;
	[smem:$0x3FB5] =	sst s0  }
0x18: {  	s0 =	sld [smem:$0x3F98];
	_ =	swait.ge [sflag:s4], $0x0  }
0x19: {  	s7 =	sld [smem:$0x3F99]  }
0x1a: {  	s8 =	sadd.s32 $0xFFFFE003, lr  }
0x1b: {  	s9 =	sadd.s32 $0xFFFFFEF7, lr;
	s5 =	simm.s32 $0xFFFFFFFF;
	p2 =	slt.u32 s8, $0xFFFFF086  }
0x1c: {  	p1 =	slt.u32 s9, $0xF7A;
	s5 =	simm.s32 @!p2 $0x0  }
0x1d: {  	s5 =	simm.s32 @p1 $0x1;
	p0 =	seq.s32 s7, s2  }
0x1e: {  	s7 =	smul.u32 @!p0 $0xF7A, s2;
	p2 =	seq.s32 @!p0 s5, $0x0  }
0x1f: {  	s9 =	smul.u32 $0xF7A, s1;
	s8 =	simm.s32 @!p0 $0x1BF5;
	p2 =	por !p2, p0  }
0x20: {  	[sflag:s8] =	ssyncset.s32 @!p0 $0xFFFFF086;
	s6 =	sadd.s32 @!p0 s3, s7;
	s7 =	simm.s32 @!p0 $0x108  }
0x21: {  	s3 =	sadd.s32 s3, s9;
	s6 =	sadd.s32 @!p0 $0x88, s6;
	s7 =	simm.s32 @p2 $0x1082  }
0x22: {  	[simem:s7], [sflag:s8] =	dma.local @!p0 [hbm:s6], $0xF7A  }
0x23: {  	s9 =	sor.u32 $0xD0000000, s2;
	s6 =	simm.s32 $0x108;
	_ =	swait.ge @!p0 [sflag:s8], $0x0  }
0x24: {  	s3 =	sadd.s32 $0x88, s3;
	s6 =	simm.s32 @!p1 $0x1082;
	[sflag:s4] =	ssyncset.s32 $0xFFFFF086  }
0x25: {  	[simem:s6], [sflag:s4] =	dma.local [hbm:s3], $0xF7A  }
0x26: {  	[smem:$0x3F99] =	sst s1;
	(tag) =	ssettag s2;
	_ =	strace s9  }
0x27: {  	s1 =	sld [smem:$0x3FA9]  }
0x28: {  	s2 =	sld [smem:$0x3FAA]  }
0x29: {  	s4 =	sld [smem:$0x3FAC]  }
0x2a: {  	p0 =	seq.s32 s5, $0x0;
	s5 =	sld [smem:$0x3FAD]  }
0x2b: {  	s6 =	sld [smem:$0x3FAE]  }
0x2c: {  	s7 =	sld [smem:$0x3FAF]  }
0x2d: {  	s3 =	simm.s32 $0x108;
	s8 =	sld [smem:$0x3FB0]  }
0x2e: {  	s3 =	simm.s32 @!p0 $0x1082;
	s9 =	sld [smem:$0x3FB1]  }
0x2f: {  	lr =	sadd.s32 s0, s3;
	s0 =	sld [smem:$0x3FA8]  }
0x30: {  	s3 =	sld [smem:$0x3FAB]  }
0x31: {  	[smem:$0x3FB4] =	sst s10  }
0x32: {  	s10 =	sld [smem:$0x3FB2];
	_ =	sdelay $0x3  }
0x33: {  	p0 =	seq.s32 s10, $0x1;
	s10 =	sld [smem:$0x3FB4];
	_ =	sdelay $0x3  }
0x34: {  	[smem:$0x3FB4] =	sst s10  }
0x35: {  	s10 =	sld [smem:$0x3FB3];
	_ =	sdelay $0x3  }
0x36: {  	p1 =	seq.s32 s10, $0x1;
	s10 =	sld [smem:$0x3FB4];
	_ =	sdelay $0x3  }
0x37: {  	[smem:$0x3FB4] =	sst s10  }
0x38: {  	s10 =	sld [smem:$0x3FB5]  }
0x39: {  	_ = 	snop;
	(pc) =	sbr.ind lr, $3  }
0x3a: {  	_ = 	snop  }
0x3b: {  	_ = 	snop  }
0x3c: {  	p2 =	seq.s32 s10, $0x1;
	s10 =	sld [smem:$0x3FB4]  }
0x3d: {  	_ =	shalt  }
0x3e: {  	_ =	shalt  }
0x3f: {  	_ =	shalt  }
0x40: {  	_ =	shalt  }
0x41: {  	_ =	shalt  }
0x42: {  	_ =	shalt  }
0x43: {  	_ =	shalt  }
0x44: {  	_ =	shalt  }
0x45: {  	_ =	shalt  }
0x46: {  	_ =	shalt  }
0x47: {  	_ =	shalt  }
0x48: {  	_ =	shalt  }
0x49: {  	_ =	shalt  }
0x4a: {  	_ =	shalt  }
0x4b: {  	_ =	shalt  }
0x4c: {  	_ =	shalt  }
0x4d: {  	_ =	shalt  }
0x4e: {  	_ =	shalt  }
0x4f: {  	_ =	shalt  }
0x50: {  	_ =	shalt  }
0x51: {  	_ =	shalt  }
0x52: {  	_ =	shalt  }
0x53: {  	_ =	shalt  }
0x54: {  	_ =	shalt  }
0x55: {  	_ =	shalt  }
0x56: {  	_ =	shalt  }
0x57: {  	_ =	shalt  }
0x58: {  	_ =	shalt  }
0x59: {  	_ =	shalt  }
0x5a: {  	_ =	shalt  }
0x5b: {  	_ =	shalt  }
0x5c: {  	_ =	shalt  }
0x5d: {  	_ =	shalt  }
0x5e: {  	_ =	shalt  }
0x5f: {  	_ =	shalt  }
0x60: {  	_ =	shalt  }
0x61: {  	_ =	shalt  }
0x62: {  	_ =	shalt  }
0x63: {  	_ =	shalt  }
0x64: {  	_ =	shalt  }
0x65: {  	_ =	shalt  }
0x66: {  	_ =	shalt  }
0x67: {  	_ =	shalt  }
0x68: {  	_ =	shalt  }
0x69: {  	_ =	shalt  }
0x6a: {  	_ =	shalt  }
0x6b: {  	_ =	shalt  }
0x6c: {  	_ =	shalt  }
0x6d: {  	_ =	shalt  }
0x6e: {  	_ =	shalt  }
0x6f: {  	_ =	shalt  }
0x70: {  	_ =	shalt  }
0x71: {  	_ =	shalt  }
0x72: {  	_ =	shalt  }
0x73: {  	_ =	shalt  }
0x74: {  	_ =	shalt  }
0x75: {  	_ =	shalt  }
0x76: {  	_ =	shalt  }
0x77: {  	_ =	shalt  }
0x78: {  	_ =	shalt  }
0x79: {  	_ =	shalt  }
0x7a: {  	_ =	shalt  }
0x7b: {  	_ =	shalt  }
0x7c: {  	_ =	shalt  }
0x7d: {  	_ =	shalt  }
0x7e: {  	_ =	shalt  }
0x7f: {  	_ =	shalt  }
0x80: {  	_ =	shalt  }
0x81: {  	_ =	shalt  }
0x82: {  	_ =	shalt  }
0x83: {  	_ =	shalt  }
0x84: {  	_ =	shalt  }
0x85: {  	_ =	shalt  }
0x86: {  	_ =	shalt  }
0x87: {  	_ =	shalt  }
.Lfunc_end0:
.L_simem_size_0:
called_computation_lowered:
.L_overlay_start_0:
0x88: {  	s2 =	sld [smem:$0x3FD9]  }
0x89: {  	s3 =	sld [smem:$0x3FFE];
	_ =	sdelay $0x1  }
0x8a: {  	s1 =	srdreg.scid  }
0x8b: {  	s0 =	sand.u32 $0x1, s1  }
0x8c: {  	s17 =	sshll.u32 s0, $0xA;
	s2 =	sadd.s32 s3, s2  }
0x8d: {  	s2 =	sadd.s32 s2, s17  }
0x8e: {  	[smem:$0x3FC0] =	sst s2  }
0x8f: {  	_ = 	snop  }
0x90: {  	s2 =	sld [smem:$0x3FD0];
	(tm) =	ssettm $0x1  }
0x91: {  	s18 =	sld [smem:$0x3FFB];
	_ =	sdelay $0x3  }
0x92: {  	_ =	strace s18  }
0x93: {  	s3 =	sld [smem:$0x3FFC];
	_ =	sdelay $0x3  }
0x94: {  	_ =	strace s3  }
0x95: {  	s3 =	sld [smem:$0x3FFD];
	_ =	sdelay $0x3  }
0x96: {  	_ =	strace s3  }
0x97: {  	_ =	strace $0x8FFFFFFF  }
0x98: {  	s19 =	sld [smem:$0x3FDB];
	_ =	sdelay $0x1  }
0x99: {  	s4 =	simm.s32 $_scs_section_size  }
0x9a: {  	s5 =	simm.s32 $_size__tile_overlayer_lowered;
	s6 =	simm.s32 $_tile_overlayer_lowered  }
0x9b: {  	s22 =	simm.s32 $0x1BFF;
	s21 =	sshll.u32 s6, $0x1;
	s3 =	sadd.s32 s4, s19  }
0x9c: {  	s7 =	simm.s32 $0x0;
	s20 =	sshll.u32 s5, $0x1;
	s5 =	sadd.s32 s21, s3  }
0x9d: {  	[timem:s7], [sflag:s22] =	dma.local [hbm:s5], s20  }
0x9e: {  	_ =	swait.ge [sflag:s22], s20  }
0x9f: {  	s4 =	ssub.s32 $0x0, s20;
	[sflag:s22] =	ssyncset.done $0x0  }
0xa0: {  	[sflag:s22] =	ssyncadd.s32 s4;
	_ =	sdelay $0x1  }
0xa1: {  	s23 =	simm.s32 $0x1B8B  }
0xa2: {  	_ =	swait.ge [sflag:s23], $0x1  }
0xa3: {  	[sflag:s23] =	ssyncset.done $0x0  }
0xa4: {  	s25 =	simm.s32 $0x1B8E;
	s24 =	sld [smem:$0x3FFE];
	[sflag:s23] =	ssyncadd.s32 $0xFFFFFFFF  }
0xa5: {  	s26 =	simm.s32 $execute0_lowered;
	[smem:$0x3FD2] =	sst s25  }
0xa6: {  	s5 =	sshll.u32 s26, $0x1;
	_ =	strace $0x80000046;
	[dreg:$0x1] =	wrdreg $0xFFFFFFFF  }
0xa7: {  	s28 =	simm.s32 $_size_execute0_lowered;
	s3 =	sadd.s32 s3, s5;
	[dreg:$0x0] =	wrdreg $0x0  }
0xa8: {  	s5 =	sshll.u32 s28, $0x1;
	[dreg:$0x2] =	wrdreg s3  }
0xa9: {  	[dreg:$0x3] =	wrdreg s5  }
0xaa: {  	[dreg:$0x4] =	wrdreg $0xC0  }
0xab: {  	_ =	task [dreg:s7], $0x5FFFF  }
0xac: {  	[dreg:$0x1] =	wrdreg $0xFFFFFFFF  }
0xad: {  	[dreg:$0x0] =	wrdreg $0x60  }
0xae: {  	[dreg:$0x2] =	wrdreg s24  }
0xaf: {  	[dreg:$0x3] =	wrdreg s2  }
0xb0: {  	[dreg:$0x4] =	wrdreg $0x140000  }
0xb1: {  	[dreg:$0x5] =	wrdreg $0x9  }
0xb2: {  	_ =	task.clear_ibuf [dreg:s7], $0x6FFFF;
	_ =	strace $0x90000046  }
0xb3: {  	s29 =	simm.s32 $0x9;
	_ =	strace $0x80000048  }
0xb4: {  	_ =	swait.ge [sflag:s29], $0x1  }
0xb5: {  	[sflag:s29] =	ssyncadd.s32 $0xFFFFFFFF  }
0xb6: {  	_ =	strace $0x90000048  }
0xb7: {  	_ =	sfence  }
0xb8: {  	s30 =	sld [smem:$0x0];
	_ =	sdelay $0x2  }
0xb9: {  	s31 =	sshll.u32 s1, $0xD;
	s1 =	sshrl.u32 s1, $0x2  }
0xba: {  	s3 =	sand.u32 $0x4000, s31;
	s1 =	sadd.s32 s1, s30  }
0xbb: {  	s0 =	sor.u32 s3, s0;
	s1 =	sshll.u32 s1, $0x11  }
0xbc: {  	s0 =	sor.u32 s1, s0  }
0xbd: {  	s0 =	sadd.s32 $0x8F2B, s0  }
0xbe: {  	[sflag:s0] =	ssyncadd.remote.s32 $0x1  }
0xbf: {  	_ =	sfence.sel $0xFFFF  }
0xc0: {  	[dreg:$0x0] =	wrdreg $0xFFFFFFFF;
	(pc) =	sbr.abs _section_cstart, $3  }
0xc1: {  	[dreg:$0x1] =	wrdreg $0xFFFFFFFF  }
0xc2: {  	_ =	task.clear_ibuf [dreg:s7], $0x2FFFF;
	_ =	strace $0x9FFFFFFF  }
0xc3: {  	(tm) =	ssettm $0x7FFFFFFF  }
tec
execute0_lowered:
.L_overlay_start_1:
0x0: {  	(tag) =	ssettag $0x1  }
0x1: {  	s0 =	rddreg [dreg:$0x0]  }
0x2: {  	s1 =	rddreg [dreg:$0x1]  }
0x3: {  	s2 =	rddreg [dreg:$0x2];
	s5 =	simm.s32 $0x0;
	s3 =	stileid.u32  }
0x4: {  	s4 =	srdreg.scid;
	s14 =	simm.s32 $0x12000;
	s15 =	simm.s32 $0x7  }
0x5: {  	s16 =	simm.s32 $0x5;
	s17 =	simm.s32 $0x6;
	s18 =	simm.s32 $0x80  }
0x6: {  	s19 =	simm.s32 $0xA000;
	s20 =	simm.s32 $0xC000;
	s22 =	simm.s32 $0xE000  }
0x7: {  	s28 =	simm.s32 $0x2;
	s29 =	simm.s32 $0x3;
	s23 =	smul.u32 $0xA00, s3  }
0x8: {  	s30 =	simm.s32 $0x4;
	s31 =	simm.s32 $0x0;
	s9 =	smul.u32 $0x28000, s3  }
0x9: {  	[smem:$0x7FF] =	sst s5;
	s4 =	sand.u32 $0x1, s4;
	s25 =	smul.u32 $0xA000, s3  }
0xa: {  	_ =	strace $0x80000047;
	s6 =	smul.u32 $0x14000, s4;
	s4 =	ssub.s32 $0x2, s4  }
0xb: {  	s7 =	sadd.s32 s23, s0;
	s8 =	sshrl.u32 s4, $0x1;
	s24 =	sshrl.u32 s9, $0x2  }
0xc: {  	s26 =	sshrl.u32 s25, $0x3;
	s13 =	sadd.s32 s25, s2;
	s0 =	sadd.s32 s6, s0  }
0xd: {  	s8 =	ssub.s32 s4, s8;
	s4 =	sadd.s32 s1, s23;
	s5 =	sadd.s32 $0x29200, s7  }
0xe: {  	s6 =	sadd.s32 s24, s2;
	s24 =	simm.s32 $0x10000;
	s25 =	sshrl.u32 s13, $0x3  }
0xf: {  	s7 =	sadd.s32 $0x1200, s0;
	s0 =	sadd.s32 $0x33200, s0;
	s8 =	smax.u32 s8, $0x1  }
0x10: {  	s9 =	sadd.s32 $0x2000, s6;
	s10 =	sadd.s32 $0x4000, s6;
	s11 =	sadd.s32 $0x6000, s6  }
0x11: {  	v0 =	vimm.f32 $0.0e+00;
	s12 =	sadd.s32 $0x8000, s6;
	s23 =	sadd.s32 s26, s0;
	s26 =	simm.s32 $0x1  }
.LBB2_1:
0x12: {  	s0 =	simm.s32 $0x0  }
0x13: {  	[tilespmem:s0], [sflag:$0x5] =	stream.linear.gather [hbm4b:s4+s0], $0x5000, $0x38;
	[tilespmem:$0x1E000] =	vst v63  }
0x14: {  	s1 =	simm.s32 $0x5000  }
0x15: {  	[tilespmem:s1], [sflag:$0x6] =	stream.linear.gather [hbm4b:s5+s0], $0x5000, $0x38;
	[tilespmem:$0x1E000] =	vst v63  }
0x16: {  	s1 =	simm.s32 $0x100;
	s0 =	simm.s32 $0x0  }
.LBB2_2:
0x17: {  	p0 =	sne.s32 s1, $0x7F00;
	[tilespmem:s0+$0x12030] =	vst v0;
	s13 =	smov.u32 s1;
	s1 =	sadd.s32 $0x100, s1  }
.Ltmp0:
0x18: {  	[tilespmem:s0+$0x12020] =	vst v0;
	(pc) =	sbr.rel @p0 .LBB2_2-.Ltmp0, $3  }
0x19: {  	[tilespmem:s0+$0x12000] =	vst v0  }
0x1a: {  	[tilespmem:s0+$0x12010] =	vst v0;
	_ =	sdelay $0x1  }
0x1b: {  	s0 =	sshra.s32 s13, $0x2  }
0x1c: {  	[tilespmem:s0+$0x12030] =	vst v0  }
0x1d: {  	[tilespmem:s0+$0x12020] =	vst v0  }
0x1e: {  	[tilespmem:s0+$0x12000] =	vst v0  }
0x1f: {  	[tilespmem:s0+$0x12010] =	vst v0  }
0x20: {  	[spmem:s6] =	stream.linear.scatter [tilespmem:s14], [sflag:$0x7], $0x2000, $0x38;
	[tilespmem:$0x1E000] =	vst v63  }
0x21: {  	_ =	swait.ge [sflag:s15], $0x2000  }
0x22: {  	[sflag:s15] =	ssyncset.done $0x0  }
0x23: {  	[sflag:s15] =	ssyncadd.s32 $0xFFFFE000  }
0x24: {  	[spmem:s9] =	stream.linear.scatter [tilespmem:s14], [sflag:$0x7], $0x2000, $0x38;
	[tilespmem:$0x1E000] =	vst v63  }
0x25: {  	_ =	swait.ge [sflag:s15], $0x2000  }
0x26: {  	[sflag:s15] =	ssyncset.done $0x0  }
0x27: {  	[sflag:s15] =	ssyncadd.s32 $0xFFFFE000  }
0x28: {  	[spmem:s10] =	stream.linear.scatter [tilespmem:s14], [sflag:$0x7], $0x2000, $0x38;
	[tilespmem:$0x1E000] =	vst v63  }
0x29: {  	_ =	swait.ge [sflag:s15], $0x2000  }
0x2a: {  	[sflag:s15] =	ssyncset.done $0x0  }
0x2b: {  	[sflag:s15] =	ssyncadd.s32 $0xFFFFE000  }
0x2c: {  	[spmem:s11] =	stream.linear.scatter [tilespmem:s14], [sflag:$0x7], $0x2000, $0x38;
	[tilespmem:$0x1E000] =	vst v63  }
0x2d: {  	_ =	swait.ge [sflag:s15], $0x2000  }
0x2e: {  	[sflag:s15] =	ssyncset.done $0x0  }
0x2f: {  	[sflag:s15] =	ssyncadd.s32 $0xFFFFE000  }
0x30: {  	[spmem:s12] =	stream.linear.scatter [tilespmem:s14], [sflag:$0x7], $0x2000, $0x38;
	[tilespmem:$0x1E000] =	vst v63  }
0x31: {  	_ =	swait.ge [sflag:s15], $0x2000  }
0x32: {  	[sflag:s15] =	ssyncset.done $0x0  }
0x33: {  	[sflag:s15] =	ssyncadd.s32 $0xFFFFE000  }
0x34: {  	[bflag:$0x0] =	sbarrier.arrive $0xFFFF  }
0x35: {  	_ =	swait.ge [sflag:s16], $0x5000  }
0x36: {  	[sflag:s16] =	ssyncset.done $0x0  }
0x37: {  	[sflag:s16] =	ssyncadd.s32 $0xFFFFB000  }
0x38: {  	_ =	swait.ge [sflag:s17], $0x5000  }
0x39: {  	[sflag:s17] =	ssyncset.done $0x0  }
0x3a: {  	s13 =	simm.s32 $0x0;
	[sflag:s17] =	ssyncadd.s32 $0xFFFFB000  }
0x3b: {  	[tilespmem:s19], [sflag:$0x1] =	stream.indirect.gather [hbm4b:s7+s18], $0x40, s13, s18, $0xb8;
	[tilespmem:$0x1E000] =	vst v63  }
0x3c: {  	_ = 	snop  }
0x3d: {  	[tilespmem:s20], [sflag:$0x2] =	stream.indirect.gather [hbm4b:s7+s18], $0x40, s18, s18, $0xb8;
	[tilespmem:$0x1E000] =	vst v63  }
0x3e: {  	s21 =	simm.s32 $0x100  }
0x3f: {  	[tilespmem:s22], [sflag:$0x3] =	stream.indirect.gather [hbm4b:s7+s18], $0x40, s21, s18, $0xb8;
	[tilespmem:$0x1E000] =	vst v63  }
0x40: {  	s1 =	simm.s32 $0x180  }
0x41: {  	[tilespmem:s24], [sflag:$0x4] =	stream.indirect.gather [hbm4b:s7+s18], $0x40, s1, s18, $0xb8;
	[tilespmem:$0x1E000] =	vst v63  }
0x42: {  	_ =	swait.ge [sflag:s26], $0x2000  }
0x43: {  	[sflag:s26] =	ssyncset.done $0x0  }
0x44: {  	s3 =	simm.s32 $0x5000;
	[sflag:s26] =	ssyncadd.s32 $0xFFFFE000  }
0x45: {  	[spmem:s2] =	stream.indirect.scatter.add.f32 [tilespmem:s19], [sflag:$0x7], $0x40, s3, s18, $0xb8;
	[tilespmem:$0x1E000] =	vst v63  }
0x46: {  	_ =	swait.ge [sflag:s15], $0x2000  }
0x47: {  	[sflag:s15] =	ssyncset.done $0x0  }
0x48: {  	s13 =	simm.s32 $0x200;
	[sflag:s15] =	ssyncadd.s32 $0xFFFFE000  }
0x49: {  	[tilespmem:s19], [sflag:$0x1] =	stream.indirect.gather [hbm4b:s7+s18], $0x40, s13, s18, $0xb8;
	[tilespmem:$0x1E000] =	vst v63  }
0x4a: {  	_ =	swait.ge [sflag:s28], $0x2000  }
0x4b: {  	[sflag:s28] =	ssyncset.done $0x0  }
0x4c: {  	s21 =	simm.s32 $0x5080;
	[sflag:s28] =	ssyncadd.s32 $0xFFFFE000  }
0x4d: {  	[spmem:s2] =	stream.indirect.scatter.add.f32 [tilespmem:s20], [sflag:$0x7], $0x40, s21, s18, $0xb8;
	[tilespmem:$0x1E000] =	vst v63  }
0x4e: {  	_ =	swait.ge [sflag:s15], $0x2000  }
0x4f: {  	[sflag:s15] =	ssyncset.done $0x0  }
0x50: {  	s1 =	simm.s32 $0x280;
	[sflag:s15] =	ssyncadd.s32 $0xFFFFE000  }
0x51: {  	[tilespmem:s20], [sflag:$0x2] =	stream.indirect.gather [hbm4b:s7+s18], $0x40, s1, s18, $0xb8;
	[tilespmem:$0x1E000] =	vst v63  }
0x52: {  	_ =	swait.ge [sflag:s29], $0x2000  }
0x53: {  	[sflag:s29] =	ssyncset.done $0x0  }
0x54: {  	s3 =	simm.s32 $0x5100;
	[sflag:s29] =	ssyncadd.s32 $0xFFFFE000  }
0x55: {  	[spmem:s2] =	stream.indirect.scatter.add.f32 [tilespmem:s22], [sflag:$0x7], $0x40, s3, s18, $0xb8;
	[tilespmem:$0x1E000] =	vst v63  }
0x56: {  	_ =	swait.ge [sflag:s15], $0x2000  }
0x57: {  	[sflag:s15] =	ssyncset.done $0x0  }
0x58: {  	s13 =	simm.s32 $0x300;
	[sflag:s15] =	ssyncadd.s32 $0xFFFFE000  }
0x59: {  	[tilespmem:s22], [sflag:$0x3] =	stream.indirect.gather [hbm4b:s7+s18], $0x40, s13, s18, $0xb8;
	[tilespmem:$0x1E000] =	vst v63  }
0x5a: {  	_ =	swait.ge [sflag:s30], $0x2000  }
0x5b: {  	[sflag:s30] =	ssyncset.done $0x0  }
0x5c: {  	s21 =	simm.s32 $0x5180;
	[sflag:s30] =	ssyncadd.s32 $0xFFFFE000  }
0x5d: {  	[spmem:s2] =	stream.indirect.scatter.add.f32 [tilespmem:s24], [sflag:$0x7], $0x40, s21, s18, $0xb8;
	[tilespmem:$0x1E000] =	vst v63  }
0x5e: {  	_ =	swait.ge [sflag:s15], $0x2000  }
0x5f: {  	s0 =	simm.s32 $0x200;
	s13 =	simm.s32 $0x1000;
	[sflag:s15] =	ssyncset.done $0x0  }
.LBB2_4:
0x60: {  	s3 =	sadd.s32 $0x180, s0  }
0x61: {  	[sflag:s15] =	ssyncadd.s32 $0xFFFFE000;
	s1 =	smov.u32 s13;
	s21 =	sadd.s32 $0x800, s13  }
0x62: {  	[tilespmem:s24], [sflag:$0x4] =	stream.indirect.gather [hbm4b:s7+s18], $0x40, s3, s18, $0xb8;
	[tilespmem:$0x1E000] =	vst v63  }
0x63: {  	p0 =	sne.s32 s13, $0x13000;
	_ =	swait.ge [sflag:s26], $0x2000  }
0x64: {  	[sflag:s26] =	ssyncset.done $0x0  }
0x65: {  	s3 =	sadd.s32 $0x5000, s0;
	[sflag:s26] =	ssyncadd.s32 $0xFFFFE000  }
0x66: {  	[spmem:s2] =	stream.indirect.scatter.add.f32 [tilespmem:s19], [sflag:$0x7], $0x40, s3, s18, $0xb8;
	[tilespmem:$0x1E000] =	vst v63  }
0x67: {  	_ =	swait.ge [sflag:s15], $0x2000  }
0x68: {  	[sflag:s15] =	ssyncset.done $0x0  }
0x69: {  	s3 =	sadd.s32 $0x200, s0;
	[sflag:s15] =	ssyncadd.s32 $0xFFFFE000  }
0x6a: {  	[tilespmem:s19], [sflag:$0x1] =	stream.indirect.gather [hbm4b:s7+s18], $0x40, s3, s18, $0xb8;
	[tilespmem:$0x1E000] =	vst v63  }
0x6b: {  	_ =	swait.ge [sflag:s28], $0x2000  }
0x6c: {  	[sflag:s28] =	ssyncset.done $0x0  }
0x6d: {  	s3 =	sadd.s32 $0x5080, s0;
	[sflag:s28] =	ssyncadd.s32 $0xFFFFE000  }
0x6e: {  	[spmem:s2] =	stream.indirect.scatter.add.f32 [tilespmem:s20], [sflag:$0x7], $0x40, s3, s18, $0xb8;
	[tilespmem:$0x1E000] =	vst v63  }
0x6f: {  	_ =	swait.ge [sflag:s15], $0x2000  }
0x70: {  	[sflag:s15] =	ssyncset.done $0x0  }
0x71: {  	s3 =	sadd.s32 $0x280, s0;
	[sflag:s15] =	ssyncadd.s32 $0xFFFFE000  }
0x72: {  	[tilespmem:s20], [sflag:$0x2] =	stream.indirect.gather [hbm4b:s7+s18], $0x40, s3, s18, $0xb8;
	[tilespmem:$0x1E000] =	vst v63  }
0x73: {  	_ =	swait.ge [sflag:s29], $0x2000  }
0x74: {  	[sflag:s29] =	ssyncset.done $0x0  }
0x75: {  	s3 =	sadd.s32 $0x5100, s0;
	[sflag:s29] =	ssyncadd.s32 $0xFFFFE000  }
0x76: {  	[spmem:s2] =	stream.indirect.scatter.add.f32 [tilespmem:s22], [sflag:$0x7], $0x40, s3, s18, $0xb8;
	[tilespmem:$0x1E000] =	vst v63  }
0x77: {  	_ =	swait.ge [sflag:s15], $0x2000  }
0x78: {  	[sflag:s15] =	ssyncset.done $0x0  }
0x79: {  	s3 =	sadd.s32 $0x300, s0;
	[sflag:s15] =	ssyncadd.s32 $0xFFFFE000  }
0x7a: {  	[tilespmem:s22], [sflag:$0x3] =	stream.indirect.gather [hbm4b:s7+s18], $0x40, s3, s18, $0xb8;
	[tilespmem:$0x1E000] =	vst v63  }
0x7b: {  	_ =	swait.ge [sflag:s30], $0x2000  }
.Ltmp1:
0x7c: {  	[sflag:s30] =	ssyncset.done $0x0;
	(pc) =	sbr.rel @p0 .LBB2_4-.Ltmp1, $4  }
0x7d: {  	s0 =	sadd.s32 $0x5180, s0;
	[sflag:s30] =	ssyncadd.s32 $0xFFFFE000  }
0x7e: {  	[spmem:s2] =	stream.indirect.scatter.add.f32 [tilespmem:s24], [sflag:$0x7], $0x40, s0, s18, $0xb8;
	[tilespmem:$0x1E000] =	vst v63  }
0x7f: {  	_ =	swait.ge [sflag:s15], $0x2000  }
0x80: {  	s13 =	smov.u32 s21;
	s0 =	sshra.s32 s1, $0x2;
	[sflag:s15] =	ssyncset.done $0x0  }
0x81: {  	s1 =	sadd.s32 $0x180, s0;
	[sflag:s15] =	ssyncadd.s32 $0xFFFFE000  }
0x82: {  	[tilespmem:s24], [sflag:$0x4] =	stream.indirect.gather [hbm4b:s7+s18], $0x40, s1, s18, $0xb8;
	[tilespmem:$0x1E000] =	vst v63  }
0x83: {  	_ =	swait.ge [sflag:s26], $0x2000  }
0x84: {  	[sflag:s26] =	ssyncset.done $0x0  }
0x85: {  	s3 =	sadd.s32 $0x5000, s0;
	[sflag:s26] =	ssyncadd.s32 $0xFFFFE000  }
0x86: {  	[spmem:s2] =	stream.indirect.scatter.add.f32 [tilespmem:s19], [sflag:$0x7], $0x40, s3, s18, $0xb8;
	[tilespmem:$0x1E000] =	vst v63  }
0x87: {  	_ =	swait.ge [sflag:s15], $0x2000  }
0x88: {  	[sflag:s15] =	ssyncset.done $0x0  }
0x89: {  	s13 =	sadd.s32 $0x200, s0;
	[sflag:s15] =	ssyncadd.s32 $0xFFFFE000  }
0x8a: {  	[tilespmem:s19], [sflag:$0x1] =	stream.indirect.gather [hbm4b:s7+s18], $0x40, s13, s18, $0xb8;
	[tilespmem:$0x1E000] =	vst v63  }
0x8b: {  	_ =	swait.ge [sflag:s28], $0x2000  }
0x8c: {  	[sflag:s28] =	ssyncset.done $0x0  }
0x8d: {  	s21 =	sadd.s32 $0x5080, s0;
	[sflag:s28] =	ssyncadd.s32 $0xFFFFE000  }
0x8e: {  	[spmem:s2] =	stream.indirect.scatter.add.f32 [tilespmem:s20], [sflag:$0x7], $0x40, s21, s18, $0xb8;
	[tilespmem:$0x1E000] =	vst v63  }
0x8f: {  	_ =	swait.ge [sflag:s15], $0x2000  }
0x90: {  	[sflag:s15] =	ssyncset.done $0x0  }
0x91: {  	s3 =	sadd.s32 $0x280, s0;
	[sflag:s15] =	ssyncadd.s32 $0xFFFFE000  }
0x92: {  	[tilespmem:s20], [sflag:$0x2] =	stream.indirect.gather [hbm4b:s7+s18], $0x40, s3, s18, $0xb8;
	[tilespmem:$0x1E000] =	vst v63  }
0x93: {  	_ =	swait.ge [sflag:s29], $0x2000  }
0x94: {  	[sflag:s29] =	ssyncset.done $0x0  }
0x95: {  	s13 =	sadd.s32 $0x5100, s0;
	[sflag:s29] =	ssyncadd.s32 $0xFFFFE000  }
0x96: {  	[spmem:s2] =	stream.indirect.scatter.add.f32 [tilespmem:s22], [sflag:$0x7], $0x40, s13, s18, $0xb8;
	[tilespmem:$0x1E000] =	vst v63  }
0x97: {  	_ =	swait.ge [sflag:s15], $0x2000  }
0x98: {  	[sflag:s15] =	ssyncset.done $0x0  }
0x99: {  	s21 =	sadd.s32 $0x300, s0;
	[sflag:s15] =	ssyncadd.s32 $0xFFFFE000  }
0x9a: {  	[tilespmem:s22], [sflag:$0x3] =	stream.indirect.gather [hbm4b:s7+s18], $0x40, s21, s18, $0xb8;
	[tilespmem:$0x1E000] =	vst v63  }
0x9b: {  	_ =	swait.ge [sflag:s30], $0x2000  }
0x9c: {  	[sflag:s30] =	ssyncset.done $0x0  }
0x9d: {  	s3 =	sadd.s32 $0x5180, s0;
	[sflag:s30] =	ssyncadd.s32 $0xFFFFE000  }
0x9e: {  	[spmem:s2] =	stream.indirect.scatter.add.f32 [tilespmem:s24], [sflag:$0x7], $0x40, s3, s18, $0xb8;
	[tilespmem:$0x1E000] =	vst v63  }
0x9f: {  	_ =	swait.ge [sflag:s15], $0x2000  }
0xa0: {  	[sflag:s15] =	ssyncset.done $0x0  }
0xa1: {  	s13 =	simm.s32 $0x4F80;
	[sflag:s15] =	ssyncadd.s32 $0xFFFFE000  }
0xa2: {  	[tilespmem:s24], [sflag:$0x4] =	stream.indirect.gather [hbm4b:s7+s18], $0x40, s13, s18, $0xb8;
	[tilespmem:$0x1E000] =	vst v63  }
0xa3: {  	_ =	swait.ge [sflag:s26], $0x2000  }
0xa4: {  	[sflag:s26] =	ssyncset.done $0x0  }
0xa5: {  	s21 =	simm.s32 $0x9E00;
	[sflag:s26] =	ssyncadd.s32 $0xFFFFE000  }
0xa6: {  	[spmem:s2] =	stream.indirect.scatter.add.f32 [tilespmem:s19], [sflag:$0x7], $0x40, s21, s18, $0xb8;
	[tilespmem:$0x1E000] =	vst v63  }
0xa7: {  	_ =	swait.ge [sflag:s15], $0x2000  }
0xa8: {  	[sflag:s15] =	ssyncset.done $0x0  }
0xa9: {  	[sflag:s15] =	ssyncadd.s32 $0xFFFFE000  }
0xaa: {  	_ =	swait.ge [sflag:s28], $0x2000  }
0xab: {  	[sflag:s28] =	ssyncset.done $0x0  }
0xac: {  	s1 =	simm.s32 $0x9E80;
	[sflag:s28] =	ssyncadd.s32 $0xFFFFE000  }
0xad: {  	[spmem:s2] =	stream.indirect.scatter.add.f32 [tilespmem:s20], [sflag:$0x7], $0x40, s1, s18, $0xb8;
	[tilespmem:$0x1E000] =	vst v63  }
0xae: {  	_ =	swait.ge [sflag:s15], $0x2000  }
0xaf: {  	[sflag:s15] =	ssyncset.done $0x0  }
0xb0: {  	[sflag:s15] =	ssyncadd.s32 $0xFFFFE000  }
0xb1: {  	_ =	swait.ge [sflag:s29], $0x2000  }
0xb2: {  	[sflag:s29] =	ssyncset.done $0x0  }
0xb3: {  	s3 =	simm.s32 $0x9F00;
	[sflag:s29] =	ssyncadd.s32 $0xFFFFE000  }
0xb4: {  	[spmem:s2] =	stream.indirect.scatter.add.f32 [tilespmem:s22], [sflag:$0x7], $0x40, s3, s18, $0xb8;
	[tilespmem:$0x1E000] =	vst v63  }
0xb5: {  	_ =	swait.ge [sflag:s15], $0x2000  }
0xb6: {  	[sflag:s15] =	ssyncset.done $0x0  }
0xb7: {  	[sflag:s15] =	ssyncadd.s32 $0xFFFFE000  }
0xb8: {  	_ =	swait.ge [sflag:s30], $0x2000  }
0xb9: {  	[sflag:s30] =	ssyncset.done $0x0  }
0xba: {  	s13 =	simm.s32 $0x9F80;
	[sflag:s30] =	ssyncadd.s32 $0xFFFFE000  }
0xbb: {  	[spmem:s2] =	stream.indirect.scatter.add.f32 [tilespmem:s24], [sflag:$0x7], $0x40, s13, s18, $0xb8;
	[tilespmem:$0x1E000] =	vst v63  }
0xbc: {  	_ =	swait.ge [sflag:s15], $0x2000  }
0xbd: {  	s31 =	sadd.s32 $0x1, s31;
	s21 =	stileid.u32;
	[sflag:s15] =	ssyncset.done $0x0  }
0xbe: {  	p0 =	sne.s32 s31, s8;
	s0 =	sshll.u32 s21, $0x6;
	[sflag:s15] =	ssyncadd.s32 $0xFFFFE000  }
.Ltmp2:
0xbf: {  	s0 =	sor.u32 $0x1C07, s0;
	[bflag:$0x0] =	sbarrier.arrive $0xFFFF;
	(pc) =	sbr.rel @p0 .LBB2_1-.Ltmp2, $4  }
0xc0: {  	[hbm:s23], [sflag:s0] =	dma.local [spmem:s25], $0x1400  }
0xc1: {  	_ =	swait.ge [sflag:s15], $0x1400  }
0xc2: {  	[sflag:s15] =	ssyncset.done $0x0  }
0xc3: {  	[sflag:s15] =	ssyncadd.s32 $0xFFFFEC00  }
0xc4: {  	_ =	sfence.sel $0x180000  }
0xc5: {  	[bflag:$0x0] =	sbarrier.arrive $0xFFFF  }
0xc6: {  	_ =	strace $0x90000047  }
0xc7: {  	s0 =	stileid.u32;
	[bflag:$0x2] =	sbarrier.arrive $0xFFFF  }
0xc8: {  	p0 =	sne.s32 s0, $0x0;
	s0 =	rddreg [dreg:$0x3]  }
0xc9: {  	s0 =	sadd.s32 @!p0 $0x100000, s0  }
0xca: {  	[sflag:s0] =	ssyncadd.tile.s32 @!p0 $0x1;
	_ =	shalt  }
.Lfunc_end2:
_tile_overlayer_lowered:
.L_overlay_start_2:
0xcb: {  	(tag) =	ssettag $0x2  }
0xcc: {  	s0 =	rddreg [dreg:$0x0];
	s2 =	stileid.u32  }
0xcd: {  	s1 =	rddreg [dreg:$0x1];
	p0 =	sne.s32 s2, $0x0  }
0xce: {  	s3 =	rddreg [dreg:$0x2];
	[bflag:$0x3] =	sbarrier.arrive $0xFFFF;
	s2 =	simm.s32 @!p0 $0x1C07  }
0xcf: {  	[timem:s3], [sflag:s2] =	dma.local @!p0 [hbm:s0], s1  }
0xd0: {  	s0 =	simm.s32 @!p0 $0x7  }
0xd1: {  	_ =	swait.ge @!p0 [sflag:s0], s1  }
0xd2: {  	s1 =	ssub.s32 @!p0 $0x0, s1;
	[sflag:s0] =	ssyncset.done @!p0 $0x0  }
0xd3: {  	[sflag:s0] =	ssyncadd.s32 @!p0 s1  }
0xd4: {  	[bflag:$0x3] =	sbarrier.arrive $0xFFFF  }
0xd5: {  	_ =	shalt  }

</sc_bundles>
